<compile_context>
chip_gen: v7x
topology: tpu7x:2x2x1
jax: 0.10.2.dev20260603
libtpu: 0.0.44.dev20260713+nightly
codegen_flags: <defaults>
</compile_context>

<pallas_src>
import functools

import jax
import jax.numpy as jnp
from jax import lax
from jax.experimental import pallas as pl
from jax.experimental.pallas import tpu as pltpu
from jax.experimental.pallas import tpu_sc as plsc

VOCAB = 100000
HIDDEN = 128
OUT = 1000
B = 4096
L = 50

NC = 2
NS = 16
LANES = 16
NW = NC * NS
B_PER_W = B // NW
NVEC = HIDDEN // LANES
NBUF = 8


def _bag_body(idx_hbm, table_hbm, out_hbm, idx_v, rows_v, pool_v, *sems):
    wid = lax.axis_index("s") * NC + lax.axis_index("c")

    pltpu.sync_copy(idx_hbm.at[pl.ds(wid * B_PER_W, B_PER_W)], idx_v)

    def start_gather(s, buf):
        pltpu.async_copy(table_hbm.at[idx_v.at[s]], rows_v.at[buf], sems[buf])

    def wait_gather(s, buf):
        pltpu.make_async_copy(table_hbm.at[idx_v.at[s]], rows_v.at[buf],
                              sems[buf]).wait()

    for b in range(NBUF - 1):
        start_gather(b, b)

    def accum_sample(s, buf):
        def row_body(l, accs):
            new = list(accs)
            for u in range(2):
                r = 2 * l + u
                for h in range(NVEC):
                    new[h] = new[h] + rows_v[buf, r, pl.ds(h * LANES, LANES)]
            return tuple(new)

        zeros = tuple(jnp.zeros((LANES,), jnp.float32) for _ in range(NVEC))
        accs = lax.fori_loop(0, L // 2, row_body, zeros)
        for h in range(NVEC):
            pool_v[s, pl.ds(h * LANES, LANES)] = accs[h]

    def outer(jj, carry):
        for b in range(NBUF):
            s = jj * NBUF + b
            wait_gather(s, b)

            @pl.when(s + NBUF - 1 < B_PER_W)
            def _():
                start_gather(s + NBUF - 1, (b + NBUF - 1) % NBUF)

            accum_sample(s, b)
        return carry

    lax.fori_loop(0, B_PER_W // NBUF, outer, 0)

    pltpu.sync_copy(pool_v, out_hbm.at[pl.ds(wid * B_PER_W, B_PER_W)])


_bag = functools.partial(
    pl.kernel,
    out_type=jax.ShapeDtypeStruct((B, HIDDEN), jnp.float32),
    mesh=plsc.VectorSubcoreMesh(core_axis_name="c", subcore_axis_name="s"),
    scratch_types=[
        pltpu.VMEM((B_PER_W, L), jnp.int32),
        pltpu.VMEM((NBUF, L, HIDDEN), jnp.float32),
        pltpu.VMEM((B_PER_W, HIDDEN), jnp.float32),
    ] + [pltpu.SemaphoreType.DMA] * NBUF,
)(_bag_body)


def _mm_body(wt_ref, x_ref, b_ref, o_ref):
    o_ref[...] = (
        lax.dot_general(wt_ref[...], x_ref[...],
                        dimension_numbers=(((1,), (1,)), ((), ())),
                        preferred_element_type=jnp.float32)
        * (1.0 / L)
        + b_ref[...])


def _matmul_t(pooled, fc_wt, fc_b2):
    bn = 200
    return pl.pallas_call(
        _mm_body,
        grid=(OUT // bn,),
        in_specs=[
            pl.BlockSpec((bn, HIDDEN), lambda i: (i, 0)),
            pl.BlockSpec((B, HIDDEN), lambda i: (0, 0)),
            pl.BlockSpec((bn, 1), lambda i: (i, 0)),
        ],
        out_specs=pl.BlockSpec((bn, B), lambda i: (i, 0)),
        out_shape=jax.ShapeDtypeStruct((OUT, B), jnp.float32),
    )(fc_wt, pooled, fc_b2)


def kernel(x, emb_table, fc_w, fc_b):
    pooled = _bag(x.astype(jnp.int32), emb_table)
    out_t = _matmul_t(pooled, fc_w.T, fc_b.reshape(OUT, 1))
    return out_t.T

# --- scband reference (transcript-rebuilt; emitter-appended) ---
"""Pipeline reference for scband-fast-text-62354335203343 (READ-ONLY COPY).

The authoritative reference and input builder live on the scoring server;
editing this copy changes nothing except your own understanding.
"""

import jax, jax.numpy as jnp
import numpy as np

VOCAB = 100000
HIDDEN = 128
OUT = 1000
B = 4096
L = 50

def setup_inputs(seed: int = 0) -> dict:
    key = jax.random.key(seed)
    k1, k2, k3 = jax.random.split(key, 3)
    x = jax.random.randint(k1, (B, L), 0, VOCAB, dtype=jnp.int64 if jax.config.jax_enable_x64 else jnp.int32)
    emb_table = jax.random.normal(k2, (VOCAB, HIDDEN), dtype=jnp.float32) * 0.02
    fc_w = jax.random.normal(k3, (HIDDEN, OUT), dtype=jnp.float32) * 0.02
    fc_b = jnp.zeros((OUT,), dtype=jnp.float32)
    return {"x": x, "emb_table": emb_table, "fc_w": fc_w, "fc_b": fc_b}

def reference(x, emb_table, fc_w, fc_b):
    # embedding lookup: [B, L] -> [B, L, H]
    e = jnp.take(emb_table, x, axis=0)
    # F.avg_pool2d(x, (L, 1)).squeeze(1) == mean over the sequence dim
    pooled = jnp.mean(e, axis=1)
    # linear layer
    return pooled @ fc_w + fc_b

if __name__ == "__main__":
    import jax
    _d = setup_inputs()
    print(jax.jit(kernel)(*tuple(_d.values())))

</pallas_src>

<mosaic_0001>
#map = affine_map<(d0, d1) -> (0, 0)>
module attributes {stable_mosaic.version = 14 : i64} {
  func.func @_bag_body(%arg0: i32, %arg1: i32, %arg2: memref<4096x50xi32, #tpu.memory_space<hbm>>, %arg3: memref<100000x128xf32, #tpu.memory_space<hbm>>, %arg4: memref<4096x128xf32, #tpu.memory_space<hbm>>, %arg5: memref<128x50xi32, #tpu.memory_space<vmem>>, %arg6: memref<8x50x128xf32, #tpu.memory_space<vmem>>, %arg7: memref<128x128xf32, #tpu.memory_space<vmem>>, %arg8: memref<!tpu.dma_semaphore, #tpu.memory_space<semaphore_mem>>, %arg9: memref<!tpu.dma_semaphore, #tpu.memory_space<semaphore_mem>>, %arg10: memref<!tpu.dma_semaphore, #tpu.memory_space<semaphore_mem>>, %arg11: memref<!tpu.dma_semaphore, #tpu.memory_space<semaphore_mem>>, %arg12: memref<!tpu.dma_semaphore, #tpu.memory_space<semaphore_mem>>, %arg13: memref<!tpu.dma_semaphore, #tpu.memory_space<semaphore_mem>>, %arg14: memref<!tpu.dma_semaphore, #tpu.memory_space<semaphore_mem>>, %arg15: memref<!tpu.dma_semaphore, #tpu.memory_space<semaphore_mem>>) attributes {dimension_semantics = [#tpu.dimension_semantics<core_parallel>, #tpu.dimension_semantics<subcore_parallel>], iteration_bounds = array<i64: 2, 16>, scalar_prefetch = 0 : i64, scratch_operands = 11 : i64, tpu.core_type = #tpu.core_type<sc_vector_subcore>, window_params = [{transform_indices = #map}, {transform_indices = #map}, {transform_indices = #map}]} {
    %mul3A = arith.constant 2 : i32
    %mul3A_0 = arith.muli %arg1, %mul3A : i32
    %add3A = arith.addi %mul3A_0, %arg0 : i32
    %mul3A_1 = arith.constant 128 : i32
    %mul3A_2 = arith.muli %add3A, %mul3A_1 : i32
    "tpu.region"() ({
      %run_scoped3A = tpu.sem_alloc : memref<!tpu.dma_semaphore, #tpu.memory_space<semaphore_mem>>
      %dma_start3A_93 = arith.constant 0 : i32
      %dma_start3A_94 = tpu.memref_slice %arg2[%mul3A_2, %dma_start3A_93] : memref<4096x50xi32, #tpu.memory_space<hbm>> -> memref<128x50xi32, #tpu.memory_space<hbm>>
      %dma_start3A_95 = arith.constant 0 : i32
      %dma_start3A_96 = tpu.memref_slice %arg2[%mul3A_2, %dma_start3A_95] : memref<4096x50xi32, #tpu.memory_space<hbm>> -> memref<128x50xi32, #tpu.memory_space<hbm>>
      tpu.enqueue_dma source(%dma_start3A_96 : memref<128x50xi32, #tpu.memory_space<hbm>>) target(%arg5 : memref<128x50xi32, #tpu.memory_space<vmem>>) target_semaphore(%run_scoped3A : memref<!tpu.dma_semaphore, #tpu.memory_space<semaphore_mem>>)
      %dma_wait3A = arith.constant 0 : i32
      %dma_wait3A_97 = tpu.memref_slice %arg2[%mul3A_2, %dma_wait3A] : memref<4096x50xi32, #tpu.memory_space<hbm>> -> memref<128x50xi32, #tpu.memory_space<hbm>>
      %dma_wait3A_98 = arith.constant 0 : i32
      %dma_wait3A_99 = tpu.memref_slice %arg2[%mul3A_2, %dma_wait3A_98] : memref<4096x50xi32, #tpu.memory_space<hbm>> -> memref<128x50xi32, #tpu.memory_space<hbm>>
      tpu.wait_dma2 semaphore(%run_scoped3A : memref<!tpu.dma_semaphore, #tpu.memory_space<semaphore_mem>>) src(%dma_wait3A_99 : memref<128x50xi32, #tpu.memory_space<hbm>>) dst(%arg5 : memref<128x50xi32, #tpu.memory_space<vmem>>)
      tpu.yield
    }) : () -> ()
    %dma_start3A = arith.constant 0 : i32
    %dma_start3A_3 = arith.constant 0 : i32
    %dma_start3A_4 = arith.constant 0 : i32
    %dma_start3A_5 = arith.constant 0 : i32
    %dma_start3A_6 = tpu.memref_slice %arg6[%dma_start3A_3, %dma_start3A_4, %dma_start3A_5] : memref<8x50x128xf32, #tpu.memory_space<vmem>> -> memref<1x50x128xf32, #tpu.memory_space<vmem>>
    %dma_start3A_7 = tpu.memref_squeeze %dma_start3A_6 : memref<1x50x128xf32, #tpu.memory_space<vmem>> -> memref<50x128xf32, #tpu.memory_space<vmem>>
    %dma_start3A_8 = arith.constant 0 : i32
    %dma_start3A_9 = tpu.memref_slice %arg5[%dma_start3A, %dma_start3A_8] : memref<128x50xi32, #tpu.memory_space<vmem>> -> memref<1x50xi32, #tpu.memory_space<vmem>>
    %dma_start3A_10 = tpu.memref_squeeze %dma_start3A_9 : memref<1x50xi32, #tpu.memory_space<vmem>> -> memref<50xi32, #tpu.memory_space<vmem>>
    %dma_start3A_11 = arith.constant 0 : i32
    %dma_start3A_12 = arith.constant 0 : i32
    %dma_start3A_13 = tpu.memref_slice %arg3[%dma_start3A_11, %dma_start3A_12] : memref<100000x128xf32, #tpu.memory_space<hbm>> -> memref<100000x128xf32, #tpu.memory_space<hbm>>
    tpu.enqueue_indirect_dma source(%dma_start3A_13 : memref<100000x128xf32, #tpu.memory_space<hbm>>) target(%dma_start3A_7 : memref<50x128xf32, #tpu.memory_space<vmem>>) offsets(%dma_start3A_10 : memref<50xi32, #tpu.memory_space<vmem>>) semaphore(%arg8 : memref<!tpu.dma_semaphore, #tpu.memory_space<semaphore_mem>>)
    %dma_start3A_14 = arith.constant 1 : i32
    %dma_start3A_15 = arith.constant 1 : i32
    %dma_start3A_16 = arith.constant 0 : i32
    %dma_start3A_17 = arith.constant 0 : i32
    %dma_start3A_18 = tpu.memref_slice %arg6[%dma_start3A_15, %dma_start3A_16, %dma_start3A_17] : memref<8x50x128xf32, #tpu.memory_space<vmem>> -> memref<1x50x128xf32, #tpu.memory_space<vmem>>
    %dma_start3A_19 = tpu.memref_squeeze %dma_start3A_18 : memref<1x50x128xf32, #tpu.memory_space<vmem>> -> memref<50x128xf32, #tpu.memory_space<vmem>>
    %dma_start3A_20 = arith.constant 0 : i32
    %dma_start3A_21 = tpu.memref_slice %arg5[%dma_start3A_14, %dma_start3A_20] : memref<128x50xi32, #tpu.memory_space<vmem>> -> memref<1x50xi32, #tpu.memory_space<vmem>>
    %dma_start3A_22 = tpu.memref_squeeze %dma_start3A_21 : memref<1x50xi32, #tpu.memory_space<vmem>> -> memref<50xi32, #tpu.memory_space<vmem>>
    %dma_start3A_23 = arith.constant 0 : i32
    %dma_start3A_24 = arith.constant 0 : i32
    %dma_start3A_25 = tpu.memref_slice %arg3[%dma_start3A_23, %dma_start3A_24] : memref<100000x128xf32, #tpu.memory_space<hbm>> -> memref<100000x128xf32, #tpu.memory_space<hbm>>
    tpu.enqueue_indirect_dma source(%dma_start3A_25 : memref<100000x128xf32, #tpu.memory_space<hbm>>) target(%dma_start3A_19 : memref<50x128xf32, #tpu.memory_space<vmem>>) offsets(%dma_start3A_22 : memref<50xi32, #tpu.memory_space<vmem>>) semaphore(%arg9 : memref<!tpu.dma_semaphore, #tpu.memory_space<semaphore_mem>>)
    %dma_start3A_26 = arith.constant 2 : i32
    %dma_start3A_27 = arith.constant 2 : i32
    %dma_start3A_28 = arith.constant 0 : i32
    %dma_start3A_29 = arith.constant 0 : i32
    %dma_start3A_30 = tpu.memref_slice %arg6[%dma_start3A_27, %dma_start3A_28, %dma_start3A_29] : memref<8x50x128xf32, #tpu.memory_space<vmem>> -> memref<1x50x128xf32, #tpu.memory_space<vmem>>
    %dma_start3A_31 = tpu.memref_squeeze %dma_start3A_30 : memref<1x50x128xf32, #tpu.memory_space<vmem>> -> memref<50x128xf32, #tpu.memory_space<vmem>>
    %dma_start3A_32 = arith.constant 0 : i32
    %dma_start3A_33 = tpu.memref_slice %arg5[%dma_start3A_26, %dma_start3A_32] : memref<128x50xi32, #tpu.memory_space<vmem>> -> memref<1x50xi32, #tpu.memory_space<vmem>>
    %dma_start3A_34 = tpu.memref_squeeze %dma_start3A_33 : memref<1x50xi32, #tpu.memory_space<vmem>> -> memref<50xi32, #tpu.memory_space<vmem>>
    %dma_start3A_35 = arith.constant 0 : i32
    %dma_start3A_36 = arith.constant 0 : i32
    %dma_start3A_37 = tpu.memref_slice %arg3[%dma_start3A_35, %dma_start3A_36] : memref<100000x128xf32, #tpu.memory_space<hbm>> -> memref<100000x128xf32, #tpu.memory_space<hbm>>
    tpu.enqueue_indirect_dma source(%dma_start3A_37 : memref<100000x128xf32, #tpu.memory_space<hbm>>) target(%dma_start3A_31 : memref<50x128xf32, #tpu.memory_space<vmem>>) offsets(%dma_start3A_34 : memref<50xi32, #tpu.memory_space<vmem>>) semaphore(%arg10 : memref<!tpu.dma_semaphore, #tpu.memory_space<semaphore_mem>>)
    %dma_start3A_38 = arith.constant 3 : i32
    %dma_start3A_39 = arith.constant 3 : i32
    %dma_start3A_40 = arith.constant 0 : i32
    %dma_start3A_41 = arith.constant 0 : i32
    %dma_start3A_42 = tpu.memref_slice %arg6[%dma_start3A_39, %dma_start3A_40, %dma_start3A_41] : memref<8x50x128xf32, #tpu.memory_space<vmem>> -> memref<1x50x128xf32, #tpu.memory_space<vmem>>
    %dma_start3A_43 = tpu.memref_squeeze %dma_start3A_42 : memref<1x50x128xf32, #tpu.memory_space<vmem>> -> memref<50x128xf32, #tpu.memory_space<vmem>>
    %dma_start3A_44 = arith.constant 0 : i32
    %dma_start3A_45 = tpu.memref_slice %arg5[%dma_start3A_38, %dma_start3A_44] : memref<128x50xi32, #tpu.memory_space<vmem>> -> memref<1x50xi32, #tpu.memory_space<vmem>>
    %dma_start3A_46 = tpu.memref_squeeze %dma_start3A_45 : memref<1x50xi32, #tpu.memory_space<vmem>> -> memref<50xi32, #tpu.memory_space<vmem>>
    %dma_start3A_47 = arith.constant 0 : i32
    %dma_start3A_48 = arith.constant 0 : i32
    %dma_start3A_49 = tpu.memref_slice %arg3[%dma_start3A_47, %dma_start3A_48] : memref<100000x128xf32, #tpu.memory_space<hbm>> -> memref<100000x128xf32, #tpu.memory_space<hbm>>
    tpu.enqueue_indirect_dma source(%dma_start3A_49 : memref<100000x128xf32, #tpu.memory_space<hbm>>) target(%dma_start3A_43 : memref<50x128xf32, #tpu.memory_space<vmem>>) offsets(%dma_start3A_46 : memref<50xi32, #tpu.memory_space<vmem>>) semaphore(%arg11 : memref<!tpu.dma_semaphore, #tpu.memory_space<semaphore_mem>>)
    %dma_start3A_50 = arith.constant 4 : i32
    %dma_start3A_51 = arith.constant 4 : i32
    %dma_start3A_52 = arith.constant 0 : i32
    %dma_start3A_53 = arith.constant 0 : i32
    %dma_start3A_54 = tpu.memref_slice %arg6[%dma_start3A_51, %dma_start3A_52, %dma_start3A_53] : memref<8x50x128xf32, #tpu.memory_space<vmem>> -> memref<1x50x128xf32, #tpu.memory_space<vmem>>
    %dma_start3A_55 = tpu.memref_squeeze %dma_start3A_54 : memref<1x50x128xf32, #tpu.memory_space<vmem>> -> memref<50x128xf32, #tpu.memory_space<vmem>>
    %dma_start3A_56 = arith.constant 0 : i32
    %dma_start3A_57 = tpu.memref_slice %arg5[%dma_start3A_50, %dma_start3A_56] : memref<128x50xi32, #tpu.memory_space<vmem>> -> memref<1x50xi32, #tpu.memory_space<vmem>>
    %dma_start3A_58 = tpu.memref_squeeze %dma_start3A_57 : memref<1x50xi32, #tpu.memory_space<vmem>> -> memref<50xi32, #tpu.memory_space<vmem>>
    %dma_start3A_59 = arith.constant 0 : i32
    %dma_start3A_60 = arith.constant 0 : i32
    %dma_start3A_61 = tpu.memref_slice %arg3[%dma_start3A_59, %dma_start3A_60] : memref<100000x128xf32, #tpu.memory_space<hbm>> -> memref<100000x128xf32, #tpu.memory_space<hbm>>
    tpu.enqueue_indirect_dma source(%dma_start3A_61 : memref<100000x128xf32, #tpu.memory_space<hbm>>) target(%dma_start3A_55 : memref<50x128xf32, #tpu.memory_space<vmem>>) offsets(%dma_start3A_58 : memref<50xi32, #tpu.memory_space<vmem>>) semaphore(%arg12 : memref<!tpu.dma_semaphore, #tpu.memory_space<semaphore_mem>>)
    %dma_start3A_62 = arith.constant 5 : i32
    %dma_start3A_63 = arith.constant 5 : i32
    %dma_start3A_64 = arith.constant 0 : i32
    %dma_start3A_65 = arith.constant 0 : i32
    %dma_start3A_66 = tpu.memref_slice %arg6[%dma_start3A_63, %dma_start3A_64, %dma_start3A_65] : memref<8x50x128xf32, #tpu.memory_space<vmem>> -> memref<1x50x128xf32, #tpu.memory_space<vmem>>
    %dma_start3A_67 = tpu.memref_squeeze %dma_start3A_66 : memref<1x50x128xf32, #tpu.memory_space<vmem>> -> memref<50x128xf32, #tpu.memory_space<vmem>>
    %dma_start3A_68 = arith.constant 0 : i32
    %dma_start3A_69 = tpu.memref_slice %arg5[%dma_start3A_62, %dma_start3A_68] : memref<128x50xi32, #tpu.memory_space<vmem>> -> memref<1x50xi32, #tpu.memory_space<vmem>>
    %dma_start3A_70 = tpu.memref_squeeze %dma_start3A_69 : memref<1x50xi32, #tpu.memory_space<vmem>> -> memref<50xi32, #tpu.memory_space<vmem>>
    %dma_start3A_71 = arith.constant 0 : i32
    %dma_start3A_72 = arith.constant 0 : i32
    %dma_start3A_73 = tpu.memref_slice %arg3[%dma_start3A_71, %dma_start3A_72] : memref<100000x128xf32, #tpu.memory_space<hbm>> -> memref<100000x128xf32, #tpu.memory_space<hbm>>
    tpu.enqueue_indirect_dma source(%dma_start3A_73 : memref<100000x128xf32, #tpu.memory_space<hbm>>) target(%dma_start3A_67 : memref<50x128xf32, #tpu.memory_space<vmem>>) offsets(%dma_start3A_70 : memref<50xi32, #tpu.memory_space<vmem>>) semaphore(%arg13 : memref<!tpu.dma_semaphore, #tpu.memory_space<semaphore_mem>>)
    %dma_start3A_74 = arith.constant 6 : i32
    %dma_start3A_75 = arith.constant 6 : i32
    %dma_start3A_76 = arith.constant 0 : i32
    %dma_start3A_77 = arith.constant 0 : i32
    %dma_start3A_78 = tpu.memref_slice %arg6[%dma_start3A_75, %dma_start3A_76, %dma_start3A_77] : memref<8x50x128xf32, #tpu.memory_space<vmem>> -> memref<1x50x128xf32, #tpu.memory_space<vmem>>
    %dma_start3A_79 = tpu.memref_squeeze %dma_start3A_78 : memref<1x50x128xf32, #tpu.memory_space<vmem>> -> memref<50x128xf32, #tpu.memory_space<vmem>>
    %dma_start3A_80 = arith.constant 0 : i32
    %dma_start3A_81 = tpu.memref_slice %arg5[%dma_start3A_74, %dma_start3A_80] : memref<128x50xi32, #tpu.memory_space<vmem>> -> memref<1x50xi32, #tpu.memory_space<vmem>>
    %dma_start3A_82 = tpu.memref_squeeze %dma_start3A_81 : memref<1x50xi32, #tpu.memory_space<vmem>> -> memref<50xi32, #tpu.memory_space<vmem>>
    %dma_start3A_83 = arith.constant 0 : i32
    %dma_start3A_84 = arith.constant 0 : i32
    %dma_start3A_85 = tpu.memref_slice %arg3[%dma_start3A_83, %dma_start3A_84] : memref<100000x128xf32, #tpu.memory_space<hbm>> -> memref<100000x128xf32, #tpu.memory_space<hbm>>
    tpu.enqueue_indirect_dma source(%dma_start3A_85 : memref<100000x128xf32, #tpu.memory_space<hbm>>) target(%dma_start3A_79 : memref<50x128xf32, #tpu.memory_space<vmem>>) offsets(%dma_start3A_82 : memref<50xi32, #tpu.memory_space<vmem>>) semaphore(%arg14 : memref<!tpu.dma_semaphore, #tpu.memory_space<semaphore_mem>>)
    %scan3A = arith.constant 0 : i32
    %scan3A_86 = arith.constant 0 : i32
    %scan3A_87 = arith.constant 16 : i32
    %scan3A_88 = arith.addi %scan3A_86, %scan3A_87 : i32
    %scan3A_89 = arith.constant 1 : i32
    scf.for %scan3A_93 = %scan3A_86 to %scan3A_88 step %scan3A_89  : i32 {
      %mul3A_94 = arith.constant 8 : i32
      %mul3A_95 = arith.muli %scan3A_93, %mul3A_94 : i32
      %add3A_96 = arith.constant 0 : i32
      %add3A_97 = arith.addi %mul3A_95, %add3A_96 : i32
      %dma_wait3A = arith.constant 0 : i32
      %dma_wait3A_98 = arith.constant 0 : i32
      %dma_wait3A_99 = arith.constant 0 : i32
      %dma_wait3A_100 = tpu.memref_slice %arg6[%dma_wait3A, %dma_wait3A_98, %dma_wait3A_99] : memref<8x50x128xf32, #tpu.memory_space<vmem>> -> memref<1x50x128xf32, #tpu.memory_space<vmem>>
      %dma_wait3A_101 = tpu.memref_squeeze %dma_wait3A_100 : memref<1x50x128xf32, #tpu.memory_space<vmem>> -> memref<50x128xf32, #tpu.memory_space<vmem>>
      %dma_wait3A_102 = arith.constant 0 : i32
      %dma_wait3A_103 = tpu.memref_slice %arg5[%add3A_97, %dma_wait3A_102] : memref<128x50xi32, #tpu.memory_space<vmem>> -> memref<1x50xi32, #tpu.memory_space<vmem>>
      %dma_wait3A_104 = tpu.memref_squeeze %dma_wait3A_103 : memref<1x50xi32, #tpu.memory_space<vmem>> -> memref<50xi32, #tpu.memory_space<vmem>>
      %dma_wait3A_105 = arith.constant 0 : i32
      %dma_wait3A_106 = arith.constant 0 : i32
      %dma_wait3A_107 = tpu.memref_slice %arg3[%dma_wait3A_105, %dma_wait3A_106] : memref<100000x128xf32, #tpu.memory_space<hbm>> -> memref<100000x128xf32, #tpu.memory_space<hbm>>
      tpu.wait_indirect_dma semaphore(%arg8 : memref<!tpu.dma_semaphore, #tpu.memory_space<semaphore_mem>>) src(%dma_wait3A_107 : memref<100000x128xf32, #tpu.memory_space<hbm>>) dst(%dma_wait3A_101 : memref<50x128xf32, #tpu.memory_space<vmem>>)
      %add3A_108 = arith.constant 8 : i32
      %add3A_109 = arith.addi %add3A_97, %add3A_108 : i32
      %sub3A = arith.constant 1 : i32
      %sub3A_110 = arith.subi %add3A_109, %sub3A : i32
      %lt3A = arith.constant 128 : i32
      %lt3A_111 = arith.cmpi slt, %sub3A_110, %lt3A : i32
      %convert_element_type3A = arith.extui %lt3A_111 : i1 to i32
      %cond3A = arith.constant 0 : i32
      %cond3A_112 = arith.cmpi ne, %convert_element_type3A, %cond3A : i32
      scf.if %cond3A_112 {
        %add3A_775 = arith.constant 8 : i32
        %add3A_776 = arith.addi %add3A_97, %add3A_775 : i32
        %sub3A_777 = arith.constant 1 : i32
        %sub3A_778 = arith.subi %add3A_776, %sub3A_777 : i32
        %dma_start3A_779 = arith.constant 7 : i32
        %dma_start3A_780 = arith.constant 0 : i32
        %dma_start3A_781 = arith.constant 0 : i32
        %dma_start3A_782 = tpu.memref_slice %arg6[%dma_start3A_779, %dma_start3A_780, %dma_start3A_781] : memref<8x50x128xf32, #tpu.memory_space<vmem>> -> memref<1x50x128xf32, #tpu.memory_space<vmem>>
        %dma_start3A_783 = tpu.memref_squeeze %dma_start3A_782 : memref<1x50x128xf32, #tpu.memory_space<vmem>> -> memref<50x128xf32, #tpu.memory_space<vmem>>
        %dma_start3A_784 = arith.constant 0 : i32
        %dma_start3A_785 = tpu.memref_slice %arg5[%sub3A_778, %dma_start3A_784] : memref<128x50xi32, #tpu.memory_space<vmem>> -> memref<1x50xi32, #tpu.memory_space<vmem>>
        %dma_start3A_786 = tpu.memref_squeeze %dma_start3A_785 : memref<1x50xi32, #tpu.memory_space<vmem>> -> memref<50xi32, #tpu.memory_space<vmem>>
        %dma_start3A_787 = arith.constant 0 : i32
        %dma_start3A_788 = arith.constant 0 : i32
        %dma_start3A_789 = tpu.memref_slice %arg3[%dma_start3A_787, %dma_start3A_788] : memref<100000x128xf32, #tpu.memory_space<hbm>> -> memref<100000x128xf32, #tpu.memory_space<hbm>>
        tpu.enqueue_indirect_dma source(%dma_start3A_789 : memref<100000x128xf32, #tpu.memory_space<hbm>>) target(%dma_start3A_783 : memref<50x128xf32, #tpu.memory_space<vmem>>) offsets(%dma_start3A_786 : memref<50xi32, #tpu.memory_space<vmem>>) semaphore(%arg15 : memref<!tpu.dma_semaphore, #tpu.memory_space<semaphore_mem>>)
      } else {
      }
      %broadcast_in_dim3A = arith.constant 0.000000e+00 : f32
      %broadcast_in_dim3A_113 = vector.broadcast %broadcast_in_dim3A : f32 to vector<16xf32>
      %broadcast_in_dim3A_114 = arith.constant 0.000000e+00 : f32
      %broadcast_in_dim3A_115 = vector.broadcast %broadcast_in_dim3A_114 : f32 to vector<16xf32>
      %broadcast_in_dim3A_116 = arith.constant 0.000000e+00 : f32
      %broadcast_in_dim3A_117 = vector.broadcast %broadcast_in_dim3A_116 : f32 to vector<16xf32>
      %broadcast_in_dim3A_118 = arith.constant 0.000000e+00 : f32
      %broadcast_in_dim3A_119 = vector.broadcast %broadcast_in_dim3A_118 : f32 to vector<16xf32>
      %broadcast_in_dim3A_120 = arith.constant 0.000000e+00 : f32
      %broadcast_in_dim3A_121 = vector.broadcast %broadcast_in_dim3A_120 : f32 to vector<16xf32>
      %broadcast_in_dim3A_122 = arith.constant 0.000000e+00 : f32
      %broadcast_in_dim3A_123 = vector.broadcast %broadcast_in_dim3A_122 : f32 to vector<16xf32>
      %broadcast_in_dim3A_124 = arith.constant 0.000000e+00 : f32
      %broadcast_in_dim3A_125 = vector.broadcast %broadcast_in_dim3A_124 : f32 to vector<16xf32>
      %broadcast_in_dim3A_126 = arith.constant 0.000000e+00 : f32
      %broadcast_in_dim3A_127 = vector.broadcast %broadcast_in_dim3A_126 : f32 to vector<16xf32>
      %scan3A_128 = arith.constant 0 : i32
      %scan3A_129 = arith.constant 25 : i32
      %scan3A_130 = arith.addi %scan3A_128, %scan3A_129 : i32
      %scan3A_131 = arith.constant 1 : i32
      %scan3A_132:8 = scf.for %scan3A_775 = %scan3A_128 to %scan3A_130 step %scan3A_131 iter_args(%scan3A_776 = %broadcast_in_dim3A_113, %scan3A_777 = %broadcast_in_dim3A_115, %scan3A_778 = %broadcast_in_dim3A_117, %scan3A_779 = %broadcast_in_dim3A_119, %scan3A_780 = %broadcast_in_dim3A_121, %scan3A_781 = %broadcast_in_dim3A_123, %scan3A_782 = %broadcast_in_dim3A_125, %scan3A_783 = %broadcast_in_dim3A_127) -> (vector<16xf32>, vector<16xf32>, vector<16xf32>, vector<16xf32>, vector<16xf32>, vector<16xf32>, vector<16xf32>, vector<16xf32>)  : i32 {
        %mul3A_784 = arith.constant 2 : i32
        %mul3A_785 = arith.muli %mul3A_784, %scan3A_775 : i32
        %add3A_786 = arith.constant 0 : i32
        %add3A_787 = arith.addi %mul3A_785, %add3A_786 : i32
        %get3A = arith.constant 0 : i32
        %get3A_788 = arith.index_cast %get3A : i32 to index
        %get3A_789 = arith.index_cast %add3A_787 : i32 to index
        %get3A_790 = arith.constant 0 : index
        %get3A_791 = tpu.vector_load %arg6[%get3A_788, %get3A_789, %get3A_790] {strides = array<i32>} : memref<8x50x128xf32, #tpu.memory_space<vmem>>, vector<1x1x16xf32>,
        %get3A_792 = vector.shape_cast %get3A_791 : vector<1x1x16xf32> to vector<16xf32>
        %add3A_793 = arith.addf %scan3A_776, %get3A_792 : vector<16xf32>
        %get3A_794 = arith.constant 0 : i32
        %get3A_795 = arith.index_cast %get3A_794 : i32 to index
        %get3A_796 = arith.index_cast %add3A_787 : i32 to index
        %get3A_797 = arith.constant 16 : index
        %get3A_798 = tpu.vector_load %arg6[%get3A_795, %get3A_796, %get3A_797] {strides = array<i32>} : memref<8x50x128xf32, #tpu.memory_space<vmem>>, vector<1x1x16xf32>,
        %get3A_799 = vector.shape_cast %get3A_798 : vector<1x1x16xf32> to vector<16xf32>
        %add3A_800 = arith.addf %scan3A_777, %get3A_799 : vector<16xf32>
        %get3A_801 = arith.constant 0 : i32
        %get3A_802 = arith.index_cast %get3A_801 : i32 to index
        %get3A_803 = arith.index_cast %add3A_787 : i32 to index
        %get3A_804 = arith.constant 32 : index
        %get3A_805 = tpu.vector_load %arg6[%get3A_802, %get3A_803, %get3A_804] {strides = array<i32>} : memref<8x50x128xf32, #tpu.memory_space<vmem>>, vector<1x1x16xf32>,
        %get3A_806 = vector.shape_cast %get3A_805 : vector<1x1x16xf32> to vector<16xf32>
        %add3A_807 = arith.addf %scan3A_778, %get3A_806 : vector<16xf32>
        %get3A_808 = arith.constant 0 : i32
        %get3A_809 = arith.index_cast %get3A_808 : i32 to index
        %get3A_810 = arith.index_cast %add3A_787 : i32 to index
        %get3A_811 = arith.constant 48 : index
        %get3A_812 = tpu.vector_load %arg6[%get3A_809, %get3A_810, %get3A_811] {strides = array<i32>} : memref<8x50x128xf32, #tpu.memory_space<vmem>>, vector<1x1x16xf32>,
        %get3A_813 = vector.shape_cast %get3A_812 : vector<1x1x16xf32> to vector<16xf32>
        %add3A_814 = arith.addf %scan3A_779, %get3A_813 : vector<16xf32>
        %get3A_815 = arith.constant 0 : i32
        %get3A_816 = arith.index_cast %get3A_815 : i32 to index
        %get3A_817 = arith.index_cast %add3A_787 : i32 to index
        %get3A_818 = arith.constant 64 : index
        %get3A_819 = tpu.vector_load %arg6[%get3A_816, %get3A_817, %get3A_818] {strides = array<i32>} : memref<8x50x128xf32, #tpu.memory_space<vmem>>, vector<1x1x16xf32>,
        %get3A_820 = vector.shape_cast %get3A_819 : vector<1x1x16xf32> to vector<16xf32>
        %add3A_821 = arith.addf %scan3A_780, %get3A_820 : vector<16xf32>
        %get3A_822 = arith.constant 0 : i32
        %get3A_823 = arith.index_cast %get3A_822 : i32 to index
        %get3A_824 = arith.index_cast %add3A_787 : i32 to index
        %get3A_825 = arith.constant 80 : index
        %get3A_826 = tpu.vector_load %arg6[%get3A_823, %get3A_824, %get3A_825] {strides = array<i32>} : memref<8x50x128xf32, #tpu.memory_space<vmem>>, vector<1x1x16xf32>,
        %get3A_827 = vector.shape_cast %get3A_826 : vector<1x1x16xf32> to vector<16xf32>
        %add3A_828 = arith.addf %scan3A_781, %get3A_827 : vector<16xf32>
        %get3A_829 = arith.constant 0 : i32
        %get3A_830 = arith.index_cast %get3A_829 : i32 to index
        %get3A_831 = arith.index_cast %add3A_787 : i32 to index
        %get3A_832 = arith.constant 96 : index
        %get3A_833 = tpu.vector_load %arg6[%get3A_830, %get3A_831, %get3A_832] {strides = array<i32>} : memref<8x50x128xf32, #tpu.memory_space<vmem>>, vector<1x1x16xf32>,
        %get3A_834 = vector.shape_cast %get3A_833 : vector<1x1x16xf32> to vector<16xf32>
        %add3A_835 = arith.addf %scan3A_782, %get3A_834 : vector<16xf32>
        %get3A_836 = arith.constant 0 : i32
        %get3A_837 = arith.index_cast %get3A_836 : i32 to index
        %get3A_838 = arith.index_cast %add3A_787 : i32 to index
        %get3A_839 = arith.constant 112 : index
        %get3A_840 = tpu.vector_load %arg6[%get3A_837, %get3A_838, %get3A_839] {strides = array<i32>} : memref<8x50x128xf32, #tpu.memory_space<vmem>>, vector<1x1x16xf32>,
        %get3A_841 = vector.shape_cast %get3A_840 : vector<1x1x16xf32> to vector<16xf32>
        %add3A_842 = arith.addf %scan3A_783, %get3A_841 : vector<16xf32>
        %mul3A_843 = arith.constant 2 : i32
        %mul3A_844 = arith.muli %mul3A_843, %scan3A_775 : i32
        %add3A_845 = arith.constant 1 : i32
        %add3A_846 = arith.addi %mul3A_844, %add3A_845 : i32
        %get3A_847 = arith.constant 0 : i32
        %get3A_848 = arith.index_cast %get3A_847 : i32 to index
        %get3A_849 = arith.index_cast %add3A_846 : i32 to index
        %get3A_850 = arith.constant 0 : index
        %get3A_851 = tpu.vector_load %arg6[%get3A_848, %get3A_849, %get3A_850] {strides = array<i32>} : memref<8x50x128xf32, #tpu.memory_space<vmem>>, vector<1x1x16xf32>,
        %get3A_852 = vector.shape_cast %get3A_851 : vector<1x1x16xf32> to vector<16xf32>
        %add3A_853 = arith.addf %add3A_793, %get3A_852 : vector<16xf32>
        %get3A_854 = arith.constant 0 : i32
        %get3A_855 = arith.index_cast %get3A_854 : i32 to index
        %get3A_856 = arith.index_cast %add3A_846 : i32 to index
        %get3A_857 = arith.constant 16 : index
        %get3A_858 = tpu.vector_load %arg6[%get3A_855, %get3A_856, %get3A_857] {strides = array<i32>} : memref<8x50x128xf32, #tpu.memory_space<vmem>>, vector<1x1x16xf32>,
        %get3A_859 = vector.shape_cast %get3A_858 : vector<1x1x16xf32> to vector<16xf32>
        %add3A_860 = arith.addf %add3A_800, %get3A_859 : vector<16xf32>
        %get3A_861 = arith.constant 0 : i32
        %get3A_862 = arith.index_cast %get3A_861 : i32 to index
        %get3A_863 = arith.index_cast %add3A_846 : i32 to index
        %get3A_864 = arith.constant 32 : index
        %get3A_865 = tpu.vector_load %arg6[%get3A_862, %get3A_863, %get3A_864] {strides = array<i32>} : memref<8x50x128xf32, #tpu.memory_space<vmem>>, vector<1x1x16xf32>,
        %get3A_866 = vector.shape_cast %get3A_865 : vector<1x1x16xf32> to vector<16xf32>
        %add3A_867 = arith.addf %add3A_807, %get3A_866 : vector<16xf32>
        %get3A_868 = arith.constant 0 : i32
        %get3A_869 = arith.index_cast %get3A_868 : i32 to index
        %get3A_870 = arith.index_cast %add3A_846 : i32 to index
        %get3A_871 = arith.constant 48 : index
        %get3A_872 = tpu.vector_load %arg6[%get3A_869, %get3A_870, %get3A_871] {strides = array<i32>} : memref<8x50x128xf32, #tpu.memory_space<vmem>>, vector<1x1x16xf32>,
        %get3A_873 = vector.shape_cast %get3A_872 : vector<1x1x16xf32> to vector<16xf32>
        %add3A_874 = arith.addf %add3A_814, %get3A_873 : vector<16xf32>
        %get3A_875 = arith.constant 0 : i32
        %get3A_876 = arith.index_cast %get3A_875 : i32 to index
        %get3A_877 = arith.index_cast %add3A_846 : i32 to index
        %get3A_878 = arith.constant 64 : index
        %get3A_879 = tpu.vector_load %arg6[%get3A_876, %get3A_877, %get3A_878] {strides = array<i32>} : memref<8x50x128xf32, #tpu.memory_space<vmem>>, vector<1x1x16xf32>,
        %get3A_880 = vector.shape_cast %get3A_879 : vector<1x1x16xf32> to vector<16xf32>
        %add3A_881 = arith.addf %add3A_821, %get3A_880 : vector<16xf32>
        %get3A_882 = arith.constant 0 : i32
        %get3A_883 = arith.index_cast %get3A_882 : i32 to index
        %get3A_884 = arith.index_cast %add3A_846 : i32 to index
        %get3A_885 = arith.constant 80 : index
        %get3A_886 = tpu.vector_load %arg6[%get3A_883, %get3A_884, %get3A_885] {strides = array<i32>} : memref<8x50x128xf32, #tpu.memory_space<vmem>>, vector<1x1x16xf32>,
        %get3A_887 = vector.shape_cast %get3A_886 : vector<1x1x16xf32> to vector<16xf32>
        %add3A_888 = arith.addf %add3A_828, %get3A_887 : vector<16xf32>
        %get3A_889 = arith.constant 0 : i32
        %get3A_890 = arith.index_cast %get3A_889 : i32 to index
        %get3A_891 = arith.index_cast %add3A_846 : i32 to index
        %get3A_892 = arith.constant 96 : index
        %get3A_893 = tpu.vector_load %arg6[%get3A_890, %get3A_891, %get3A_892] {strides = array<i32>} : memref<8x50x128xf32, #tpu.memory_space<vmem>>, vector<1x1x16xf32>,
        %get3A_894 = vector.shape_cast %get3A_893 : vector<1x1x16xf32> to vector<16xf32>
        %add3A_895 = arith.addf %add3A_835, %get3A_894 : vector<16xf32>
        %get3A_896 = arith.constant 0 : i32
        %get3A_897 = arith.index_cast %get3A_896 : i32 to index
        %get3A_898 = arith.index_cast %add3A_846 : i32 to index
        %get3A_899 = arith.constant 112 : index
        %get3A_900 = tpu.vector_load %arg6[%get3A_897, %get3A_898, %get3A_899] {strides = array<i32>} : memref<8x50x128xf32, #tpu.memory_space<vmem>>, vector<1x1x16xf32>,
        %get3A_901 = vector.shape_cast %get3A_900 : vector<1x1x16xf32> to vector<16xf32>
        %add3A_902 = arith.addf %add3A_842, %get3A_901 : vector<16xf32>
        scf.yield %add3A_853, %add3A_860, %add3A_867, %add3A_874, %add3A_881, %add3A_888, %add3A_895, %add3A_902 : vector<16xf32>, vector<16xf32>, vector<16xf32>, vector<16xf32>, vector<16xf32>, vector<16xf32>, vector<16xf32>, vector<16xf32>
      }
      %scan3A_133 = arith.constant 25 : i32
      %swap3A = arith.index_cast %add3A_97 : i32 to index
      %swap3A_134 = arith.constant 0 : index
      %swap3A_135 = tpu.vector_load %arg7[%swap3A, %swap3A_134] {strides = array<i32>} : memref<128x128xf32, #tpu.memory_space<vmem>>, vector<1x16xf32>,
      %swap3A_136 = vector.shape_cast %swap3A_135 : vector<1x16xf32> to vector<16xf32>
      %swap3A_137 = vector.shape_cast %scan3A_132#0 : vector<16xf32> to vector<1x16xf32>
      tpu.vector_store %arg7[%swap3A, %swap3A_134], %swap3A_137 {strides = array<i32>} : memref<128x128xf32, #tpu.memory_space<vmem>>, vector<1x16xf32>,
      %swap3A_138 = arith.index_cast %add3A_97 : i32 to index
      %swap3A_139 = arith.constant 16 : index
      %swap3A_140 = tpu.vector_load %arg7[%swap3A_138, %swap3A_139] {strides = array<i32>} : memref<128x128xf32, #tpu.memory_space<vmem>>, vector<1x16xf32>,
      %swap3A_141 = vector.shape_cast %swap3A_140 : vector<1x16xf32> to vector<16xf32>
      %swap3A_142 = vector.shape_cast %scan3A_132#1 : vector<16xf32> to vector<1x16xf32>
      tpu.vector_store %arg7[%swap3A_138, %swap3A_139], %swap3A_142 {strides = array<i32>} : memref<128x128xf32, #tpu.memory_space<vmem>>, vector<1x16xf32>,
      %swap3A_143 = arith.index_cast %add3A_97 : i32 to index
      %swap3A_144 = arith.constant 32 : index
      %swap3A_145 = tpu.vector_load %arg7[%swap3A_143, %swap3A_144] {strides = array<i32>} : memref<128x128xf32, #tpu.memory_space<vmem>>, vector<1x16xf32>,
      %swap3A_146 = vector.shape_cast %swap3A_145 : vector<1x16xf32> to vector<16xf32>
      %swap3A_147 = vector.shape_cast %scan3A_132#2 : vector<16xf32> to vector<1x16xf32>
      tpu.vector_store %arg7[%swap3A_143, %swap3A_144], %swap3A_147 {strides = array<i32>} : memref<128x128xf32, #tpu.memory_space<vmem>>, vector<1x16xf32>,
      %swap3A_148 = arith.index_cast %add3A_97 : i32 to index
      %swap3A_149 = arith.constant 48 : index
      %swap3A_150 = tpu.vector_load %arg7[%swap3A_148, %swap3A_149] {strides = array<i32>} : memref<128x128xf32, #tpu.memory_space<vmem>>, vector<1x16xf32>,
      %swap3A_151 = vector.shape_cast %swap3A_150 : vector<1x16xf32> to vector<16xf32>
      %swap3A_152 = vector.shape_cast %scan3A_132#3 : vector<16xf32> to vector<1x16xf32>
      tpu.vector_store %arg7[%swap3A_148, %swap3A_149], %swap3A_152 {strides = array<i32>} : memref<128x128xf32, #tpu.memory_space<vmem>>, vector<1x16xf32>,
      %swap3A_153 = arith.index_cast %add3A_97 : i32 to index
      %swap3A_154 = arith.constant 64 : index
      %swap3A_155 = tpu.vector_load %arg7[%swap3A_153, %swap3A_154] {strides = array<i32>} : memref<128x128xf32, #tpu.memory_space<vmem>>, vector<1x16xf32>,
      %swap3A_156 = vector.shape_cast %swap3A_155 : vector<1x16xf32> to vector<16xf32>
      %swap3A_157 = vector.shape_cast %scan3A_132#4 : vector<16xf32> to vector<1x16xf32>
      tpu.vector_store %arg7[%swap3A_153, %swap3A_154], %swap3A_157 {strides = array<i32>} : memref<128x128xf32, #tpu.memory_space<vmem>>, vector<1x16xf32>,
      %swap3A_158 = arith.index_cast %add3A_97 : i32 to index
      %swap3A_159 = arith.constant 80 : index
      %swap3A_160 = tpu.vector_load %arg7[%swap3A_158, %swap3A_159] {strides = array<i32>} : memref<128x128xf32, #tpu.memory_space<vmem>>, vector<1x16xf32>,
      %swap3A_161 = vector.shape_cast %swap3A_160 : vector<1x16xf32> to vector<16xf32>
      %swap3A_162 = vector.shape_cast %scan3A_132#5 : vector<16xf32> to vector<1x16xf32>
      tpu.vector_store %arg7[%swap3A_158, %swap3A_159], %swap3A_162 {strides = array<i32>} : memref<128x128xf32, #tpu.memory_space<vmem>>, vector<1x16xf32>,
      %swap3A_163 = arith.index_cast %add3A_97 : i32 to index
      %swap3A_164 = arith.constant 96 : index
      %swap3A_165 = tpu.vector_load %arg7[%swap3A_163, %swap3A_164] {strides = array<i32>} : memref<128x128xf32, #tpu.memory_space<vmem>>, vector<1x16xf32>,
      %swap3A_166 = vector.shape_cast %swap3A_165 : vector<1x16xf32> to vector<16xf32>
      %swap3A_167 = vector.shape_cast %scan3A_132#6 : vector<16xf32> to vector<1x16xf32>
      tpu.vector_store %arg7[%swap3A_163, %swap3A_164], %swap3A_167 {strides = array<i32>} : memref<128x128xf32, #tpu.memory_space<vmem>>, vector<1x16xf32>,
      %swap3A_168 = arith.index_cast %add3A_97 : i32 to index
      %swap3A_169 = arith.constant 112 : index
      %swap3A_170 = tpu.vector_load %arg7[%swap3A_168, %swap3A_169] {strides = array<i32>} : memref<128x128xf32, #tpu.memory_space<vmem>>, vector<1x16xf32>,
      %swap3A_171 = vector.shape_cast %swap3A_170 : vector<1x16xf32> to vector<16xf32>
      %swap3A_172 = vector.shape_cast %scan3A_132#7 : vector<16xf32> to vector<1x16xf32>
      tpu.vector_store %arg7[%swap3A_168, %swap3A_169], %swap3A_172 {strides = array<i32>} : memref<128x128xf32, #tpu.memory_space<vmem>>, vector<1x16xf32>,
      %mul3A_173 = arith.constant 8 : i32
      %mul3A_174 = arith.muli %scan3A_93, %mul3A_173 : i32
      %add3A_175 = arith.constant 1 : i32
      %add3A_176 = arith.addi %mul3A_174, %add3A_175 : i32
      %dma_wait3A_177 = arith.constant 1 : i32
      %dma_wait3A_178 = arith.constant 0 : i32
      %dma_wait3A_179 = arith.constant 0 : i32
      %dma_wait3A_180 = tpu.memref_slice %arg6[%dma_wait3A_177, %dma_wait3A_178, %dma_wait3A_179] : memref<8x50x128xf32, #tpu.memory_space<vmem>> -> memref<1x50x128xf32, #tpu.memory_space<vmem>>
      %dma_wait3A_181 = tpu.memref_squeeze %dma_wait3A_180 : memref<1x50x128xf32, #tpu.memory_space<vmem>> -> memref<50x128xf32, #tpu.memory_space<vmem>>
      %dma_wait3A_182 = arith.constant 0 : i32
      %dma_wait3A_183 = tpu.memref_slice %arg5[%add3A_176, %dma_wait3A_182] : memref<128x50xi32, #tpu.memory_space<vmem>> -> memref<1x50xi32, #tpu.memory_space<vmem>>
      %dma_wait3A_184 = tpu.memref_squeeze %dma_wait3A_183 : memref<1x50xi32, #tpu.memory_space<vmem>> -> memref<50xi32, #tpu.memory_space<vmem>>
      %dma_wait3A_185 = arith.constant 0 : i32
      %dma_wait3A_186 = arith.constant 0 : i32
      %dma_wait3A_187 = tpu.memref_slice %arg3[%dma_wait3A_185, %dma_wait3A_186] : memref<100000x128xf32, #tpu.memory_space<hbm>> -> memref<100000x128xf32, #tpu.memory_space<hbm>>
      tpu.wait_indirect_dma semaphore(%arg9 : memref<!tpu.dma_semaphore, #tpu.memory_space<semaphore_mem>>) src(%dma_wait3A_187 : memref<100000x128xf32, #tpu.memory_space<hbm>>) dst(%dma_wait3A_181 : memref<50x128xf32, #tpu.memory_space<vmem>>)
      %add3A_188 = arith.constant 8 : i32
      %add3A_189 = arith.addi %add3A_176, %add3A_188 : i32
      %sub3A_190 = arith.constant 1 : i32
      %sub3A_191 = arith.subi %add3A_189, %sub3A_190 : i32
      %lt3A_192 = arith.constant 128 : i32
      %lt3A_193 = arith.cmpi slt, %sub3A_191, %lt3A_192 : i32
      %convert_element_type3A_194 = arith.extui %lt3A_193 : i1 to i32
      %cond3A_195 = arith.constant 0 : i32
      %cond3A_196 = arith.cmpi ne, %convert_element_type3A_194, %cond3A_195 : i32
      scf.if %cond3A_196 {
        %add3A_775 = arith.constant 8 : i32
        %add3A_776 = arith.addi %add3A_176, %add3A_775 : i32
        %sub3A_777 = arith.constant 1 : i32
        %sub3A_778 = arith.subi %add3A_776, %sub3A_777 : i32
        %dma_start3A_779 = arith.constant 0 : i32
        %dma_start3A_780 = arith.constant 0 : i32
        %dma_start3A_781 = arith.constant 0 : i32
        %dma_start3A_782 = tpu.memref_slice %arg6[%dma_start3A_779, %dma_start3A_780, %dma_start3A_781] : memref<8x50x128xf32, #tpu.memory_space<vmem>> -> memref<1x50x128xf32, #tpu.memory_space<vmem>>
        %dma_start3A_783 = tpu.memref_squeeze %dma_start3A_782 : memref<1x50x128xf32, #tpu.memory_space<vmem>> -> memref<50x128xf32, #tpu.memory_space<vmem>>
        %dma_start3A_784 = arith.constant 0 : i32
        %dma_start3A_785 = tpu.memref_slice %arg5[%sub3A_778, %dma_start3A_784] : memref<128x50xi32, #tpu.memory_space<vmem>> -> memref<1x50xi32, #tpu.memory_space<vmem>>
        %dma_start3A_786 = tpu.memref_squeeze %dma_start3A_785 : memref<1x50xi32, #tpu.memory_space<vmem>> -> memref<50xi32, #tpu.memory_space<vmem>>
        %dma_start3A_787 = arith.constant 0 : i32
        %dma_start3A_788 = arith.constant 0 : i32
        %dma_start3A_789 = tpu.memref_slice %arg3[%dma_start3A_787, %dma_start3A_788] : memref<100000x128xf32, #tpu.memory_space<hbm>> -> memref<100000x128xf32, #tpu.memory_space<hbm>>
        tpu.enqueue_indirect_dma source(%dma_start3A_789 : memref<100000x128xf32, #tpu.memory_space<hbm>>) target(%dma_start3A_783 : memref<50x128xf32, #tpu.memory_space<vmem>>) offsets(%dma_start3A_786 : memref<50xi32, #tpu.memory_space<vmem>>) semaphore(%arg8 : memref<!tpu.dma_semaphore, #tpu.memory_space<semaphore_mem>>)
      } else {
      }
      %broadcast_in_dim3A_197 = arith.constant 0.000000e+00 : f32
      %broadcast_in_dim3A_198 = vector.broadcast %broadcast_in_dim3A_197 : f32 to vector<16xf32>
      %broadcast_in_dim3A_199 = arith.constant 0.000000e+00 : f32
      %broadcast_in_dim3A_200 = vector.broadcast %broadcast_in_dim3A_199 : f32 to vector<16xf32>
      %broadcast_in_dim3A_201 = arith.constant 0.000000e+00 : f32
      %broadcast_in_dim3A_202 = vector.broadcast %broadcast_in_dim3A_201 : f32 to vector<16xf32>
      %broadcast_in_dim3A_203 = arith.constant 0.000000e+00 : f32
      %broadcast_in_dim3A_204 = vector.broadcast %broadcast_in_dim3A_203 : f32 to vector<16xf32>
      %broadcast_in_dim3A_205 = arith.constant 0.000000e+00 : f32
      %broadcast_in_dim3A_206 = vector.broadcast %broadcast_in_dim3A_205 : f32 to vector<16xf32>
      %broadcast_in_dim3A_207 = arith.constant 0.000000e+00 : f32
      %broadcast_in_dim3A_208 = vector.broadcast %broadcast_in_dim3A_207 : f32 to vector<16xf32>
      %broadcast_in_dim3A_209 = arith.constant 0.000000e+00 : f32
      %broadcast_in_dim3A_210 = vector.broadcast %broadcast_in_dim3A_209 : f32 to vector<16xf32>
      %broadcast_in_dim3A_211 = arith.constant 0.000000e+00 : f32
      %broadcast_in_dim3A_212 = vector.broadcast %broadcast_in_dim3A_211 : f32 to vector<16xf32>
      %scan3A_213 = arith.constant 0 : i32
      %scan3A_214 = arith.constant 25 : i32
      %scan3A_215 = arith.addi %scan3A_213, %scan3A_214 : i32
      %scan3A_216 = arith.constant 1 : i32
      %scan3A_217:8 = scf.for %scan3A_775 = %scan3A_213 to %scan3A_215 step %scan3A_216 iter_args(%scan3A_776 = %broadcast_in_dim3A_198, %scan3A_777 = %broadcast_in_dim3A_200, %scan3A_778 = %broadcast_in_dim3A_202, %scan3A_779 = %broadcast_in_dim3A_204, %scan3A_780 = %broadcast_in_dim3A_206, %scan3A_781 = %broadcast_in_dim3A_208, %scan3A_782 = %broadcast_in_dim3A_210, %scan3A_783 = %broadcast_in_dim3A_212) -> (vector<16xf32>, vector<16xf32>, vector<16xf32>, vector<16xf32>, vector<16xf32>, vector<16xf32>, vector<16xf32>, vector<16xf32>)  : i32 {
        %mul3A_784 = arith.constant 2 : i32
        %mul3A_785 = arith.muli %mul3A_784, %scan3A_775 : i32
        %add3A_786 = arith.constant 0 : i32
        %add3A_787 = arith.addi %mul3A_785, %add3A_786 : i32
        %get3A = arith.constant 1 : i32
        %get3A_788 = arith.index_cast %get3A : i32 to index
        %get3A_789 = arith.index_cast %add3A_787 : i32 to index
        %get3A_790 = arith.constant 0 : index
        %get3A_791 = tpu.vector_load %arg6[%get3A_788, %get3A_789, %get3A_790] {strides = array<i32>} : memref<8x50x128xf32, #tpu.memory_space<vmem>>, vector<1x1x16xf32>,
        %get3A_792 = vector.shape_cast %get3A_791 : vector<1x1x16xf32> to vector<16xf32>
        %add3A_793 = arith.addf %scan3A_776, %get3A_792 : vector<16xf32>
        %get3A_794 = arith.constant 1 : i32
        %get3A_795 = arith.index_cast %get3A_794 : i32 to index
        %get3A_796 = arith.index_cast %add3A_787 : i32 to index
        %get3A_797 = arith.constant 16 : index
        %get3A_798 = tpu.vector_load %arg6[%get3A_795, %get3A_796, %get3A_797] {strides = array<i32>} : memref<8x50x128xf32, #tpu.memory_space<vmem>>, vector<1x1x16xf32>,
        %get3A_799 = vector.shape_cast %get3A_798 : vector<1x1x16xf32> to vector<16xf32>
        %add3A_800 = arith.addf %scan3A_777, %get3A_799 : vector<16xf32>
        %get3A_801 = arith.constant 1 : i32
        %get3A_802 = arith.index_cast %get3A_801 : i32 to index
        %get3A_803 = arith.index_cast %add3A_787 : i32 to index
        %get3A_804 = arith.constant 32 : index
        %get3A_805 = tpu.vector_load %arg6[%get3A_802, %get3A_803, %get3A_804] {strides = array<i32>} : memref<8x50x128xf32, #tpu.memory_space<vmem>>, vector<1x1x16xf32>,
        %get3A_806 = vector.shape_cast %get3A_805 : vector<1x1x16xf32> to vector<16xf32>
        %add3A_807 = arith.addf %scan3A_778, %get3A_806 : vector<16xf32>
        %get3A_808 = arith.constant 1 : i32
        %get3A_809 = arith.index_cast %get3A_808 : i32 to index
        %get3A_810 = arith.index_cast %add3A_787 : i32 to index
        %get3A_811 = arith.constant 48 : index
        %get3A_812 = tpu.vector_load %arg6[%get3A_809, %get3A_810, %get3A_811] {strides = array<i32>} : memref<8x50x128xf32, #tpu.memory_space<vmem>>, vector<1x1x16xf32>,
        %get3A_813 = vector.shape_cast %get3A_812 : vector<1x1x16xf32> to vector<16xf32>
        %add3A_814 = arith.addf %scan3A_779, %get3A_813 : vector<16xf32>
        %get3A_815 = arith.constant 1 : i32
        %get3A_816 = arith.index_cast %get3A_815 : i32 to index
        %get3A_817 = arith.index_cast %add3A_787 : i32 to index
        %get3A_818 = arith.constant 64 : index
        %get3A_819 = tpu.vector_load %arg6[%get3A_816, %get3A_817, %get3A_818] {strides = array<i32>} : memref<8x50x128xf32, #tpu.memory_space<vmem>>, vector<1x1x16xf32>,
        %get3A_820 = vector.shape_cast %get3A_819 : vector<1x1x16xf32> to vector<16xf32>
        %add3A_821 = arith.addf %scan3A_780, %get3A_820 : vector<16xf32>
        %get3A_822 = arith.constant 1 : i32
        %get3A_823 = arith.index_cast %get3A_822 : i32 to index
        %get3A_824 = arith.index_cast %add3A_787 : i32 to index
        %get3A_825 = arith.constant 80 : index
        %get3A_826 = tpu.vector_load %arg6[%get3A_823, %get3A_824, %get3A_825] {strides = array<i32>} : memref<8x50x128xf32, #tpu.memory_space<vmem>>, vector<1x1x16xf32>,
        %get3A_827 = vector.shape_cast %get3A_826 : vector<1x1x16xf32> to vector<16xf32>
        %add3A_828 = arith.addf %scan3A_781, %get3A_827 : vector<16xf32>
        %get3A_829 = arith.constant 1 : i32
        %get3A_830 = arith.index_cast %get3A_829 : i32 to index
        %get3A_831 = arith.index_cast %add3A_787 : i32 to index
        %get3A_832 = arith.constant 96 : index
        %get3A_833 = tpu.vector_load %arg6[%get3A_830, %get3A_831, %get3A_832] {strides = array<i32>} : memref<8x50x128xf32, #tpu.memory_space<vmem>>, vector<1x1x16xf32>,
        %get3A_834 = vector.shape_cast %get3A_833 : vector<1x1x16xf32> to vector<16xf32>
        %add3A_835 = arith.addf %scan3A_782, %get3A_834 : vector<16xf32>
        %get3A_836 = arith.constant 1 : i32
        %get3A_837 = arith.index_cast %get3A_836 : i32 to index
        %get3A_838 = arith.index_cast %add3A_787 : i32 to index
        %get3A_839 = arith.constant 112 : index
        %get3A_840 = tpu.vector_load %arg6[%get3A_837, %get3A_838, %get3A_839] {strides = array<i32>} : memref<8x50x128xf32, #tpu.memory_space<vmem>>, vector<1x1x16xf32>,
        %get3A_841 = vector.shape_cast %get3A_840 : vector<1x1x16xf32> to vector<16xf32>
        %add3A_842 = arith.addf %scan3A_783, %get3A_841 : vector<16xf32>
        %mul3A_843 = arith.constant 2 : i32
        %mul3A_844 = arith.muli %mul3A_843, %scan3A_775 : i32
        %add3A_845 = arith.constant 1 : i32
        %add3A_846 = arith.addi %mul3A_844, %add3A_845 : i32
        %get3A_847 = arith.constant 1 : i32
        %get3A_848 = arith.index_cast %get3A_847 : i32 to index
        %get3A_849 = arith.index_cast %add3A_846 : i32 to index
        %get3A_850 = arith.constant 0 : index
        %get3A_851 = tpu.vector_load %arg6[%get3A_848, %get3A_849, %get3A_850] {strides = array<i32>} : memref<8x50x128xf32, #tpu.memory_space<vmem>>, vector<1x1x16xf32>,
        %get3A_852 = vector.shape_cast %get3A_851 : vector<1x1x16xf32> to vector<16xf32>
        %add3A_853 = arith.addf %add3A_793, %get3A_852 : vector<16xf32>
        %get3A_854 = arith.constant 1 : i32
        %get3A_855 = arith.index_cast %get3A_854 : i32 to index
        %get3A_856 = arith.index_cast %add3A_846 : i32 to index
        %get3A_857 = arith.constant 16 : index
        %get3A_858 = tpu.vector_load %arg6[%get3A_855, %get3A_856, %get3A_857] {strides = array<i32>} : memref<8x50x128xf32, #tpu.memory_space<vmem>>, vector<1x1x16xf32>,
        %get3A_859 = vector.shape_cast %get3A_858 : vector<1x1x16xf32> to vector<16xf32>
        %add3A_860 = arith.addf %add3A_800, %get3A_859 : vector<16xf32>
        %get3A_861 = arith.constant 1 : i32
        %get3A_862 = arith.index_cast %get3A_861 : i32 to index
        %get3A_863 = arith.index_cast %add3A_846 : i32 to index
        %get3A_864 = arith.constant 32 : index
        %get3A_865 = tpu.vector_load %arg6[%get3A_862, %get3A_863, %get3A_864] {strides = array<i32>} : memref<8x50x128xf32, #tpu.memory_space<vmem>>, vector<1x1x16xf32>,
        %get3A_866 = vector.shape_cast %get3A_865 : vector<1x1x16xf32> to vector<16xf32>
        %add3A_867 = arith.addf %add3A_807, %get3A_866 : vector<16xf32>
        %get3A_868 = arith.constant 1 : i32
        %get3A_869 = arith.index_cast %get3A_868 : i32 to index
        %get3A_870 = arith.index_cast %add3A_846 : i32 to index
        %get3A_871 = arith.constant 48 : index
        %get3A_872 = tpu.vector_load %arg6[%get3A_869, %get3A_870, %get3A_871] {strides = array<i32>} : memref<8x50x128xf32, #tpu.memory_space<vmem>>, vector<1x1x16xf32>,
        %get3A_873 = vector.shape_cast %get3A_872 : vector<1x1x16xf32> to vector<16xf32>
        %add3A_874 = arith.addf %add3A_814, %get3A_873 : vector<16xf32>
        %get3A_875 = arith.constant 1 : i32
        %get3A_876 = arith.index_cast %get3A_875 : i32 to index
        %get3A_877 = arith.index_cast %add3A_846 : i32 to index
        %get3A_878 = arith.constant 64 : index
        %get3A_879 = tpu.vector_load %arg6[%get3A_876, %get3A_877, %get3A_878] {strides = array<i32>} : memref<8x50x128xf32, #tpu.memory_space<vmem>>, vector<1x1x16xf32>,
        %get3A_880 = vector.shape_cast %get3A_879 : vector<1x1x16xf32> to vector<16xf32>
        %add3A_881 = arith.addf %add3A_821, %get3A_880 : vector<16xf32>
        %get3A_882 = arith.constant 1 : i32
        %get3A_883 = arith.index_cast %get3A_882 : i32 to index
        %get3A_884 = arith.index_cast %add3A_846 : i32 to index
        %get3A_885 = arith.constant 80 : index
        %get3A_886 = tpu.vector_load %arg6[%get3A_883, %get3A_884, %get3A_885] {strides = array<i32>} : memref<8x50x128xf32, #tpu.memory_space<vmem>>, vector<1x1x16xf32>,
        %get3A_887 = vector.shape_cast %get3A_886 : vector<1x1x16xf32> to vector<16xf32>
        %add3A_888 = arith.addf %add3A_828, %get3A_887 : vector<16xf32>
        %get3A_889 = arith.constant 1 : i32
        %get3A_890 = arith.index_cast %get3A_889 : i32 to index
        %get3A_891 = arith.index_cast %add3A_846 : i32 to index
        %get3A_892 = arith.constant 96 : index
        %get3A_893 = tpu.vector_load %arg6[%get3A_890, %get3A_891, %get3A_892] {strides = array<i32>} : memref<8x50x128xf32, #tpu.memory_space<vmem>>, vector<1x1x16xf32>,
        %get3A_894 = vector.shape_cast %get3A_893 : vector<1x1x16xf32> to vector<16xf32>
        %add3A_895 = arith.addf %add3A_835, %get3A_894 : vector<16xf32>
        %get3A_896 = arith.constant 1 : i32
        %get3A_897 = arith.index_cast %get3A_896 : i32 to index
        %get3A_898 = arith.index_cast %add3A_846 : i32 to index
        %get3A_899 = arith.constant 112 : index
        %get3A_900 = tpu.vector_load %arg6[%get3A_897, %get3A_898, %get3A_899] {strides = array<i32>} : memref<8x50x128xf32, #tpu.memory_space<vmem>>, vector<1x1x16xf32>,
        %get3A_901 = vector.shape_cast %get3A_900 : vector<1x1x16xf32> to vector<16xf32>
        %add3A_902 = arith.addf %add3A_842, %get3A_901 : vector<16xf32>
        scf.yield %add3A_853, %add3A_860, %add3A_867, %add3A_874, %add3A_881, %add3A_888, %add3A_895, %add3A_902 : vector<16xf32>, vector<16xf32>, vector<16xf32>, vector<16xf32>, vector<16xf32>, vector<16xf32>, vector<16xf32>, vector<16xf32>
      }
      %scan3A_218 = arith.constant 25 : i32
      %swap3A_219 = arith.index_cast %add3A_176 : i32 to index
      %swap3A_220 = arith.constant 0 : index
      %swap3A_221 = tpu.vector_load %arg7[%swap3A_219, %swap3A_220] {strides = array<i32>} : memref<128x128xf32, #tpu.memory_space<vmem>>, vector<1x16xf32>,
      %swap3A_222 = vector.shape_cast %swap3A_221 : vector<1x16xf32> to vector<16xf32>
      %swap3A_223 = vector.shape_cast %scan3A_217#0 : vector<16xf32> to vector<1x16xf32>
      tpu.vector_store %arg7[%swap3A_219, %swap3A_220], %swap3A_223 {strides = array<i32>} : memref<128x128xf32, #tpu.memory_space<vmem>>, vector<1x16xf32>,
      %swap3A_224 = arith.index_cast %add3A_176 : i32 to index
      %swap3A_225 = arith.constant 16 : index
      %swap3A_226 = tpu.vector_load %arg7[%swap3A_224, %swap3A_225] {strides = array<i32>} : memref<128x128xf32, #tpu.memory_space<vmem>>, vector<1x16xf32>,
      %swap3A_227 = vector.shape_cast %swap3A_226 : vector<1x16xf32> to vector<16xf32>
      %swap3A_228 = vector.shape_cast %scan3A_217#1 : vector<16xf32> to vector<1x16xf32>
      tpu.vector_store %arg7[%swap3A_224, %swap3A_225], %swap3A_228 {strides = array<i32>} : memref<128x128xf32, #tpu.memory_space<vmem>>, vector<1x16xf32>,
      %swap3A_229 = arith.index_cast %add3A_176 : i32 to index
      %swap3A_230 = arith.constant 32 : index
      %swap3A_231 = tpu.vector_load %arg7[%swap3A_229, %swap3A_230] {strides = array<i32>} : memref<128x128xf32, #tpu.memory_space<vmem>>, vector<1x16xf32>,
      %swap3A_232 = vector.shape_cast %swap3A_231 : vector<1x16xf32> to vector<16xf32>
      %swap3A_233 = vector.shape_cast %scan3A_217#2 : vector<16xf32> to vector<1x16xf32>
      tpu.vector_store %arg7[%swap3A_229, %swap3A_230], %swap3A_233 {strides = array<i32>} : memref<128x128xf32, #tpu.memory_space<vmem>>, vector<1x16xf32>,
      %swap3A_234 = arith.index_cast %add3A_176 : i32 to index
      %swap3A_235 = arith.constant 48 : index
      %swap3A_236 = tpu.vector_load %arg7[%swap3A_234, %swap3A_235] {strides = array<i32>} : memref<128x128xf32, #tpu.memory_space<vmem>>, vector<1x16xf32>,
      %swap3A_237 = vector.shape_cast %swap3A_236 : vector<1x16xf32> to vector<16xf32>
      %swap3A_238 = vector.shape_cast %scan3A_217#3 : vector<16xf32> to vector<1x16xf32>
      tpu.vector_store %arg7[%swap3A_234, %swap3A_235], %swap3A_238 {strides = array<i32>} : memref<128x128xf32, #tpu.memory_space<vmem>>, vector<1x16xf32>,
      %swap3A_239 = arith.index_cast %add3A_176 : i32 to index
      %swap3A_240 = arith.constant 64 : index
      %swap3A_241 = tpu.vector_load %arg7[%swap3A_239, %swap3A_240] {strides = array<i32>} : memref<128x128xf32, #tpu.memory_space<vmem>>, vector<1x16xf32>,
      %swap3A_242 = vector.shape_cast %swap3A_241 : vector<1x16xf32> to vector<16xf32>
      %swap3A_243 = vector.shape_cast %scan3A_217#4 : vector<16xf32> to vector<1x16xf32>
      tpu.vector_store %arg7[%swap3A_239, %swap3A_240], %swap3A_243 {strides = array<i32>} : memref<128x128xf32, #tpu.memory_space<vmem>>, vector<1x16xf32>,
      %swap3A_244 = arith.index_cast %add3A_176 : i32 to index
      %swap3A_245 = arith.constant 80 : index
      %swap3A_246 = tpu.vector_load %arg7[%swap3A_244, %swap3A_245] {strides = array<i32>} : memref<128x128xf32, #tpu.memory_space<vmem>>, vector<1x16xf32>,
      %swap3A_247 = vector.shape_cast %swap3A_246 : vector<1x16xf32> to vector<16xf32>
      %swap3A_248 = vector.shape_cast %scan3A_217#5 : vector<16xf32> to vector<1x16xf32>
      tpu.vector_store %arg7[%swap3A_244, %swap3A_245], %swap3A_248 {strides = array<i32>} : memref<128x128xf32, #tpu.memory_space<vmem>>, vector<1x16xf32>,
      %swap3A_249 = arith.index_cast %add3A_176 : i32 to index
      %swap3A_250 = arith.constant 96 : index
      %swap3A_251 = tpu.vector_load %arg7[%swap3A_249, %swap3A_250] {strides = array<i32>} : memref<128x128xf32, #tpu.memory_space<vmem>>, vector<1x16xf32>,
      %swap3A_252 = vector.shape_cast %swap3A_251 : vector<1x16xf32> to vector<16xf32>
      %swap3A_253 = vector.shape_cast %scan3A_217#6 : vector<16xf32> to vector<1x16xf32>
      tpu.vector_store %arg7[%swap3A_249, %swap3A_250], %swap3A_253 {strides = array<i32>} : memref<128x128xf32, #tpu.memory_space<vmem>>, vector<1x16xf32>,
      %swap3A_254 = arith.index_cast %add3A_176 : i32 to index
      %swap3A_255 = arith.constant 112 : index
      %swap3A_256 = tpu.vector_load %arg7[%swap3A_254, %swap3A_255] {strides = array<i32>} : memref<128x128xf32, #tpu.memory_space<vmem>>, vector<1x16xf32>,
      %swap3A_257 = vector.shape_cast %swap3A_256 : vector<1x16xf32> to vector<16xf32>
      %swap3A_258 = vector.shape_cast %scan3A_217#7 : vector<16xf32> to vector<1x16xf32>
      tpu.vector_store %arg7[%swap3A_254, %swap3A_255], %swap3A_258 {strides = array<i32>} : memref<128x128xf32, #tpu.memory_space<vmem>>, vector<1x16xf32>,
      %mul3A_259 = arith.constant 8 : i32
      %mul3A_260 = arith.muli %scan3A_93, %mul3A_259 : i32
      %add3A_261 = arith.constant 2 : i32
      %add3A_262 = arith.addi %mul3A_260, %add3A_261 : i32
      %dma_wait3A_263 = arith.constant 2 : i32
      %dma_wait3A_264 = arith.constant 0 : i32
      %dma_wait3A_265 = arith.constant 0 : i32
      %dma_wait3A_266 = tpu.memref_slice %arg6[%dma_wait3A_263, %dma_wait3A_264, %dma_wait3A_265] : memref<8x50x128xf32, #tpu.memory_space<vmem>> -> memref<1x50x128xf32, #tpu.memory_space<vmem>>
      %dma_wait3A_267 = tpu.memref_squeeze %dma_wait3A_266 : memref<1x50x128xf32, #tpu.memory_space<vmem>> -> memref<50x128xf32, #tpu.memory_space<vmem>>
      %dma_wait3A_268 = arith.constant 0 : i32
      %dma_wait3A_269 = tpu.memref_slice %arg5[%add3A_262, %dma_wait3A_268] : memref<128x50xi32, #tpu.memory_space<vmem>> -> memref<1x50xi32, #tpu.memory_space<vmem>>
      %dma_wait3A_270 = tpu.memref_squeeze %dma_wait3A_269 : memref<1x50xi32, #tpu.memory_space<vmem>> -> memref<50xi32, #tpu.memory_space<vmem>>
      %dma_wait3A_271 = arith.constant 0 : i32
      %dma_wait3A_272 = arith.constant 0 : i32
      %dma_wait3A_273 = tpu.memref_slice %arg3[%dma_wait3A_271, %dma_wait3A_272] : memref<100000x128xf32, #tpu.memory_space<hbm>> -> memref<100000x128xf32, #tpu.memory_space<hbm>>
      tpu.wait_indirect_dma semaphore(%arg10 : memref<!tpu.dma_semaphore, #tpu.memory_space<semaphore_mem>>) src(%dma_wait3A_273 : memref<100000x128xf32, #tpu.memory_space<hbm>>) dst(%dma_wait3A_267 : memref<50x128xf32, #tpu.memory_space<vmem>>)
      %add3A_274 = arith.constant 8 : i32
      %add3A_275 = arith.addi %add3A_262, %add3A_274 : i32
      %sub3A_276 = arith.constant 1 : i32
      %sub3A_277 = arith.subi %add3A_275, %sub3A_276 : i32
      %lt3A_278 = arith.constant 128 : i32
      %lt3A_279 = arith.cmpi slt, %sub3A_277, %lt3A_278 : i32
      %convert_element_type3A_280 = arith.extui %lt3A_279 : i1 to i32
      %cond3A_281 = arith.constant 0 : i32
      %cond3A_282 = arith.cmpi ne, %convert_element_type3A_280, %cond3A_281 : i32
      scf.if %cond3A_282 {
        %add3A_775 = arith.constant 8 : i32
        %add3A_776 = arith.addi %add3A_262, %add3A_775 : i32
        %sub3A_777 = arith.constant 1 : i32
        %sub3A_778 = arith.subi %add3A_776, %sub3A_777 : i32
        %dma_start3A_779 = arith.constant 1 : i32
        %dma_start3A_780 = arith.constant 0 : i32
        %dma_start3A_781 = arith.constant 0 : i32
        %dma_start3A_782 = tpu.memref_slice %arg6[%dma_start3A_779, %dma_start3A_780, %dma_start3A_781] : memref<8x50x128xf32, #tpu.memory_space<vmem>> -> memref<1x50x128xf32, #tpu.memory_space<vmem>>
        %dma_start3A_783 = tpu.memref_squeeze %dma_start3A_782 : memref<1x50x128xf32, #tpu.memory_space<vmem>> -> memref<50x128xf32, #tpu.memory_space<vmem>>
        %dma_start3A_784 = arith.constant 0 : i32
        %dma_start3A_785 = tpu.memref_slice %arg5[%sub3A_778, %dma_start3A_784] : memref<128x50xi32, #tpu.memory_space<vmem>> -> memref<1x50xi32, #tpu.memory_space<vmem>>
        %dma_start3A_786 = tpu.memref_squeeze %dma_start3A_785 : memref<1x50xi32, #tpu.memory_space<vmem>> -> memref<50xi32, #tpu.memory_space<vmem>>
        %dma_start3A_787 = arith.constant 0 : i32
        %dma_start3A_788 = arith.constant 0 : i32
        %dma_start3A_789 = tpu.memref_slice %arg3[%dma_start3A_787, %dma_start3A_788] : memref<100000x128xf32, #tpu.memory_space<hbm>> -> memref<100000x128xf32, #tpu.memory_space<hbm>>
        tpu.enqueue_indirect_dma source(%dma_start3A_789 : memref<100000x128xf32, #tpu.memory_space<hbm>>) target(%dma_start3A_783 : memref<50x128xf32, #tpu.memory_space<vmem>>) offsets(%dma_start3A_786 : memref<50xi32, #tpu.memory_space<vmem>>) semaphore(%arg9 : memref<!tpu.dma_semaphore, #tpu.memory_space<semaphore_mem>>)
      } else {
      }
      %broadcast_in_dim3A_283 = arith.constant 0.000000e+00 : f32
      %broadcast_in_dim3A_284 = vector.broadcast %broadcast_in_dim3A_283 : f32 to vector<16xf32>
      %broadcast_in_dim3A_285 = arith.constant 0.000000e+00 : f32
      %broadcast_in_dim3A_286 = vector.broadcast %broadcast_in_dim3A_285 : f32 to vector<16xf32>
      %broadcast_in_dim3A_287 = arith.constant 0.000000e+00 : f32
      %broadcast_in_dim3A_288 = vector.broadcast %broadcast_in_dim3A_287 : f32 to vector<16xf32>
      %broadcast_in_dim3A_289 = arith.constant 0.000000e+00 : f32
      %broadcast_in_dim3A_290 = vector.broadcast %broadcast_in_dim3A_289 : f32 to vector<16xf32>
      %broadcast_in_dim3A_291 = arith.constant 0.000000e+00 : f32
      %broadcast_in_dim3A_292 = vector.broadcast %broadcast_in_dim3A_291 : f32 to vector<16xf32>
      %broadcast_in_dim3A_293 = arith.constant 0.000000e+00 : f32
      %broadcast_in_dim3A_294 = vector.broadcast %broadcast_in_dim3A_293 : f32 to vector<16xf32>
      %broadcast_in_dim3A_295 = arith.constant 0.000000e+00 : f32
      %broadcast_in_dim3A_296 = vector.broadcast %broadcast_in_dim3A_295 : f32 to vector<16xf32>
      %broadcast_in_dim3A_297 = arith.constant 0.000000e+00 : f32
      %broadcast_in_dim3A_298 = vector.broadcast %broadcast_in_dim3A_297 : f32 to vector<16xf32>
      %scan3A_299 = arith.constant 0 : i32
      %scan3A_300 = arith.constant 25 : i32
      %scan3A_301 = arith.addi %scan3A_299, %scan3A_300 : i32
      %scan3A_302 = arith.constant 1 : i32
      %scan3A_303:8 = scf.for %scan3A_775 = %scan3A_299 to %scan3A_301 step %scan3A_302 iter_args(%scan3A_776 = %broadcast_in_dim3A_284, %scan3A_777 = %broadcast_in_dim3A_286, %scan3A_778 = %broadcast_in_dim3A_288, %scan3A_779 = %broadcast_in_dim3A_290, %scan3A_780 = %broadcast_in_dim3A_292, %scan3A_781 = %broadcast_in_dim3A_294, %scan3A_782 = %broadcast_in_dim3A_296, %scan3A_783 = %broadcast_in_dim3A_298) -> (vector<16xf32>, vector<16xf32>, vector<16xf32>, vector<16xf32>, vector<16xf32>, vector<16xf32>, vector<16xf32>, vector<16xf32>)  : i32 {
        %mul3A_784 = arith.constant 2 : i32
        %mul3A_785 = arith.muli %mul3A_784, %scan3A_775 : i32
        %add3A_786 = arith.constant 0 : i32
        %add3A_787 = arith.addi %mul3A_785, %add3A_786 : i32
        %get3A = arith.constant 2 : i32
        %get3A_788 = arith.index_cast %get3A : i32 to index
        %get3A_789 = arith.index_cast %add3A_787 : i32 to index
        %get3A_790 = arith.constant 0 : index
        %get3A_791 = tpu.vector_load %arg6[%get3A_788, %get3A_789, %get3A_790] {strides = array<i32>} : memref<8x50x128xf32, #tpu.memory_space<vmem>>, vector<1x1x16xf32>,
        %get3A_792 = vector.shape_cast %get3A_791 : vector<1x1x16xf32> to vector<16xf32>
        %add3A_793 = arith.addf %scan3A_776, %get3A_792 : vector<16xf32>
        %get3A_794 = arith.constant 2 : i32
        %get3A_795 = arith.index_cast %get3A_794 : i32 to index
        %get3A_796 = arith.index_cast %add3A_787 : i32 to index
        %get3A_797 = arith.constant 16 : index
        %get3A_798 = tpu.vector_load %arg6[%get3A_795, %get3A_796, %get3A_797] {strides = array<i32>} : memref<8x50x128xf32, #tpu.memory_space<vmem>>, vector<1x1x16xf32>,
        %get3A_799 = vector.shape_cast %get3A_798 : vector<1x1x16xf32> to vector<16xf32>
        %add3A_800 = arith.addf %scan3A_777, %get3A_799 : vector<16xf32>
        %get3A_801 = arith.constant 2 : i32
        %get3A_802 = arith.index_cast %get3A_801 : i32 to index
        %get3A_803 = arith.index_cast %add3A_787 : i32 to index
        %get3A_804 = arith.constant 32 : index
        %get3A_805 = tpu.vector_load %arg6[%get3A_802, %get3A_803, %get3A_804] {strides = array<i32>} : memref<8x50x128xf32, #tpu.memory_space<vmem>>, vector<1x1x16xf32>,
        %get3A_806 = vector.shape_cast %get3A_805 : vector<1x1x16xf32> to vector<16xf32>
        %add3A_807 = arith.addf %scan3A_778, %get3A_806 : vector<16xf32>
        %get3A_808 = arith.constant 2 : i32
        %get3A_809 = arith.index_cast %get3A_808 : i32 to index
        %get3A_810 = arith.index_cast %add3A_787 : i32 to index
        %get3A_811 = arith.constant 48 : index
        %get3A_812 = tpu.vector_load %arg6[%get3A_809, %get3A_810, %get3A_811] {strides = array<i32>} : memref<8x50x128xf32, #tpu.memory_space<vmem>>, vector<1x1x16xf32>,
        %get3A_813 = vector.shape_cast %get3A_812 : vector<1x1x16xf32> to vector<16xf32>
        %add3A_814 = arith.addf %scan3A_779, %get3A_813 : vector<16xf32>
        %get3A_815 = arith.constant 2 : i32
        %get3A_816 = arith.index_cast %get3A_815 : i32 to index
        %get3A_817 = arith.index_cast %add3A_787 : i32 to index
        %get3A_818 = arith.constant 64 : index
        %get3A_819 = tpu.vector_load %arg6[%get3A_816, %get3A_817, %get3A_818] {strides = array<i32>} : memref<8x50x128xf32, #tpu.memory_space<vmem>>, vector<1x1x16xf32>,
        %get3A_820 = vector.shape_cast %get3A_819 : vector<1x1x16xf32> to vector<16xf32>
        %add3A_821 = arith.addf %scan3A_780, %get3A_820 : vector<16xf32>
        %get3A_822 = arith.constant 2 : i32
        %get3A_823 = arith.index_cast %get3A_822 : i32 to index
        %get3A_824 = arith.index_cast %add3A_787 : i32 to index
        %get3A_825 = arith.constant 80 : index
        %get3A_826 = tpu.vector_load %arg6[%get3A_823, %get3A_824, %get3A_825] {strides = array<i32>} : memref<8x50x128xf32, #tpu.memory_space<vmem>>, vector<1x1x16xf32>,
        %get3A_827 = vector.shape_cast %get3A_826 : vector<1x1x16xf32> to vector<16xf32>
        %add3A_828 = arith.addf %scan3A_781, %get3A_827 : vector<16xf32>
        %get3A_829 = arith.constant 2 : i32
        %get3A_830 = arith.index_cast %get3A_829 : i32 to index
        %get3A_831 = arith.index_cast %add3A_787 : i32 to index
        %get3A_832 = arith.constant 96 : index
        %get3A_833 = tpu.vector_load %arg6[%get3A_830, %get3A_831, %get3A_832] {strides = array<i32>} : memref<8x50x128xf32, #tpu.memory_space<vmem>>, vector<1x1x16xf32>,
        %get3A_834 = vector.shape_cast %get3A_833 : vector<1x1x16xf32> to vector<16xf32>
        %add3A_835 = arith.addf %scan3A_782, %get3A_834 : vector<16xf32>
        %get3A_836 = arith.constant 2 : i32
        %get3A_837 = arith.index_cast %get3A_836 : i32 to index
        %get3A_838 = arith.index_cast %add3A_787 : i32 to index
        %get3A_839 = arith.constant 112 : index
        %get3A_840 = tpu.vector_load %arg6[%get3A_837, %get3A_838, %get3A_839] {strides = array<i32>} : memref<8x50x128xf32, #tpu.memory_space<vmem>>, vector<1x1x16xf32>,
        %get3A_841 = vector.shape_cast %get3A_840 : vector<1x1x16xf32> to vector<16xf32>
        %add3A_842 = arith.addf %scan3A_783, %get3A_841 : vector<16xf32>
        %mul3A_843 = arith.constant 2 : i32
        %mul3A_844 = arith.muli %mul3A_843, %scan3A_775 : i32
        %add3A_845 = arith.constant 1 : i32
        %add3A_846 = arith.addi %mul3A_844, %add3A_845 : i32
        %get3A_847 = arith.constant 2 : i32
        %get3A_848 = arith.index_cast %get3A_847 : i32 to index
        %get3A_849 = arith.index_cast %add3A_846 : i32 to index
        %get3A_850 = arith.constant 0 : index
        %get3A_851 = tpu.vector_load %arg6[%get3A_848, %get3A_849, %get3A_850] {strides = array<i32>} : memref<8x50x128xf32, #tpu.memory_space<vmem>>, vector<1x1x16xf32>,
        %get3A_852 = vector.shape_cast %get3A_851 : vector<1x1x16xf32> to vector<16xf32>
        %add3A_853 = arith.addf %add3A_793, %get3A_852 : vector<16xf32>
        %get3A_854 = arith.constant 2 : i32
        %get3A_855 = arith.index_cast %get3A_854 : i32 to index
        %get3A_856 = arith.index_cast %add3A_846 : i32 to index
        %get3A_857 = arith.constant 16 : index
        %get3A_858 = tpu.vector_load %arg6[%get3A_855, %get3A_856, %get3A_857] {strides = array<i32>} : memref<8x50x128xf32, #tpu.memory_space<vmem>>, vector<1x1x16xf32>,
        %get3A_859 = vector.shape_cast %get3A_858 : vector<1x1x16xf32> to vector<16xf32>
        %add3A_860 = arith.addf %add3A_800, %get3A_859 : vector<16xf32>
        %get3A_861 = arith.constant 2 : i32
        %get3A_862 = arith.index_cast %get3A_861 : i32 to index
        %get3A_863 = arith.index_cast %add3A_846 : i32 to index
        %get3A_864 = arith.constant 32 : index
        %get3A_865 = tpu.vector_load %arg6[%get3A_862, %get3A_863, %get3A_864] {strides = array<i32>} : memref<8x50x128xf32, #tpu.memory_space<vmem>>, vector<1x1x16xf32>,
        %get3A_866 = vector.shape_cast %get3A_865 : vector<1x1x16xf32> to vector<16xf32>
        %add3A_867 = arith.addf %add3A_807, %get3A_866 : vector<16xf32>
        %get3A_868 = arith.constant 2 : i32
        %get3A_869 = arith.index_cast %get3A_868 : i32 to index
        %get3A_870 = arith.index_cast %add3A_846 : i32 to index
        %get3A_871 = arith.constant 48 : index
        %get3A_872 = tpu.vector_load %arg6[%get3A_869, %get3A_870, %get3A_871] {strides = array<i32>} : memref<8x50x128xf32, #tpu.memory_space<vmem>>, vector<1x1x16xf32>,
        %get3A_873 = vector.shape_cast %get3A_872 : vector<1x1x16xf32> to vector<16xf32>
        %add3A_874 = arith.addf %add3A_814, %get3A_873 : vector<16xf32>
        %get3A_875 = arith.constant 2 : i32
        %get3A_876 = arith.index_cast %get3A_875 : i32 to index
        %get3A_877 = arith.index_cast %add3A_846 : i32 to index
        %get3A_878 = arith.constant 64 : index
        %get3A_879 = tpu.vector_load %arg6[%get3A_876, %get3A_877, %get3A_878] {strides = array<i32>} : memref<8x50x128xf32, #tpu.memory_space<vmem>>, vector<1x1x16xf32>,
        %get3A_880 = vector.shape_cast %get3A_879 : vector<1x1x16xf32> to vector<16xf32>
        %add3A_881 = arith.addf %add3A_821, %get3A_880 : vector<16xf32>
        %get3A_882 = arith.constant 2 : i32
        %get3A_883 = arith.index_cast %get3A_882 : i32 to index
        %get3A_884 = arith.index_cast %add3A_846 : i32 to index
        %get3A_885 = arith.constant 80 : index
        %get3A_886 = tpu.vector_load %arg6[%get3A_883, %get3A_884, %get3A_885] {strides = array<i32>} : memref<8x50x128xf32, #tpu.memory_space<vmem>>, vector<1x1x16xf32>,
        %get3A_887 = vector.shape_cast %get3A_886 : vector<1x1x16xf32> to vector<16xf32>
        %add3A_888 = arith.addf %add3A_828, %get3A_887 : vector<16xf32>
        %get3A_889 = arith.constant 2 : i32
        %get3A_890 = arith.index_cast %get3A_889 : i32 to index
        %get3A_891 = arith.index_cast %add3A_846 : i32 to index
        %get3A_892 = arith.constant 96 : index
        %get3A_893 = tpu.vector_load %arg6[%get3A_890, %get3A_891, %get3A_892] {strides = array<i32>} : memref<8x50x128xf32, #tpu.memory_space<vmem>>, vector<1x1x16xf32>,
        %get3A_894 = vector.shape_cast %get3A_893 : vector<1x1x16xf32> to vector<16xf32>
        %add3A_895 = arith.addf %add3A_835, %get3A_894 : vector<16xf32>
        %get3A_896 = arith.constant 2 : i32
        %get3A_897 = arith.index_cast %get3A_896 : i32 to index
        %get3A_898 = arith.index_cast %add3A_846 : i32 to index
        %get3A_899 = arith.constant 112 : index
        %get3A_900 = tpu.vector_load %arg6[%get3A_897, %get3A_898, %get3A_899] {strides = array<i32>} : memref<8x50x128xf32, #tpu.memory_space<vmem>>, vector<1x1x16xf32>,
        %get3A_901 = vector.shape_cast %get3A_900 : vector<1x1x16xf32> to vector<16xf32>
        %add3A_902 = arith.addf %add3A_842, %get3A_901 : vector<16xf32>
        scf.yield %add3A_853, %add3A_860, %add3A_867, %add3A_874, %add3A_881, %add3A_888, %add3A_895, %add3A_902 : vector<16xf32>, vector<16xf32>, vector<16xf32>, vector<16xf32>, vector<16xf32>, vector<16xf32>, vector<16xf32>, vector<16xf32>
      }
      %scan3A_304 = arith.constant 25 : i32
      %swap3A_305 = arith.index_cast %add3A_262 : i32 to index
      %swap3A_306 = arith.constant 0 : index
      %swap3A_307 = tpu.vector_load %arg7[%swap3A_305, %swap3A_306] {strides = array<i32>} : memref<128x128xf32, #tpu.memory_space<vmem>>, vector<1x16xf32>,
      %swap3A_308 = vector.shape_cast %swap3A_307 : vector<1x16xf32> to vector<16xf32>
      %swap3A_309 = vector.shape_cast %scan3A_303#0 : vector<16xf32> to vector<1x16xf32>
      tpu.vector_store %arg7[%swap3A_305, %swap3A_306], %swap3A_309 {strides = array<i32>} : memref<128x128xf32, #tpu.memory_space<vmem>>, vector<1x16xf32>,
      %swap3A_310 = arith.index_cast %add3A_262 : i32 to index
      %swap3A_311 = arith.constant 16 : index
      %swap3A_312 = tpu.vector_load %arg7[%swap3A_310, %swap3A_311] {strides = array<i32>} : memref<128x128xf32, #tpu.memory_space<vmem>>, vector<1x16xf32>,
      %swap3A_313 = vector.shape_cast %swap3A_312 : vector<1x16xf32> to vector<16xf32>
      %swap3A_314 = vector.shape_cast %scan3A_303#1 : vector<16xf32> to vector<1x16xf32>
      tpu.vector_store %arg7[%swap3A_310, %swap3A_311], %swap3A_314 {strides = array<i32>} : memref<128x128xf32, #tpu.memory_space<vmem>>, vector<1x16xf32>,
      %swap3A_315 = arith.index_cast %add3A_262 : i32 to index
      %swap3A_316 = arith.constant 32 : index
      %swap3A_317 = tpu.vector_load %arg7[%swap3A_315, %swap3A_316] {strides = array<i32>} : memref<128x128xf32, #tpu.memory_space<vmem>>, vector<1x16xf32>,
      %swap3A_318 = vector.shape_cast %swap3A_317 : vector<1x16xf32> to vector<16xf32>
      %swap3A_319 = vector.shape_cast %scan3A_303#2 : vector<16xf32> to vector<1x16xf32>
      tpu.vector_store %arg7[%swap3A_315, %swap3A_316], %swap3A_319 {strides = array<i32>} : memref<128x128xf32, #tpu.memory_space<vmem>>, vector<1x16xf32>,
      %swap3A_320 = arith.index_cast %add3A_262 : i32 to index
      %swap3A_321 = arith.constant 48 : index
      %swap3A_322 = tpu.vector_load %arg7[%swap3A_320, %swap3A_321] {strides = array<i32>} : memref<128x128xf32, #tpu.memory_space<vmem>>, vector<1x16xf32>,
      %swap3A_323 = vector.shape_cast %swap3A_322 : vector<1x16xf32> to vector<16xf32>
      %swap3A_324 = vector.shape_cast %scan3A_303#3 : vector<16xf32> to vector<1x16xf32>
      tpu.vector_store %arg7[%swap3A_320, %swap3A_321], %swap3A_324 {strides = array<i32>} : memref<128x128xf32, #tpu.memory_space<vmem>>, vector<1x16xf32>,
      %swap3A_325 = arith.index_cast %add3A_262 : i32 to index
      %swap3A_326 = arith.constant 64 : index
      %swap3A_327 = tpu.vector_load %arg7[%swap3A_325, %swap3A_326] {strides = array<i32>} : memref<128x128xf32, #tpu.memory_space<vmem>>, vector<1x16xf32>,
      %swap3A_328 = vector.shape_cast %swap3A_327 : vector<1x16xf32> to vector<16xf32>
      %swap3A_329 = vector.shape_cast %scan3A_303#4 : vector<16xf32> to vector<1x16xf32>
      tpu.vector_store %arg7[%swap3A_325, %swap3A_326], %swap3A_329 {strides = array<i32>} : memref<128x128xf32, #tpu.memory_space<vmem>>, vector<1x16xf32>,
      %swap3A_330 = arith.index_cast %add3A_262 : i32 to index
      %swap3A_331 = arith.constant 80 : index
      %swap3A_332 = tpu.vector_load %arg7[%swap3A_330, %swap3A_331] {strides = array<i32>} : memref<128x128xf32, #tpu.memory_space<vmem>>, vector<1x16xf32>,
      %swap3A_333 = vector.shape_cast %swap3A_332 : vector<1x16xf32> to vector<16xf32>
      %swap3A_334 = vector.shape_cast %scan3A_303#5 : vector<16xf32> to vector<1x16xf32>
      tpu.vector_store %arg7[%swap3A_330, %swap3A_331], %swap3A_334 {strides = array<i32>} : memref<128x128xf32, #tpu.memory_space<vmem>>, vector<1x16xf32>,
      %swap3A_335 = arith.index_cast %add3A_262 : i32 to index
      %swap3A_336 = arith.constant 96 : index
      %swap3A_337 = tpu.vector_load %arg7[%swap3A_335, %swap3A_336] {strides = array<i32>} : memref<128x128xf32, #tpu.memory_space<vmem>>, vector<1x16xf32>,
      %swap3A_338 = vector.shape_cast %swap3A_337 : vector<1x16xf32> to vector<16xf32>
      %swap3A_339 = vector.shape_cast %scan3A_303#6 : vector<16xf32> to vector<1x16xf32>
      tpu.vector_store %arg7[%swap3A_335, %swap3A_336], %swap3A_339 {strides = array<i32>} : memref<128x128xf32, #tpu.memory_space<vmem>>, vector<1x16xf32>,
      %swap3A_340 = arith.index_cast %add3A_262 : i32 to index
      %swap3A_341 = arith.constant 112 : index
      %swap3A_342 = tpu.vector_load %arg7[%swap3A_340, %swap3A_341] {strides = array<i32>} : memref<128x128xf32, #tpu.memory_space<vmem>>, vector<1x16xf32>,
      %swap3A_343 = vector.shape_cast %swap3A_342 : vector<1x16xf32> to vector<16xf32>
      %swap3A_344 = vector.shape_cast %scan3A_303#7 : vector<16xf32> to vector<1x16xf32>
      tpu.vector_store %arg7[%swap3A_340, %swap3A_341], %swap3A_344 {strides = array<i32>} : memref<128x128xf32, #tpu.memory_space<vmem>>, vector<1x16xf32>,
      %mul3A_345 = arith.constant 8 : i32
      %mul3A_346 = arith.muli %scan3A_93, %mul3A_345 : i32
      %add3A_347 = arith.constant 3 : i32
      %add3A_348 = arith.addi %mul3A_346, %add3A_347 : i32
      %dma_wait3A_349 = arith.constant 3 : i32
      %dma_wait3A_350 = arith.constant 0 : i32
      %dma_wait3A_351 = arith.constant 0 : i32
      %dma_wait3A_352 = tpu.memref_slice %arg6[%dma_wait3A_349, %dma_wait3A_350, %dma_wait3A_351] : memref<8x50x128xf32, #tpu.memory_space<vmem>> -> memref<1x50x128xf32, #tpu.memory_space<vmem>>
      %dma_wait3A_353 = tpu.memref_squeeze %dma_wait3A_352 : memref<1x50x128xf32, #tpu.memory_space<vmem>> -> memref<50x128xf32, #tpu.memory_space<vmem>>
      %dma_wait3A_354 = arith.constant 0 : i32
      %dma_wait3A_355 = tpu.memref_slice %arg5[%add3A_348, %dma_wait3A_354] : memref<128x50xi32, #tpu.memory_space<vmem>> -> memref<1x50xi32, #tpu.memory_space<vmem>>
      %dma_wait3A_356 = tpu.memref_squeeze %dma_wait3A_355 : memref<1x50xi32, #tpu.memory_space<vmem>> -> memref<50xi32, #tpu.memory_space<vmem>>
      %dma_wait3A_357 = arith.constant 0 : i32
      %dma_wait3A_358 = arith.constant 0 : i32
      %dma_wait3A_359 = tpu.memref_slice %arg3[%dma_wait3A_357, %dma_wait3A_358] : memref<100000x128xf32, #tpu.memory_space<hbm>> -> memref<100000x128xf32, #tpu.memory_space<hbm>>
      tpu.wait_indirect_dma semaphore(%arg11 : memref<!tpu.dma_semaphore, #tpu.memory_space<semaphore_mem>>) src(%dma_wait3A_359 : memref<100000x128xf32, #tpu.memory_space<hbm>>) dst(%dma_wait3A_353 : memref<50x128xf32, #tpu.memory_space<vmem>>)
      %add3A_360 = arith.constant 8 : i32
      %add3A_361 = arith.addi %add3A_348, %add3A_360 : i32
      %sub3A_362 = arith.constant 1 : i32
      %sub3A_363 = arith.subi %add3A_361, %sub3A_362 : i32
      %lt3A_364 = arith.constant 128 : i32
      %lt3A_365 = arith.cmpi slt, %sub3A_363, %lt3A_364 : i32
      %convert_element_type3A_366 = arith.extui %lt3A_365 : i1 to i32
      %cond3A_367 = arith.constant 0 : i32
      %cond3A_368 = arith.cmpi ne, %convert_element_type3A_366, %cond3A_367 : i32
      scf.if %cond3A_368 {
        %add3A_775 = arith.constant 8 : i32
        %add3A_776 = arith.addi %add3A_348, %add3A_775 : i32
        %sub3A_777 = arith.constant 1 : i32
        %sub3A_778 = arith.subi %add3A_776, %sub3A_777 : i32
        %dma_start3A_779 = arith.constant 2 : i32
        %dma_start3A_780 = arith.constant 0 : i32
        %dma_start3A_781 = arith.constant 0 : i32
        %dma_start3A_782 = tpu.memref_slice %arg6[%dma_start3A_779, %dma_start3A_780, %dma_start3A_781] : memref<8x50x128xf32, #tpu.memory_space<vmem>> -> memref<1x50x128xf32, #tpu.memory_space<vmem>>
        %dma_start3A_783 = tpu.memref_squeeze %dma_start3A_782 : memref<1x50x128xf32, #tpu.memory_space<vmem>> -> memref<50x128xf32, #tpu.memory_space<vmem>>
        %dma_start3A_784 = arith.constant 0 : i32
        %dma_start3A_785 = tpu.memref_slice %arg5[%sub3A_778, %dma_start3A_784] : memref<128x50xi32, #tpu.memory_space<vmem>> -> memref<1x50xi32, #tpu.memory_space<vmem>>
        %dma_start3A_786 = tpu.memref_squeeze %dma_start3A_785 : memref<1x50xi32, #tpu.memory_space<vmem>> -> memref<50xi32, #tpu.memory_space<vmem>>
        %dma_start3A_787 = arith.constant 0 : i32
        %dma_start3A_788 = arith.constant 0 : i32
        %dma_start3A_789 = tpu.memref_slice %arg3[%dma_start3A_787, %dma_start3A_788] : memref<100000x128xf32, #tpu.memory_space<hbm>> -> memref<100000x128xf32, #tpu.memory_space<hbm>>
        tpu.enqueue_indirect_dma source(%dma_start3A_789 : memref<100000x128xf32, #tpu.memory_space<hbm>>) target(%dma_start3A_783 : memref<50x128xf32, #tpu.memory_space<vmem>>) offsets(%dma_start3A_786 : memref<50xi32, #tpu.memory_space<vmem>>) semaphore(%arg10 : memref<!tpu.dma_semaphore, #tpu.memory_space<semaphore_mem>>)
      } else {
      }
      %broadcast_in_dim3A_369 = arith.constant 0.000000e+00 : f32
      %broadcast_in_dim3A_370 = vector.broadcast %broadcast_in_dim3A_369 : f32 to vector<16xf32>
      %broadcast_in_dim3A_371 = arith.constant 0.000000e+00 : f32
      %broadcast_in_dim3A_372 = vector.broadcast %broadcast_in_dim3A_371 : f32 to vector<16xf32>
      %broadcast_in_dim3A_373 = arith.constant 0.000000e+00 : f32
      %broadcast_in_dim3A_374 = vector.broadcast %broadcast_in_dim3A_373 : f32 to vector<16xf32>
      %broadcast_in_dim3A_375 = arith.constant 0.000000e+00 : f32
      %broadcast_in_dim3A_376 = vector.broadcast %broadcast_in_dim3A_375 : f32 to vector<16xf32>
      %broadcast_in_dim3A_377 = arith.constant 0.000000e+00 : f32
      %broadcast_in_dim3A_378 = vector.broadcast %broadcast_in_dim3A_377 : f32 to vector<16xf32>
      %broadcast_in_dim3A_379 = arith.constant 0.000000e+00 : f32
      %broadcast_in_dim3A_380 = vector.broadcast %broadcast_in_dim3A_379 : f32 to vector<16xf32>
      %broadcast_in_dim3A_381 = arith.constant 0.000000e+00 : f32
      %broadcast_in_dim3A_382 = vector.broadcast %broadcast_in_dim3A_381 : f32 to vector<16xf32>
      %broadcast_in_dim3A_383 = arith.constant 0.000000e+00 : f32
      %broadcast_in_dim3A_384 = vector.broadcast %broadcast_in_dim3A_383 : f32 to vector<16xf32>
      %scan3A_385 = arith.constant 0 : i32
      %scan3A_386 = arith.constant 25 : i32
      %scan3A_387 = arith.addi %scan3A_385, %scan3A_386 : i32
      %scan3A_388 = arith.constant 1 : i32
      %scan3A_389:8 = scf.for %scan3A_775 = %scan3A_385 to %scan3A_387 step %scan3A_388 iter_args(%scan3A_776 = %broadcast_in_dim3A_370, %scan3A_777 = %broadcast_in_dim3A_372, %scan3A_778 = %broadcast_in_dim3A_374, %scan3A_779 = %broadcast_in_dim3A_376, %scan3A_780 = %broadcast_in_dim3A_378, %scan3A_781 = %broadcast_in_dim3A_380, %scan3A_782 = %broadcast_in_dim3A_382, %scan3A_783 = %broadcast_in_dim3A_384) -> (vector<16xf32>, vector<16xf32>, vector<16xf32>, vector<16xf32>, vector<16xf32>, vector<16xf32>, vector<16xf32>, vector<16xf32>)  : i32 {
        %mul3A_784 = arith.constant 2 : i32
        %mul3A_785 = arith.muli %mul3A_784, %scan3A_775 : i32
        %add3A_786 = arith.constant 0 : i32
        %add3A_787 = arith.addi %mul3A_785, %add3A_786 : i32
        %get3A = arith.constant 3 : i32
        %get3A_788 = arith.index_cast %get3A : i32 to index
        %get3A_789 = arith.index_cast %add3A_787 : i32 to index
        %get3A_790 = arith.constant 0 : index
        %get3A_791 = tpu.vector_load %arg6[%get3A_788, %get3A_789, %get3A_790] {strides = array<i32>} : memref<8x50x128xf32, #tpu.memory_space<vmem>>, vector<1x1x16xf32>,
        %get3A_792 = vector.shape_cast %get3A_791 : vector<1x1x16xf32> to vector<16xf32>
        %add3A_793 = arith.addf %scan3A_776, %get3A_792 : vector<16xf32>
        %get3A_794 = arith.constant 3 : i32
        %get3A_795 = arith.index_cast %get3A_794 : i32 to index
        %get3A_796 = arith.index_cast %add3A_787 : i32 to index
        %get3A_797 = arith.constant 16 : index
        %get3A_798 = tpu.vector_load %arg6[%get3A_795, %get3A_796, %get3A_797] {strides = array<i32>} : memref<8x50x128xf32, #tpu.memory_space<vmem>>, vector<1x1x16xf32>,
        %get3A_799 = vector.shape_cast %get3A_798 : vector<1x1x16xf32> to vector<16xf32>
        %add3A_800 = arith.addf %scan3A_777, %get3A_799 : vector<16xf32>
        %get3A_801 = arith.constant 3 : i32
        %get3A_802 = arith.index_cast %get3A_801 : i32 to index
        %get3A_803 = arith.index_cast %add3A_787 : i32 to index
        %get3A_804 = arith.constant 32 : index
        %get3A_805 = tpu.vector_load %arg6[%get3A_802, %get3A_803, %get3A_804] {strides = array<i32>} : memref<8x50x128xf32, #tpu.memory_space<vmem>>, vector<1x1x16xf32>,
        %get3A_806 = vector.shape_cast %get3A_805 : vector<1x1x16xf32> to vector<16xf32>
        %add3A_807 = arith.addf %scan3A_778, %get3A_806 : vector<16xf32>
        %get3A_808 = arith.constant 3 : i32
        %get3A_809 = arith.index_cast %get3A_808 : i32 to index
        %get3A_810 = arith.index_cast %add3A_787 : i32 to index
        %get3A_811 = arith.constant 48 : index
        %get3A_812 = tpu.vector_load %arg6[%get3A_809, %get3A_810, %get3A_811] {strides = array<i32>} : memref<8x50x128xf32, #tpu.memory_space<vmem>>, vector<1x1x16xf32>,
        %get3A_813 = vector.shape_cast %get3A_812 : vector<1x1x16xf32> to vector<16xf32>
        %add3A_814 = arith.addf %scan3A_779, %get3A_813 : vector<16xf32>
        %get3A_815 = arith.constant 3 : i32
        %get3A_816 = arith.index_cast %get3A_815 : i32 to index
        %get3A_817 = arith.index_cast %add3A_787 : i32 to index
        %get3A_818 = arith.constant 64 : index
        %get3A_819 = tpu.vector_load %arg6[%get3A_816, %get3A_817, %get3A_818] {strides = array<i32>} : memref<8x50x128xf32, #tpu.memory_space<vmem>>, vector<1x1x16xf32>,
        %get3A_820 = vector.shape_cast %get3A_819 : vector<1x1x16xf32> to vector<16xf32>
        %add3A_821 = arith.addf %scan3A_780, %get3A_820 : vector<16xf32>
        %get3A_822 = arith.constant 3 : i32
        %get3A_823 = arith.index_cast %get3A_822 : i32 to index
        %get3A_824 = arith.index_cast %add3A_787 : i32 to index
        %get3A_825 = arith.constant 80 : index
        %get3A_826 = tpu.vector_load %arg6[%get3A_823, %get3A_824, %get3A_825] {strides = array<i32>} : memref<8x50x128xf32, #tpu.memory_space<vmem>>, vector<1x1x16xf32>,
        %get3A_827 = vector.shape_cast %get3A_826 : vector<1x1x16xf32> to vector<16xf32>
        %add3A_828 = arith.addf %scan3A_781, %get3A_827 : vector<16xf32>
        %get3A_829 = arith.constant 3 : i32
        %get3A_830 = arith.index_cast %get3A_829 : i32 to index
        %get3A_831 = arith.index_cast %add3A_787 : i32 to index
        %get3A_832 = arith.constant 96 : index
        %get3A_833 = tpu.vector_load %arg6[%get3A_830, %get3A_831, %get3A_832] {strides = array<i32>} : memref<8x50x128xf32, #tpu.memory_space<vmem>>, vector<1x1x16xf32>,
        %get3A_834 = vector.shape_cast %get3A_833 : vector<1x1x16xf32> to vector<16xf32>
        %add3A_835 = arith.addf %scan3A_782, %get3A_834 : vector<16xf32>
        %get3A_836 = arith.constant 3 : i32
        %get3A_837 = arith.index_cast %get3A_836 : i32 to index
        %get3A_838 = arith.index_cast %add3A_787 : i32 to index
        %get3A_839 = arith.constant 112 : index
        %get3A_840 = tpu.vector_load %arg6[%get3A_837, %get3A_838, %get3A_839] {strides = array<i32>} : memref<8x50x128xf32, #tpu.memory_space<vmem>>, vector<1x1x16xf32>,
        %get3A_841 = vector.shape_cast %get3A_840 : vector<1x1x16xf32> to vector<16xf32>
        %add3A_842 = arith.addf %scan3A_783, %get3A_841 : vector<16xf32>
        %mul3A_843 = arith.constant 2 : i32
        %mul3A_844 = arith.muli %mul3A_843, %scan3A_775 : i32
        %add3A_845 = arith.constant 1 : i32
        %add3A_846 = arith.addi %mul3A_844, %add3A_845 : i32
        %get3A_847 = arith.constant 3 : i32
        %get3A_848 = arith.index_cast %get3A_847 : i32 to index
        %get3A_849 = arith.index_cast %add3A_846 : i32 to index
        %get3A_850 = arith.constant 0 : index
        %get3A_851 = tpu.vector_load %arg6[%get3A_848, %get3A_849, %get3A_850] {strides = array<i32>} : memref<8x50x128xf32, #tpu.memory_space<vmem>>, vector<1x1x16xf32>,
        %get3A_852 = vector.shape_cast %get3A_851 : vector<1x1x16xf32> to vector<16xf32>
        %add3A_853 = arith.addf %add3A_793, %get3A_852 : vector<16xf32>
        %get3A_854 = arith.constant 3 : i32
        %get3A_855 = arith.index_cast %get3A_854 : i32 to index
        %get3A_856 = arith.index_cast %add3A_846 : i32 to index
        %get3A_857 = arith.constant 16 : index
        %get3A_858 = tpu.vector_load %arg6[%get3A_855, %get3A_856, %get3A_857] {strides = array<i32>} : memref<8x50x128xf32, #tpu.memory_space<vmem>>, vector<1x1x16xf32>,
        %get3A_859 = vector.shape_cast %get3A_858 : vector<1x1x16xf32> to vector<16xf32>
        %add3A_860 = arith.addf %add3A_800, %get3A_859 : vector<16xf32>
        %get3A_861 = arith.constant 3 : i32
        %get3A_862 = arith.index_cast %get3A_861 : i32 to index
        %get3A_863 = arith.index_cast %add3A_846 : i32 to index
        %get3A_864 = arith.constant 32 : index
        %get3A_865 = tpu.vector_load %arg6[%get3A_862, %get3A_863, %get3A_864] {strides = array<i32>} : memref<8x50x128xf32, #tpu.memory_space<vmem>>, vector<1x1x16xf32>,
        %get3A_866 = vector.shape_cast %get3A_865 : vector<1x1x16xf32> to vector<16xf32>
        %add3A_867 = arith.addf %add3A_807, %get3A_866 : vector<16xf32>
        %get3A_868 = arith.constant 3 : i32
        %get3A_869 = arith.index_cast %get3A_868 : i32 to index
        %get3A_870 = arith.index_cast %add3A_846 : i32 to index
        %get3A_871 = arith.constant 48 : index
        %get3A_872 = tpu.vector_load %arg6[%get3A_869, %get3A_870, %get3A_871] {strides = array<i32>} : memref<8x50x128xf32, #tpu.memory_space<vmem>>, vector<1x1x16xf32>,
        %get3A_873 = vector.shape_cast %get3A_872 : vector<1x1x16xf32> to vector<16xf32>
        %add3A_874 = arith.addf %add3A_814, %get3A_873 : vector<16xf32>
        %get3A_875 = arith.constant 3 : i32
        %get3A_876 = arith.index_cast %get3A_875 : i32 to index
        %get3A_877 = arith.index_cast %add3A_846 : i32 to index
        %get3A_878 = arith.constant 64 : index
        %get3A_879 = tpu.vector_load %arg6[%get3A_876, %get3A_877, %get3A_878] {strides = array<i32>} : memref<8x50x128xf32, #tpu.memory_space<vmem>>, vector<1x1x16xf32>,
        %get3A_880 = vector.shape_cast %get3A_879 : vector<1x1x16xf32> to vector<16xf32>
        %add3A_881 = arith.addf %add3A_821, %get3A_880 : vector<16xf32>
        %get3A_882 = arith.constant 3 : i32
        %get3A_883 = arith.index_cast %get3A_882 : i32 to index
        %get3A_884 = arith.index_cast %add3A_846 : i32 to index
        %get3A_885 = arith.constant 80 : index
        %get3A_886 = tpu.vector_load %arg6[%get3A_883, %get3A_884, %get3A_885] {strides = array<i32>} : memref<8x50x128xf32, #tpu.memory_space<vmem>>, vector<1x1x16xf32>,
        %get3A_887 = vector.shape_cast %get3A_886 : vector<1x1x16xf32> to vector<16xf32>
        %add3A_888 = arith.addf %add3A_828, %get3A_887 : vector<16xf32>
        %get3A_889 = arith.constant 3 : i32
        %get3A_890 = arith.index_cast %get3A_889 : i32 to index
        %get3A_891 = arith.index_cast %add3A_846 : i32 to index
        %get3A_892 = arith.constant 96 : index
        %get3A_893 = tpu.vector_load %arg6[%get3A_890, %get3A_891, %get3A_892] {strides = array<i32>} : memref<8x50x128xf32, #tpu.memory_space<vmem>>, vector<1x1x16xf32>,
        %get3A_894 = vector.shape_cast %get3A_893 : vector<1x1x16xf32> to vector<16xf32>
        %add3A_895 = arith.addf %add3A_835, %get3A_894 : vector<16xf32>
        %get3A_896 = arith.constant 3 : i32
        %get3A_897 = arith.index_cast %get3A_896 : i32 to index
        %get3A_898 = arith.index_cast %add3A_846 : i32 to index
        %get3A_899 = arith.constant 112 : index
        %get3A_900 = tpu.vector_load %arg6[%get3A_897, %get3A_898, %get3A_899] {strides = array<i32>} : memref<8x50x128xf32, #tpu.memory_space<vmem>>, vector<1x1x16xf32>,
        %get3A_901 = vector.shape_cast %get3A_900 : vector<1x1x16xf32> to vector<16xf32>
        %add3A_902 = arith.addf %add3A_842, %get3A_901 : vector<16xf32>
        scf.yield %add3A_853, %add3A_860, %add3A_867, %add3A_874, %add3A_881, %add3A_888, %add3A_895, %add3A_902 : vector<16xf32>, vector<16xf32>, vector<16xf32>, vector<16xf32>, vector<16xf32>, vector<16xf32>, vector<16xf32>, vector<16xf32>
      }
      %scan3A_390 = arith.constant 25 : i32
      %swap3A_391 = arith.index_cast %add3A_348 : i32 to index
      %swap3A_392 = arith.constant 0 : index
      %swap3A_393 = tpu.vector_load %arg7[%swap3A_391, %swap3A_392] {strides = array<i32>} : memref<128x128xf32, #tpu.memory_space<vmem>>, vector<1x16xf32>,
      %swap3A_394 = vector.shape_cast %swap3A_393 : vector<1x16xf32> to vector<16xf32>
      %swap3A_395 = vector.shape_cast %scan3A_389#0 : vector<16xf32> to vector<1x16xf32>
      tpu.vector_store %arg7[%swap3A_391, %swap3A_392], %swap3A_395 {strides = array<i32>} : memref<128x128xf32, #tpu.memory_space<vmem>>, vector<1x16xf32>,
      %swap3A_396 = arith.index_cast %add3A_348 : i32 to index
      %swap3A_397 = arith.constant 16 : index
      %swap3A_398 = tpu.vector_load %arg7[%swap3A_396, %swap3A_397] {strides = array<i32>} : memref<128x128xf32, #tpu.memory_space<vmem>>, vector<1x16xf32>,
      %swap3A_399 = vector.shape_cast %swap3A_398 : vector<1x16xf32> to vector<16xf32>
      %swap3A_400 = vector.shape_cast %scan3A_389#1 : vector<16xf32> to vector<1x16xf32>
      tpu.vector_store %arg7[%swap3A_396, %swap3A_397], %swap3A_400 {strides = array<i32>} : memref<128x128xf32, #tpu.memory_space<vmem>>, vector<1x16xf32>,
      %swap3A_401 = arith.index_cast %add3A_348 : i32 to index
      %swap3A_402 = arith.constant 32 : index
      %swap3A_403 = tpu.vector_load %arg7[%swap3A_401, %swap3A_402] {strides = array<i32>} : memref<128x128xf32, #tpu.memory_space<vmem>>, vector<1x16xf32>,
      %swap3A_404 = vector.shape_cast %swap3A_403 : vector<1x16xf32> to vector<16xf32>
      %swap3A_405 = vector.shape_cast %scan3A_389#2 : vector<16xf32> to vector<1x16xf32>
      tpu.vector_store %arg7[%swap3A_401, %swap3A_402], %swap3A_405 {strides = array<i32>} : memref<128x128xf32, #tpu.memory_space<vmem>>, vector<1x16xf32>,
      %swap3A_406 = arith.index_cast %add3A_348 : i32 to index
      %swap3A_407 = arith.constant 48 : index
      %swap3A_408 = tpu.vector_load %arg7[%swap3A_406, %swap3A_407] {strides = array<i32>} : memref<128x128xf32, #tpu.memory_space<vmem>>, vector<1x16xf32>,
      %swap3A_409 = vector.shape_cast %swap3A_408 : vector<1x16xf32> to vector<16xf32>
      %swap3A_410 = vector.shape_cast %scan3A_389#3 : vector<16xf32> to vector<1x16xf32>
      tpu.vector_store %arg7[%swap3A_406, %swap3A_407], %swap3A_410 {strides = array<i32>} : memref<128x128xf32, #tpu.memory_space<vmem>>, vector<1x16xf32>,
      %swap3A_411 = arith.index_cast %add3A_348 : i32 to index
      %swap3A_412 = arith.constant 64 : index
      %swap3A_413 = tpu.vector_load %arg7[%swap3A_411, %swap3A_412] {strides = array<i32>} : memref<128x128xf32, #tpu.memory_space<vmem>>, vector<1x16xf32>,
      %swap3A_414 = vector.shape_cast %swap3A_413 : vector<1x16xf32> to vector<16xf32>
      %swap3A_415 = vector.shape_cast %scan3A_389#4 : vector<16xf32> to vector<1x16xf32>
      tpu.vector_store %arg7[%swap3A_411, %swap3A_412], %swap3A_415 {strides = array<i32>} : memref<128x128xf32, #tpu.memory_space<vmem>>, vector<1x16xf32>,
      %swap3A_416 = arith.index_cast %add3A_348 : i32 to index
      %swap3A_417 = arith.constant 80 : index
      %swap3A_418 = tpu.vector_load %arg7[%swap3A_416, %swap3A_417] {strides = array<i32>} : memref<128x128xf32, #tpu.memory_space<vmem>>, vector<1x16xf32>,
      %swap3A_419 = vector.shape_cast %swap3A_418 : vector<1x16xf32> to vector<16xf32>
      %swap3A_420 = vector.shape_cast %scan3A_389#5 : vector<16xf32> to vector<1x16xf32>
      tpu.vector_store %arg7[%swap3A_416, %swap3A_417], %swap3A_420 {strides = array<i32>} : memref<128x128xf32, #tpu.memory_space<vmem>>, vector<1x16xf32>,
      %swap3A_421 = arith.index_cast %add3A_348 : i32 to index
      %swap3A_422 = arith.constant 96 : index
      %swap3A_423 = tpu.vector_load %arg7[%swap3A_421, %swap3A_422] {strides = array<i32>} : memref<128x128xf32, #tpu.memory_space<vmem>>, vector<1x16xf32>,
      %swap3A_424 = vector.shape_cast %swap3A_423 : vector<1x16xf32> to vector<16xf32>
      %swap3A_425 = vector.shape_cast %scan3A_389#6 : vector<16xf32> to vector<1x16xf32>
      tpu.vector_store %arg7[%swap3A_421, %swap3A_422], %swap3A_425 {strides = array<i32>} : memref<128x128xf32, #tpu.memory_space<vmem>>, vector<1x16xf32>,
      %swap3A_426 = arith.index_cast %add3A_348 : i32 to index
      %swap3A_427 = arith.constant 112 : index
      %swap3A_428 = tpu.vector_load %arg7[%swap3A_426, %swap3A_427] {strides = array<i32>} : memref<128x128xf32, #tpu.memory_space<vmem>>, vector<1x16xf32>,
      %swap3A_429 = vector.shape_cast %swap3A_428 : vector<1x16xf32> to vector<16xf32>
      %swap3A_430 = vector.shape_cast %scan3A_389#7 : vector<16xf32> to vector<1x16xf32>
      tpu.vector_store %arg7[%swap3A_426, %swap3A_427], %swap3A_430 {strides = array<i32>} : memref<128x128xf32, #tpu.memory_space<vmem>>, vector<1x16xf32>,
      %mul3A_431 = arith.constant 8 : i32
      %mul3A_432 = arith.muli %scan3A_93, %mul3A_431 : i32
      %add3A_433 = arith.constant 4 : i32
      %add3A_434 = arith.addi %mul3A_432, %add3A_433 : i32
      %dma_wait3A_435 = arith.constant 4 : i32
      %dma_wait3A_436 = arith.constant 0 : i32
      %dma_wait3A_437 = arith.constant 0 : i32
      %dma_wait3A_438 = tpu.memref_slice %arg6[%dma_wait3A_435, %dma_wait3A_436, %dma_wait3A_437] : memref<8x50x128xf32, #tpu.memory_space<vmem>> -> memref<1x50x128xf32, #tpu.memory_space<vmem>>
      %dma_wait3A_439 = tpu.memref_squeeze %dma_wait3A_438 : memref<1x50x128xf32, #tpu.memory_space<vmem>> -> memref<50x128xf32, #tpu.memory_space<vmem>>
      %dma_wait3A_440 = arith.constant 0 : i32
      %dma_wait3A_441 = tpu.memref_slice %arg5[%add3A_434, %dma_wait3A_440] : memref<128x50xi32, #tpu.memory_space<vmem>> -> memref<1x50xi32, #tpu.memory_space<vmem>>
      %dma_wait3A_442 = tpu.memref_squeeze %dma_wait3A_441 : memref<1x50xi32, #tpu.memory_space<vmem>> -> memref<50xi32, #tpu.memory_space<vmem>>
      %dma_wait3A_443 = arith.constant 0 : i32
      %dma_wait3A_444 = arith.constant 0 : i32
      %dma_wait3A_445 = tpu.memref_slice %arg3[%dma_wait3A_443, %dma_wait3A_444] : memref<100000x128xf32, #tpu.memory_space<hbm>> -> memref<100000x128xf32, #tpu.memory_space<hbm>>
      tpu.wait_indirect_dma semaphore(%arg12 : memref<!tpu.dma_semaphore, #tpu.memory_space<semaphore_mem>>) src(%dma_wait3A_445 : memref<100000x128xf32, #tpu.memory_space<hbm>>) dst(%dma_wait3A_439 : memref<50x128xf32, #tpu.memory_space<vmem>>)
      %add3A_446 = arith.constant 8 : i32
      %add3A_447 = arith.addi %add3A_434, %add3A_446 : i32
      %sub3A_448 = arith.constant 1 : i32
      %sub3A_449 = arith.subi %add3A_447, %sub3A_448 : i32
      %lt3A_450 = arith.constant 128 : i32
      %lt3A_451 = arith.cmpi slt, %sub3A_449, %lt3A_450 : i32
      %convert_element_type3A_452 = arith.extui %lt3A_451 : i1 to i32
      %cond3A_453 = arith.constant 0 : i32
      %cond3A_454 = arith.cmpi ne, %convert_element_type3A_452, %cond3A_453 : i32
      scf.if %cond3A_454 {
        %add3A_775 = arith.constant 8 : i32
        %add3A_776 = arith.addi %add3A_434, %add3A_775 : i32
        %sub3A_777 = arith.constant 1 : i32
        %sub3A_778 = arith.subi %add3A_776, %sub3A_777 : i32
        %dma_start3A_779 = arith.constant 3 : i32
        %dma_start3A_780 = arith.constant 0 : i32
        %dma_start3A_781 = arith.constant 0 : i32
        %dma_start3A_782 = tpu.memref_slice %arg6[%dma_start3A_779, %dma_start3A_780, %dma_start3A_781] : memref<8x50x128xf32, #tpu.memory_space<vmem>> -> memref<1x50x128xf32, #tpu.memory_space<vmem>>
        %dma_start3A_783 = tpu.memref_squeeze %dma_start3A_782 : memref<1x50x128xf32, #tpu.memory_space<vmem>> -> memref<50x128xf32, #tpu.memory_space<vmem>>
        %dma_start3A_784 = arith.constant 0 : i32
        %dma_start3A_785 = tpu.memref_slice %arg5[%sub3A_778, %dma_start3A_784] : memref<128x50xi32, #tpu.memory_space<vmem>> -> memref<1x50xi32, #tpu.memory_space<vmem>>
        %dma_start3A_786 = tpu.memref_squeeze %dma_start3A_785 : memref<1x50xi32, #tpu.memory_space<vmem>> -> memref<50xi32, #tpu.memory_space<vmem>>
        %dma_start3A_787 = arith.constant 0 : i32
        %dma_start3A_788 = arith.constant 0 : i32
        %dma_start3A_789 = tpu.memref_slice %arg3[%dma_start3A_787, %dma_start3A_788] : memref<100000x128xf32, #tpu.memory_space<hbm>> -> memref<100000x128xf32, #tpu.memory_space<hbm>>
        tpu.enqueue_indirect_dma source(%dma_start3A_789 : memref<100000x128xf32, #tpu.memory_space<hbm>>) target(%dma_start3A_783 : memref<50x128xf32, #tpu.memory_space<vmem>>) offsets(%dma_start3A_786 : memref<50xi32, #tpu.memory_space<vmem>>) semaphore(%arg11 : memref<!tpu.dma_semaphore, #tpu.memory_space<semaphore_mem>>)
      } else {
      }
      %broadcast_in_dim3A_455 = arith.constant 0.000000e+00 : f32
      %broadcast_in_dim3A_456 = vector.broadcast %broadcast_in_dim3A_455 : f32 to vector<16xf32>
      %broadcast_in_dim3A_457 = arith.constant 0.000000e+00 : f32
      %broadcast_in_dim3A_458 = vector.broadcast %broadcast_in_dim3A_457 : f32 to vector<16xf32>
      %broadcast_in_dim3A_459 = arith.constant 0.000000e+00 : f32
      %broadcast_in_dim3A_460 = vector.broadcast %broadcast_in_dim3A_459 : f32 to vector<16xf32>
      %broadcast_in_dim3A_461 = arith.constant 0.000000e+00 : f32
      %broadcast_in_dim3A_462 = vector.broadcast %broadcast_in_dim3A_461 : f32 to vector<16xf32>
      %broadcast_in_dim3A_463 = arith.constant 0.000000e+00 : f32
      %broadcast_in_dim3A_464 = vector.broadcast %broadcast_in_dim3A_463 : f32 to vector<16xf32>
      %broadcast_in_dim3A_465 = arith.constant 0.000000e+00 : f32
      %broadcast_in_dim3A_466 = vector.broadcast %broadcast_in_dim3A_465 : f32 to vector<16xf32>
      %broadcast_in_dim3A_467 = arith.constant 0.000000e+00 : f32
      %broadcast_in_dim3A_468 = vector.broadcast %broadcast_in_dim3A_467 : f32 to vector<16xf32>
      %broadcast_in_dim3A_469 = arith.constant 0.000000e+00 : f32
      %broadcast_in_dim3A_470 = vector.broadcast %broadcast_in_dim3A_469 : f32 to vector<16xf32>
      %scan3A_471 = arith.constant 0 : i32
      %scan3A_472 = arith.constant 25 : i32
      %scan3A_473 = arith.addi %scan3A_471, %scan3A_472 : i32
      %scan3A_474 = arith.constant 1 : i32
      %scan3A_475:8 = scf.for %scan3A_775 = %scan3A_471 to %scan3A_473 step %scan3A_474 iter_args(%scan3A_776 = %broadcast_in_dim3A_456, %scan3A_777 = %broadcast_in_dim3A_458, %scan3A_778 = %broadcast_in_dim3A_460, %scan3A_779 = %broadcast_in_dim3A_462, %scan3A_780 = %broadcast_in_dim3A_464, %scan3A_781 = %broadcast_in_dim3A_466, %scan3A_782 = %broadcast_in_dim3A_468, %scan3A_783 = %broadcast_in_dim3A_470) -> (vector<16xf32>, vector<16xf32>, vector<16xf32>, vector<16xf32>, vector<16xf32>, vector<16xf32>, vector<16xf32>, vector<16xf32>)  : i32 {
        %mul3A_784 = arith.constant 2 : i32
        %mul3A_785 = arith.muli %mul3A_784, %scan3A_775 : i32
        %add3A_786 = arith.constant 0 : i32
        %add3A_787 = arith.addi %mul3A_785, %add3A_786 : i32
        %get3A = arith.constant 4 : i32
        %get3A_788 = arith.index_cast %get3A : i32 to index
        %get3A_789 = arith.index_cast %add3A_787 : i32 to index
        %get3A_790 = arith.constant 0 : index
        %get3A_791 = tpu.vector_load %arg6[%get3A_788, %get3A_789, %get3A_790] {strides = array<i32>} : memref<8x50x128xf32, #tpu.memory_space<vmem>>, vector<1x1x16xf32>,
        %get3A_792 = vector.shape_cast %get3A_791 : vector<1x1x16xf32> to vector<16xf32>
        %add3A_793 = arith.addf %scan3A_776, %get3A_792 : vector<16xf32>
        %get3A_794 = arith.constant 4 : i32
        %get3A_795 = arith.index_cast %get3A_794 : i32 to index
        %get3A_796 = arith.index_cast %add3A_787 : i32 to index
        %get3A_797 = arith.constant 16 : index
        %get3A_798 = tpu.vector_load %arg6[%get3A_795, %get3A_796, %get3A_797] {strides = array<i32>} : memref<8x50x128xf32, #tpu.memory_space<vmem>>, vector<1x1x16xf32>,
        %get3A_799 = vector.shape_cast %get3A_798 : vector<1x1x16xf32> to vector<16xf32>
        %add3A_800 = arith.addf %scan3A_777, %get3A_799 : vector<16xf32>
        %get3A_801 = arith.constant 4 : i32
        %get3A_802 = arith.index_cast %get3A_801 : i32 to index
        %get3A_803 = arith.index_cast %add3A_787 : i32 to index
        %get3A_804 = arith.constant 32 : index
        %get3A_805 = tpu.vector_load %arg6[%get3A_802, %get3A_803, %get3A_804] {strides = array<i32>} : memref<8x50x128xf32, #tpu.memory_space<vmem>>, vector<1x1x16xf32>,
        %get3A_806 = vector.shape_cast %get3A_805 : vector<1x1x16xf32> to vector<16xf32>
        %add3A_807 = arith.addf %scan3A_778, %get3A_806 : vector<16xf32>
        %get3A_808 = arith.constant 4 : i32
        %get3A_809 = arith.index_cast %get3A_808 : i32 to index
        %get3A_810 = arith.index_cast %add3A_787 : i32 to index
        %get3A_811 = arith.constant 48 : index
        %get3A_812 = tpu.vector_load %arg6[%get3A_809, %get3A_810, %get3A_811] {strides = array<i32>} : memref<8x50x128xf32, #tpu.memory_space<vmem>>, vector<1x1x16xf32>,
        %get3A_813 = vector.shape_cast %get3A_812 : vector<1x1x16xf32> to vector<16xf32>
        %add3A_814 = arith.addf %scan3A_779, %get3A_813 : vector<16xf32>
        %get3A_815 = arith.constant 4 : i32
        %get3A_816 = arith.index_cast %get3A_815 : i32 to index
        %get3A_817 = arith.index_cast %add3A_787 : i32 to index
        %get3A_818 = arith.constant 64 : index
        %get3A_819 = tpu.vector_load %arg6[%get3A_816, %get3A_817, %get3A_818] {strides = array<i32>} : memref<8x50x128xf32, #tpu.memory_space<vmem>>, vector<1x1x16xf32>,
        %get3A_820 = vector.shape_cast %get3A_819 : vector<1x1x16xf32> to vector<16xf32>
        %add3A_821 = arith.addf %scan3A_780, %get3A_820 : vector<16xf32>
        %get3A_822 = arith.constant 4 : i32
        %get3A_823 = arith.index_cast %get3A_822 : i32 to index
        %get3A_824 = arith.index_cast %add3A_787 : i32 to index
        %get3A_825 = arith.constant 80 : index
        %get3A_826 = tpu.vector_load %arg6[%get3A_823, %get3A_824, %get3A_825] {strides = array<i32>} : memref<8x50x128xf32, #tpu.memory_space<vmem>>, vector<1x1x16xf32>,
        %get3A_827 = vector.shape_cast %get3A_826 : vector<1x1x16xf32> to vector<16xf32>
        %add3A_828 = arith.addf %scan3A_781, %get3A_827 : vector<16xf32>
        %get3A_829 = arith.constant 4 : i32
        %get3A_830 = arith.index_cast %get3A_829 : i32 to index
        %get3A_831 = arith.index_cast %add3A_787 : i32 to index
        %get3A_832 = arith.constant 96 : index
        %get3A_833 = tpu.vector_load %arg6[%get3A_830, %get3A_831, %get3A_832] {strides = array<i32>} : memref<8x50x128xf32, #tpu.memory_space<vmem>>, vector<1x1x16xf32>,
        %get3A_834 = vector.shape_cast %get3A_833 : vector<1x1x16xf32> to vector<16xf32>
        %add3A_835 = arith.addf %scan3A_782, %get3A_834 : vector<16xf32>
        %get3A_836 = arith.constant 4 : i32
        %get3A_837 = arith.index_cast %get3A_836 : i32 to index
        %get3A_838 = arith.index_cast %add3A_787 : i32 to index
        %get3A_839 = arith.constant 112 : index
        %get3A_840 = tpu.vector_load %arg6[%get3A_837, %get3A_838, %get3A_839] {strides = array<i32>} : memref<8x50x128xf32, #tpu.memory_space<vmem>>, vector<1x1x16xf32>,
        %get3A_841 = vector.shape_cast %get3A_840 : vector<1x1x16xf32> to vector<16xf32>
        %add3A_842 = arith.addf %scan3A_783, %get3A_841 : vector<16xf32>
        %mul3A_843 = arith.constant 2 : i32
        %mul3A_844 = arith.muli %mul3A_843, %scan3A_775 : i32
        %add3A_845 = arith.constant 1 : i32
        %add3A_846 = arith.addi %mul3A_844, %add3A_845 : i32
        %get3A_847 = arith.constant 4 : i32
        %get3A_848 = arith.index_cast %get3A_847 : i32 to index
        %get3A_849 = arith.index_cast %add3A_846 : i32 to index
        %get3A_850 = arith.constant 0 : index
        %get3A_851 = tpu.vector_load %arg6[%get3A_848, %get3A_849, %get3A_850] {strides = array<i32>} : memref<8x50x128xf32, #tpu.memory_space<vmem>>, vector<1x1x16xf32>,
        %get3A_852 = vector.shape_cast %get3A_851 : vector<1x1x16xf32> to vector<16xf32>
        %add3A_853 = arith.addf %add3A_793, %get3A_852 : vector<16xf32>
        %get3A_854 = arith.constant 4 : i32
        %get3A_855 = arith.index_cast %get3A_854 : i32 to index
        %get3A_856 = arith.index_cast %add3A_846 : i32 to index
        %get3A_857 = arith.constant 16 : index
        %get3A_858 = tpu.vector_load %arg6[%get3A_855, %get3A_856, %get3A_857] {strides = array<i32>} : memref<8x50x128xf32, #tpu.memory_space<vmem>>, vector<1x1x16xf32>,
        %get3A_859 = vector.shape_cast %get3A_858 : vector<1x1x16xf32> to vector<16xf32>
        %add3A_860 = arith.addf %add3A_800, %get3A_859 : vector<16xf32>
        %get3A_861 = arith.constant 4 : i32
        %get3A_862 = arith.index_cast %get3A_861 : i32 to index
        %get3A_863 = arith.index_cast %add3A_846 : i32 to index
        %get3A_864 = arith.constant 32 : index
        %get3A_865 = tpu.vector_load %arg6[%get3A_862, %get3A_863, %get3A_864] {strides = array<i32>} : memref<8x50x128xf32, #tpu.memory_space<vmem>>, vector<1x1x16xf32>,
        %get3A_866 = vector.shape_cast %get3A_865 : vector<1x1x16xf32> to vector<16xf32>
        %add3A_867 = arith.addf %add3A_807, %get3A_866 : vector<16xf32>
        %get3A_868 = arith.constant 4 : i32
        %get3A_869 = arith.index_cast %get3A_868 : i32 to index
        %get3A_870 = arith.index_cast %add3A_846 : i32 to index
        %get3A_871 = arith.constant 48 : index
        %get3A_872 = tpu.vector_load %arg6[%get3A_869, %get3A_870, %get3A_871] {strides = array<i32>} : memref<8x50x128xf32, #tpu.memory_space<vmem>>, vector<1x1x16xf32>,
        %get3A_873 = vector.shape_cast %get3A_872 : vector<1x1x16xf32> to vector<16xf32>
        %add3A_874 = arith.addf %add3A_814, %get3A_873 : vector<16xf32>
        %get3A_875 = arith.constant 4 : i32
        %get3A_876 = arith.index_cast %get3A_875 : i32 to index
        %get3A_877 = arith.index_cast %add3A_846 : i32 to index
        %get3A_878 = arith.constant 64 : index
        %get3A_879 = tpu.vector_load %arg6[%get3A_876, %get3A_877, %get3A_878] {strides = array<i32>} : memref<8x50x128xf32, #tpu.memory_space<vmem>>, vector<1x1x16xf32>,
        %get3A_880 = vector.shape_cast %get3A_879 : vector<1x1x16xf32> to vector<16xf32>
        %add3A_881 = arith.addf %add3A_821, %get3A_880 : vector<16xf32>
        %get3A_882 = arith.constant 4 : i32
        %get3A_883 = arith.index_cast %get3A_882 : i32 to index
        %get3A_884 = arith.index_cast %add3A_846 : i32 to index
        %get3A_885 = arith.constant 80 : index
        %get3A_886 = tpu.vector_load %arg6[%get3A_883, %get3A_884, %get3A_885] {strides = array<i32>} : memref<8x50x128xf32, #tpu.memory_space<vmem>>, vector<1x1x16xf32>,
        %get3A_887 = vector.shape_cast %get3A_886 : vector<1x1x16xf32> to vector<16xf32>
        %add3A_888 = arith.addf %add3A_828, %get3A_887 : vector<16xf32>
        %get3A_889 = arith.constant 4 : i32
        %get3A_890 = arith.index_cast %get3A_889 : i32 to index
        %get3A_891 = arith.index_cast %add3A_846 : i32 to index
        %get3A_892 = arith.constant 96 : index
        %get3A_893 = tpu.vector_load %arg6[%get3A_890, %get3A_891, %get3A_892] {strides = array<i32>} : memref<8x50x128xf32, #tpu.memory_space<vmem>>, vector<1x1x16xf32>,
        %get3A_894 = vector.shape_cast %get3A_893 : vector<1x1x16xf32> to vector<16xf32>
        %add3A_895 = arith.addf %add3A_835, %get3A_894 : vector<16xf32>
        %get3A_896 = arith.constant 4 : i32
        %get3A_897 = arith.index_cast %get3A_896 : i32 to index
        %get3A_898 = arith.index_cast %add3A_846 : i32 to index
        %get3A_899 = arith.constant 112 : index
        %get3A_900 = tpu.vector_load %arg6[%get3A_897, %get3A_898, %get3A_899] {strides = array<i32>} : memref<8x50x128xf32, #tpu.memory_space<vmem>>, vector<1x1x16xf32>,
        %get3A_901 = vector.shape_cast %get3A_900 : vector<1x1x16xf32> to vector<16xf32>
        %add3A_902 = arith.addf %add3A_842, %get3A_901 : vector<16xf32>
        scf.yield %add3A_853, %add3A_860, %add3A_867, %add3A_874, %add3A_881, %add3A_888, %add3A_895, %add3A_902 : vector<16xf32>, vector<16xf32>, vector<16xf32>, vector<16xf32>, vector<16xf32>, vector<16xf32>, vector<16xf32>, vector<16xf32>
      }
      %scan3A_476 = arith.constant 25 : i32
      %swap3A_477 = arith.index_cast %add3A_434 : i32 to index
      %swap3A_478 = arith.constant 0 : index
      %swap3A_479 = tpu.vector_load %arg7[%swap3A_477, %swap3A_478] {strides = array<i32>} : memref<128x128xf32, #tpu.memory_space<vmem>>, vector<1x16xf32>,
      %swap3A_480 = vector.shape_cast %swap3A_479 : vector<1x16xf32> to vector<16xf32>
      %swap3A_481 = vector.shape_cast %scan3A_475#0 : vector<16xf32> to vector<1x16xf32>
      tpu.vector_store %arg7[%swap3A_477, %swap3A_478], %swap3A_481 {strides = array<i32>} : memref<128x128xf32, #tpu.memory_space<vmem>>, vector<1x16xf32>,
      %swap3A_482 = arith.index_cast %add3A_434 : i32 to index
      %swap3A_483 = arith.constant 16 : index
      %swap3A_484 = tpu.vector_load %arg7[%swap3A_482, %swap3A_483] {strides = array<i32>} : memref<128x128xf32, #tpu.memory_space<vmem>>, vector<1x16xf32>,
      %swap3A_485 = vector.shape_cast %swap3A_484 : vector<1x16xf32> to vector<16xf32>
      %swap3A_486 = vector.shape_cast %scan3A_475#1 : vector<16xf32> to vector<1x16xf32>
      tpu.vector_store %arg7[%swap3A_482, %swap3A_483], %swap3A_486 {strides = array<i32>} : memref<128x128xf32, #tpu.memory_space<vmem>>, vector<1x16xf32>,
      %swap3A_487 = arith.index_cast %add3A_434 : i32 to index
      %swap3A_488 = arith.constant 32 : index
      %swap3A_489 = tpu.vector_load %arg7[%swap3A_487, %swap3A_488] {strides = array<i32>} : memref<128x128xf32, #tpu.memory_space<vmem>>, vector<1x16xf32>,
      %swap3A_490 = vector.shape_cast %swap3A_489 : vector<1x16xf32> to vector<16xf32>
      %swap3A_491 = vector.shape_cast %scan3A_475#2 : vector<16xf32> to vector<1x16xf32>
      tpu.vector_store %arg7[%swap3A_487, %swap3A_488], %swap3A_491 {strides = array<i32>} : memref<128x128xf32, #tpu.memory_space<vmem>>, vector<1x16xf32>,
      %swap3A_492 = arith.index_cast %add3A_434 : i32 to index
      %swap3A_493 = arith.constant 48 : index
      %swap3A_494 = tpu.vector_load %arg7[%swap3A_492, %swap3A_493] {strides = array<i32>} : memref<128x128xf32, #tpu.memory_space<vmem>>, vector<1x16xf32>,
      %swap3A_495 = vector.shape_cast %swap3A_494 : vector<1x16xf32> to vector<16xf32>
      %swap3A_496 = vector.shape_cast %scan3A_475#3 : vector<16xf32> to vector<1x16xf32>
      tpu.vector_store %arg7[%swap3A_492, %swap3A_493], %swap3A_496 {strides = array<i32>} : memref<128x128xf32, #tpu.memory_space<vmem>>, vector<1x16xf32>,
      %swap3A_497 = arith.index_cast %add3A_434 : i32 to index
      %swap3A_498 = arith.constant 64 : index
      %swap3A_499 = tpu.vector_load %arg7[%swap3A_497, %swap3A_498] {strides = array<i32>} : memref<128x128xf32, #tpu.memory_space<vmem>>, vector<1x16xf32>,
      %swap3A_500 = vector.shape_cast %swap3A_499 : vector<1x16xf32> to vector<16xf32>
      %swap3A_501 = vector.shape_cast %scan3A_475#4 : vector<16xf32> to vector<1x16xf32>
      tpu.vector_store %arg7[%swap3A_497, %swap3A_498], %swap3A_501 {strides = array<i32>} : memref<128x128xf32, #tpu.memory_space<vmem>>, vector<1x16xf32>,
      %swap3A_502 = arith.index_cast %add3A_434 : i32 to index
      %swap3A_503 = arith.constant 80 : index
      %swap3A_504 = tpu.vector_load %arg7[%swap3A_502, %swap3A_503] {strides = array<i32>} : memref<128x128xf32, #tpu.memory_space<vmem>>, vector<1x16xf32>,
      %swap3A_505 = vector.shape_cast %swap3A_504 : vector<1x16xf32> to vector<16xf32>
      %swap3A_506 = vector.shape_cast %scan3A_475#5 : vector<16xf32> to vector<1x16xf32>
      tpu.vector_store %arg7[%swap3A_502, %swap3A_503], %swap3A_506 {strides = array<i32>} : memref<128x128xf32, #tpu.memory_space<vmem>>, vector<1x16xf32>,
      %swap3A_507 = arith.index_cast %add3A_434 : i32 to index
      %swap3A_508 = arith.constant 96 : index
      %swap3A_509 = tpu.vector_load %arg7[%swap3A_507, %swap3A_508] {strides = array<i32>} : memref<128x128xf32, #tpu.memory_space<vmem>>, vector<1x16xf32>,
      %swap3A_510 = vector.shape_cast %swap3A_509 : vector<1x16xf32> to vector<16xf32>
      %swap3A_511 = vector.shape_cast %scan3A_475#6 : vector<16xf32> to vector<1x16xf32>
      tpu.vector_store %arg7[%swap3A_507, %swap3A_508], %swap3A_511 {strides = array<i32>} : memref<128x128xf32, #tpu.memory_space<vmem>>, vector<1x16xf32>,
      %swap3A_512 = arith.index_cast %add3A_434 : i32 to index
      %swap3A_513 = arith.constant 112 : index
      %swap3A_514 = tpu.vector_load %arg7[%swap3A_512, %swap3A_513] {strides = array<i32>} : memref<128x128xf32, #tpu.memory_space<vmem>>, vector<1x16xf32>,
      %swap3A_515 = vector.shape_cast %swap3A_514 : vector<1x16xf32> to vector<16xf32>
      %swap3A_516 = vector.shape_cast %scan3A_475#7 : vector<16xf32> to vector<1x16xf32>
      tpu.vector_store %arg7[%swap3A_512, %swap3A_513], %swap3A_516 {strides = array<i32>} : memref<128x128xf32, #tpu.memory_space<vmem>>, vector<1x16xf32>,
      %mul3A_517 = arith.constant 8 : i32
      %mul3A_518 = arith.muli %scan3A_93, %mul3A_517 : i32
      %add3A_519 = arith.constant 5 : i32
      %add3A_520 = arith.addi %mul3A_518, %add3A_519 : i32
      %dma_wait3A_521 = arith.constant 5 : i32
      %dma_wait3A_522 = arith.constant 0 : i32
      %dma_wait3A_523 = arith.constant 0 : i32
      %dma_wait3A_524 = tpu.memref_slice %arg6[%dma_wait3A_521, %dma_wait3A_522, %dma_wait3A_523] : memref<8x50x128xf32, #tpu.memory_space<vmem>> -> memref<1x50x128xf32, #tpu.memory_space<vmem>>
      %dma_wait3A_525 = tpu.memref_squeeze %dma_wait3A_524 : memref<1x50x128xf32, #tpu.memory_space<vmem>> -> memref<50x128xf32, #tpu.memory_space<vmem>>
      %dma_wait3A_526 = arith.constant 0 : i32
      %dma_wait3A_527 = tpu.memref_slice %arg5[%add3A_520, %dma_wait3A_526] : memref<128x50xi32, #tpu.memory_space<vmem>> -> memref<1x50xi32, #tpu.memory_space<vmem>>
      %dma_wait3A_528 = tpu.memref_squeeze %dma_wait3A_527 : memref<1x50xi32, #tpu.memory_space<vmem>> -> memref<50xi32, #tpu.memory_space<vmem>>
      %dma_wait3A_529 = arith.constant 0 : i32
      %dma_wait3A_530 = arith.constant 0 : i32
      %dma_wait3A_531 = tpu.memref_slice %arg3[%dma_wait3A_529, %dma_wait3A_530] : memref<100000x128xf32, #tpu.memory_space<hbm>> -> memref<100000x128xf32, #tpu.memory_space<hbm>>
      tpu.wait_indirect_dma semaphore(%arg13 : memref<!tpu.dma_semaphore, #tpu.memory_space<semaphore_mem>>) src(%dma_wait3A_531 : memref<100000x128xf32, #tpu.memory_space<hbm>>) dst(%dma_wait3A_525 : memref<50x128xf32, #tpu.memory_space<vmem>>)
      %add3A_532 = arith.constant 8 : i32
      %add3A_533 = arith.addi %add3A_520, %add3A_532 : i32
      %sub3A_534 = arith.constant 1 : i32
      %sub3A_535 = arith.subi %add3A_533, %sub3A_534 : i32
      %lt3A_536 = arith.constant 128 : i32
      %lt3A_537 = arith.cmpi slt, %sub3A_535, %lt3A_536 : i32
      %convert_element_type3A_538 = arith.extui %lt3A_537 : i1 to i32
      %cond3A_539 = arith.constant 0 : i32
      %cond3A_540 = arith.cmpi ne, %convert_element_type3A_538, %cond3A_539 : i32
      scf.if %cond3A_540 {
        %add3A_775 = arith.constant 8 : i32
        %add3A_776 = arith.addi %add3A_520, %add3A_775 : i32
        %sub3A_777 = arith.constant 1 : i32
        %sub3A_778 = arith.subi %add3A_776, %sub3A_777 : i32
        %dma_start3A_779 = arith.constant 4 : i32
        %dma_start3A_780 = arith.constant 0 : i32
        %dma_start3A_781 = arith.constant 0 : i32
        %dma_start3A_782 = tpu.memref_slice %arg6[%dma_start3A_779, %dma_start3A_780, %dma_start3A_781] : memref<8x50x128xf32, #tpu.memory_space<vmem>> -> memref<1x50x128xf32, #tpu.memory_space<vmem>>
        %dma_start3A_783 = tpu.memref_squeeze %dma_start3A_782 : memref<1x50x128xf32, #tpu.memory_space<vmem>> -> memref<50x128xf32, #tpu.memory_space<vmem>>
        %dma_start3A_784 = arith.constant 0 : i32
        %dma_start3A_785 = tpu.memref_slice %arg5[%sub3A_778, %dma_start3A_784] : memref<128x50xi32, #tpu.memory_space<vmem>> -> memref<1x50xi32, #tpu.memory_space<vmem>>
        %dma_start3A_786 = tpu.memref_squeeze %dma_start3A_785 : memref<1x50xi32, #tpu.memory_space<vmem>> -> memref<50xi32, #tpu.memory_space<vmem>>
        %dma_start3A_787 = arith.constant 0 : i32
        %dma_start3A_788 = arith.constant 0 : i32
        %dma_start3A_789 = tpu.memref_slice %arg3[%dma_start3A_787, %dma_start3A_788] : memref<100000x128xf32, #tpu.memory_space<hbm>> -> memref<100000x128xf32, #tpu.memory_space<hbm>>
        tpu.enqueue_indirect_dma source(%dma_start3A_789 : memref<100000x128xf32, #tpu.memory_space<hbm>>) target(%dma_start3A_783 : memref<50x128xf32, #tpu.memory_space<vmem>>) offsets(%dma_start3A_786 : memref<50xi32, #tpu.memory_space<vmem>>) semaphore(%arg12 : memref<!tpu.dma_semaphore, #tpu.memory_space<semaphore_mem>>)
      } else {
      }
      %broadcast_in_dim3A_541 = arith.constant 0.000000e+00 : f32
      %broadcast_in_dim3A_542 = vector.broadcast %broadcast_in_dim3A_541 : f32 to vector<16xf32>
      %broadcast_in_dim3A_543 = arith.constant 0.000000e+00 : f32
      %broadcast_in_dim3A_544 = vector.broadcast %broadcast_in_dim3A_543 : f32 to vector<16xf32>
      %broadcast_in_dim3A_545 = arith.constant 0.000000e+00 : f32
      %broadcast_in_dim3A_546 = vector.broadcast %broadcast_in_dim3A_545 : f32 to vector<16xf32>
      %broadcast_in_dim3A_547 = arith.constant 0.000000e+00 : f32
      %broadcast_in_dim3A_548 = vector.broadcast %broadcast_in_dim3A_547 : f32 to vector<16xf32>
      %broadcast_in_dim3A_549 = arith.constant 0.000000e+00 : f32
      %broadcast_in_dim3A_550 = vector.broadcast %broadcast_in_dim3A_549 : f32 to vector<16xf32>
      %broadcast_in_dim3A_551 = arith.constant 0.000000e+00 : f32
      %broadcast_in_dim3A_552 = vector.broadcast %broadcast_in_dim3A_551 : f32 to vector<16xf32>
      %broadcast_in_dim3A_553 = arith.constant 0.000000e+00 : f32
      %broadcast_in_dim3A_554 = vector.broadcast %broadcast_in_dim3A_553 : f32 to vector<16xf32>
      %broadcast_in_dim3A_555 = arith.constant 0.000000e+00 : f32
      %broadcast_in_dim3A_556 = vector.broadcast %broadcast_in_dim3A_555 : f32 to vector<16xf32>
      %scan3A_557 = arith.constant 0 : i32
      %scan3A_558 = arith.constant 25 : i32
      %scan3A_559 = arith.addi %scan3A_557, %scan3A_558 : i32
      %scan3A_560 = arith.constant 1 : i32
      %scan3A_561:8 = scf.for %scan3A_775 = %scan3A_557 to %scan3A_559 step %scan3A_560 iter_args(%scan3A_776 = %broadcast_in_dim3A_542, %scan3A_777 = %broadcast_in_dim3A_544, %scan3A_778 = %broadcast_in_dim3A_546, %scan3A_779 = %broadcast_in_dim3A_548, %scan3A_780 = %broadcast_in_dim3A_550, %scan3A_781 = %broadcast_in_dim3A_552, %scan3A_782 = %broadcast_in_dim3A_554, %scan3A_783 = %broadcast_in_dim3A_556) -> (vector<16xf32>, vector<16xf32>, vector<16xf32>, vector<16xf32>, vector<16xf32>, vector<16xf32>, vector<16xf32>, vector<16xf32>)  : i32 {
        %mul3A_784 = arith.constant 2 : i32
        %mul3A_785 = arith.muli %mul3A_784, %scan3A_775 : i32
        %add3A_786 = arith.constant 0 : i32
        %add3A_787 = arith.addi %mul3A_785, %add3A_786 : i32
        %get3A = arith.constant 5 : i32
        %get3A_788 = arith.index_cast %get3A : i32 to index
        %get3A_789 = arith.index_cast %add3A_787 : i32 to index
        %get3A_790 = arith.constant 0 : index
        %get3A_791 = tpu.vector_load %arg6[%get3A_788, %get3A_789, %get3A_790] {strides = array<i32>} : memref<8x50x128xf32, #tpu.memory_space<vmem>>, vector<1x1x16xf32>,
        %get3A_792 = vector.shape_cast %get3A_791 : vector<1x1x16xf32> to vector<16xf32>
        %add3A_793 = arith.addf %scan3A_776, %get3A_792 : vector<16xf32>
        %get3A_794 = arith.constant 5 : i32
        %get3A_795 = arith.index_cast %get3A_794 : i32 to index
        %get3A_796 = arith.index_cast %add3A_787 : i32 to index
        %get3A_797 = arith.constant 16 : index
        %get3A_798 = tpu.vector_load %arg6[%get3A_795, %get3A_796, %get3A_797] {strides = array<i32>} : memref<8x50x128xf32, #tpu.memory_space<vmem>>, vector<1x1x16xf32>,
        %get3A_799 = vector.shape_cast %get3A_798 : vector<1x1x16xf32> to vector<16xf32>
        %add3A_800 = arith.addf %scan3A_777, %get3A_799 : vector<16xf32>
        %get3A_801 = arith.constant 5 : i32
        %get3A_802 = arith.index_cast %get3A_801 : i32 to index
        %get3A_803 = arith.index_cast %add3A_787 : i32 to index
        %get3A_804 = arith.constant 32 : index
        %get3A_805 = tpu.vector_load %arg6[%get3A_802, %get3A_803, %get3A_804] {strides = array<i32>} : memref<8x50x128xf32, #tpu.memory_space<vmem>>, vector<1x1x16xf32>,
        %get3A_806 = vector.shape_cast %get3A_805 : vector<1x1x16xf32> to vector<16xf32>
        %add3A_807 = arith.addf %scan3A_778, %get3A_806 : vector<16xf32>
        %get3A_808 = arith.constant 5 : i32
        %get3A_809 = arith.index_cast %get3A_808 : i32 to index
        %get3A_810 = arith.index_cast %add3A_787 : i32 to index
        %get3A_811 = arith.constant 48 : index
        %get3A_812 = tpu.vector_load %arg6[%get3A_809, %get3A_810, %get3A_811] {strides = array<i32>} : memref<8x50x128xf32, #tpu.memory_space<vmem>>, vector<1x1x16xf32>,
        %get3A_813 = vector.shape_cast %get3A_812 : vector<1x1x16xf32> to vector<16xf32>
        %add3A_814 = arith.addf %scan3A_779, %get3A_813 : vector<16xf32>
        %get3A_815 = arith.constant 5 : i32
        %get3A_816 = arith.index_cast %get3A_815 : i32 to index
        %get3A_817 = arith.index_cast %add3A_787 : i32 to index
        %get3A_818 = arith.constant 64 : index
        %get3A_819 = tpu.vector_load %arg6[%get3A_816, %get3A_817, %get3A_818] {strides = array<i32>} : memref<8x50x128xf32, #tpu.memory_space<vmem>>, vector<1x1x16xf32>,
        %get3A_820 = vector.shape_cast %get3A_819 : vector<1x1x16xf32> to vector<16xf32>
        %add3A_821 = arith.addf %scan3A_780, %get3A_820 : vector<16xf32>
        %get3A_822 = arith.constant 5 : i32
        %get3A_823 = arith.index_cast %get3A_822 : i32 to index
        %get3A_824 = arith.index_cast %add3A_787 : i32 to index
        %get3A_825 = arith.constant 80 : index
        %get3A_826 = tpu.vector_load %arg6[%get3A_823, %get3A_824, %get3A_825] {strides = array<i32>} : memref<8x50x128xf32, #tpu.memory_space<vmem>>, vector<1x1x16xf32>,
        %get3A_827 = vector.shape_cast %get3A_826 : vector<1x1x16xf32> to vector<16xf32>
        %add3A_828 = arith.addf %scan3A_781, %get3A_827 : vector<16xf32>
        %get3A_829 = arith.constant 5 : i32
        %get3A_830 = arith.index_cast %get3A_829 : i32 to index
        %get3A_831 = arith.index_cast %add3A_787 : i32 to index
        %get3A_832 = arith.constant 96 : index
        %get3A_833 = tpu.vector_load %arg6[%get3A_830, %get3A_831, %get3A_832] {strides = array<i32>} : memref<8x50x128xf32, #tpu.memory_space<vmem>>, vector<1x1x16xf32>,
        %get3A_834 = vector.shape_cast %get3A_833 : vector<1x1x16xf32> to vector<16xf32>
        %add3A_835 = arith.addf %scan3A_782, %get3A_834 : vector<16xf32>
        %get3A_836 = arith.constant 5 : i32
        %get3A_837 = arith.index_cast %get3A_836 : i32 to index
        %get3A_838 = arith.index_cast %add3A_787 : i32 to index
        %get3A_839 = arith.constant 112 : index
        %get3A_840 = tpu.vector_load %arg6[%get3A_837, %get3A_838, %get3A_839] {strides = array<i32>} : memref<8x50x128xf32, #tpu.memory_space<vmem>>, vector<1x1x16xf32>,
        %get3A_841 = vector.shape_cast %get3A_840 : vector<1x1x16xf32> to vector<16xf32>
        %add3A_842 = arith.addf %scan3A_783, %get3A_841 : vector<16xf32>
        %mul3A_843 = arith.constant 2 : i32
        %mul3A_844 = arith.muli %mul3A_843, %scan3A_775 : i32
        %add3A_845 = arith.constant 1 : i32
        %add3A_846 = arith.addi %mul3A_844, %add3A_845 : i32
        %get3A_847 = arith.constant 5 : i32
        %get3A_848 = arith.index_cast %get3A_847 : i32 to index
        %get3A_849 = arith.index_cast %add3A_846 : i32 to index
        %get3A_850 = arith.constant 0 : index
        %get3A_851 = tpu.vector_load %arg6[%get3A_848, %get3A_849, %get3A_850] {strides = array<i32>} : memref<8x50x128xf32, #tpu.memory_space<vmem>>, vector<1x1x16xf32>,
        %get3A_852 = vector.shape_cast %get3A_851 : vector<1x1x16xf32> to vector<16xf32>
        %add3A_853 = arith.addf %add3A_793, %get3A_852 : vector<16xf32>
        %get3A_854 = arith.constant 5 : i32
        %get3A_855 = arith.index_cast %get3A_854 : i32 to index
        %get3A_856 = arith.index_cast %add3A_846 : i32 to index
        %get3A_857 = arith.constant 16 : index
        %get3A_858 = tpu.vector_load %arg6[%get3A_855, %get3A_856, %get3A_857] {strides = array<i32>} : memref<8x50x128xf32, #tpu.memory_space<vmem>>, vector<1x1x16xf32>,
        %get3A_859 = vector.shape_cast %get3A_858 : vector<1x1x16xf32> to vector<16xf32>
        %add3A_860 = arith.addf %add3A_800, %get3A_859 : vector<16xf32>
        %get3A_861 = arith.constant 5 : i32
        %get3A_862 = arith.index_cast %get3A_861 : i32 to index
        %get3A_863 = arith.index_cast %add3A_846 : i32 to index
        %get3A_864 = arith.constant 32 : index
        %get3A_865 = tpu.vector_load %arg6[%get3A_862, %get3A_863, %get3A_864] {strides = array<i32>} : memref<8x50x128xf32, #tpu.memory_space<vmem>>, vector<1x1x16xf32>,
        %get3A_866 = vector.shape_cast %get3A_865 : vector<1x1x16xf32> to vector<16xf32>
        %add3A_867 = arith.addf %add3A_807, %get3A_866 : vector<16xf32>
        %get3A_868 = arith.constant 5 : i32
        %get3A_869 = arith.index_cast %get3A_868 : i32 to index
        %get3A_870 = arith.index_cast %add3A_846 : i32 to index
        %get3A_871 = arith.constant 48 : index
        %get3A_872 = tpu.vector_load %arg6[%get3A_869, %get3A_870, %get3A_871] {strides = array<i32>} : memref<8x50x128xf32, #tpu.memory_space<vmem>>, vector<1x1x16xf32>,
        %get3A_873 = vector.shape_cast %get3A_872 : vector<1x1x16xf32> to vector<16xf32>
        %add3A_874 = arith.addf %add3A_814, %get3A_873 : vector<16xf32>
        %get3A_875 = arith.constant 5 : i32
        %get3A_876 = arith.index_cast %get3A_875 : i32 to index
        %get3A_877 = arith.index_cast %add3A_846 : i32 to index
        %get3A_878 = arith.constant 64 : index
        %get3A_879 = tpu.vector_load %arg6[%get3A_876, %get3A_877, %get3A_878] {strides = array<i32>} : memref<8x50x128xf32, #tpu.memory_space<vmem>>, vector<1x1x16xf32>,
        %get3A_880 = vector.shape_cast %get3A_879 : vector<1x1x16xf32> to vector<16xf32>
        %add3A_881 = arith.addf %add3A_821, %get3A_880 : vector<16xf32>
        %get3A_882 = arith.constant 5 : i32
        %get3A_883 = arith.index_cast %get3A_882 : i32 to index
        %get3A_884 = arith.index_cast %add3A_846 : i32 to index
        %get3A_885 = arith.constant 80 : index
        %get3A_886 = tpu.vector_load %arg6[%get3A_883, %get3A_884, %get3A_885] {strides = array<i32>} : memref<8x50x128xf32, #tpu.memory_space<vmem>>, vector<1x1x16xf32>,
        %get3A_887 = vector.shape_cast %get3A_886 : vector<1x1x16xf32> to vector<16xf32>
        %add3A_888 = arith.addf %add3A_828, %get3A_887 : vector<16xf32>
        %get3A_889 = arith.constant 5 : i32
        %get3A_890 = arith.index_cast %get3A_889 : i32 to index
        %get3A_891 = arith.index_cast %add3A_846 : i32 to index
        %get3A_892 = arith.constant 96 : index
        %get3A_893 = tpu.vector_load %arg6[%get3A_890, %get3A_891, %get3A_892] {strides = array<i32>} : memref<8x50x128xf32, #tpu.memory_space<vmem>>, vector<1x1x16xf32>,
        %get3A_894 = vector.shape_cast %get3A_893 : vector<1x1x16xf32> to vector<16xf32>
        %add3A_895 = arith.addf %add3A_835, %get3A_894 : vector<16xf32>
        %get3A_896 = arith.constant 5 : i32
        %get3A_897 = arith.index_cast %get3A_896 : i32 to index
        %get3A_898 = arith.index_cast %add3A_846 : i32 to index
        %get3A_899 = arith.constant 112 : index
        %get3A_900 = tpu.vector_load %arg6[%get3A_897, %get3A_898, %get3A_899] {strides = array<i32>} : memref<8x50x128xf32, #tpu.memory_space<vmem>>, vector<1x1x16xf32>,
        %get3A_901 = vector.shape_cast %get3A_900 : vector<1x1x16xf32> to vector<16xf32>
        %add3A_902 = arith.addf %add3A_842, %get3A_901 : vector<16xf32>
        scf.yield %add3A_853, %add3A_860, %add3A_867, %add3A_874, %add3A_881, %add3A_888, %add3A_895, %add3A_902 : vector<16xf32>, vector<16xf32>, vector<16xf32>, vector<16xf32>, vector<16xf32>, vector<16xf32>, vector<16xf32>, vector<16xf32>
      }
      %scan3A_562 = arith.constant 25 : i32
      %swap3A_563 = arith.index_cast %add3A_520 : i32 to index
      %swap3A_564 = arith.constant 0 : index
      %swap3A_565 = tpu.vector_load %arg7[%swap3A_563, %swap3A_564] {strides = array<i32>} : memref<128x128xf32, #tpu.memory_space<vmem>>, vector<1x16xf32>,
      %swap3A_566 = vector.shape_cast %swap3A_565 : vector<1x16xf32> to vector<16xf32>
      %swap3A_567 = vector.shape_cast %scan3A_561#0 : vector<16xf32> to vector<1x16xf32>
      tpu.vector_store %arg7[%swap3A_563, %swap3A_564], %swap3A_567 {strides = array<i32>} : memref<128x128xf32, #tpu.memory_space<vmem>>, vector<1x16xf32>,
      %swap3A_568 = arith.index_cast %add3A_520 : i32 to index
      %swap3A_569 = arith.constant 16 : index
      %swap3A_570 = tpu.vector_load %arg7[%swap3A_568, %swap3A_569] {strides = array<i32>} : memref<128x128xf32, #tpu.memory_space<vmem>>, vector<1x16xf32>,
      %swap3A_571 = vector.shape_cast %swap3A_570 : vector<1x16xf32> to vector<16xf32>
      %swap3A_572 = vector.shape_cast %scan3A_561#1 : vector<16xf32> to vector<1x16xf32>
      tpu.vector_store %arg7[%swap3A_568, %swap3A_569], %swap3A_572 {strides = array<i32>} : memref<128x128xf32, #tpu.memory_space<vmem>>, vector<1x16xf32>,
      %swap3A_573 = arith.index_cast %add3A_520 : i32 to index
      %swap3A_574 = arith.constant 32 : index
      %swap3A_575 = tpu.vector_load %arg7[%swap3A_573, %swap3A_574] {strides = array<i32>} : memref<128x128xf32, #tpu.memory_space<vmem>>, vector<1x16xf32>,
      %swap3A_576 = vector.shape_cast %swap3A_575 : vector<1x16xf32> to vector<16xf32>
      %swap3A_577 = vector.shape_cast %scan3A_561#2 : vector<16xf32> to vector<1x16xf32>
      tpu.vector_store %arg7[%swap3A_573, %swap3A_574], %swap3A_577 {strides = array<i32>} : memref<128x128xf32, #tpu.memory_space<vmem>>, vector<1x16xf32>,
      %swap3A_578 = arith.index_cast %add3A_520 : i32 to index
      %swap3A_579 = arith.constant 48 : index
      %swap3A_580 = tpu.vector_load %arg7[%swap3A_578, %swap3A_579] {strides = array<i32>} : memref<128x128xf32, #tpu.memory_space<vmem>>, vector<1x16xf32>,
      %swap3A_581 = vector.shape_cast %swap3A_580 : vector<1x16xf32> to vector<16xf32>
      %swap3A_582 = vector.shape_cast %scan3A_561#3 : vector<16xf32> to vector<1x16xf32>
      tpu.vector_store %arg7[%swap3A_578, %swap3A_579], %swap3A_582 {strides = array<i32>} : memref<128x128xf32, #tpu.memory_space<vmem>>, vector<1x16xf32>,
      %swap3A_583 = arith.index_cast %add3A_520 : i32 to index
      %swap3A_584 = arith.constant 64 : index
      %swap3A_585 = tpu.vector_load %arg7[%swap3A_583, %swap3A_584] {strides = array<i32>} : memref<128x128xf32, #tpu.memory_space<vmem>>, vector<1x16xf32>,
      %swap3A_586 = vector.shape_cast %swap3A_585 : vector<1x16xf32> to vector<16xf32>
      %swap3A_587 = vector.shape_cast %scan3A_561#4 : vector<16xf32> to vector<1x16xf32>
      tpu.vector_store %arg7[%swap3A_583, %swap3A_584], %swap3A_587 {strides = array<i32>} : memref<128x128xf32, #tpu.memory_space<vmem>>, vector<1x16xf32>,
      %swap3A_588 = arith.index_cast %add3A_520 : i32 to index
      %swap3A_589 = arith.constant 80 : index
      %swap3A_590 = tpu.vector_load %arg7[%swap3A_588, %swap3A_589] {strides = array<i32>} : memref<128x128xf32, #tpu.memory_space<vmem>>, vector<1x16xf32>,
      %swap3A_591 = vector.shape_cast %swap3A_590 : vector<1x16xf32> to vector<16xf32>
      %swap3A_592 = vector.shape_cast %scan3A_561#5 : vector<16xf32> to vector<1x16xf32>
      tpu.vector_store %arg7[%swap3A_588, %swap3A_589], %swap3A_592 {strides = array<i32>} : memref<128x128xf32, #tpu.memory_space<vmem>>, vector<1x16xf32>,
      %swap3A_593 = arith.index_cast %add3A_520 : i32 to index
      %swap3A_594 = arith.constant 96 : index
      %swap3A_595 = tpu.vector_load %arg7[%swap3A_593, %swap3A_594] {strides = array<i32>} : memref<128x128xf32, #tpu.memory_space<vmem>>, vector<1x16xf32>,
      %swap3A_596 = vector.shape_cast %swap3A_595 : vector<1x16xf32> to vector<16xf32>
      %swap3A_597 = vector.shape_cast %scan3A_561#6 : vector<16xf32> to vector<1x16xf32>
      tpu.vector_store %arg7[%swap3A_593, %swap3A_594], %swap3A_597 {strides = array<i32>} : memref<128x128xf32, #tpu.memory_space<vmem>>, vector<1x16xf32>,
      %swap3A_598 = arith.index_cast %add3A_520 : i32 to index
      %swap3A_599 = arith.constant 112 : index
      %swap3A_600 = tpu.vector_load %arg7[%swap3A_598, %swap3A_599] {strides = array<i32>} : memref<128x128xf32, #tpu.memory_space<vmem>>, vector<1x16xf32>,
      %swap3A_601 = vector.shape_cast %swap3A_600 : vector<1x16xf32> to vector<16xf32>
      %swap3A_602 = vector.shape_cast %scan3A_561#7 : vector<16xf32> to vector<1x16xf32>
      tpu.vector_store %arg7[%swap3A_598, %swap3A_599], %swap3A_602 {strides = array<i32>} : memref<128x128xf32, #tpu.memory_space<vmem>>, vector<1x16xf32>,
      %mul3A_603 = arith.constant 8 : i32
      %mul3A_604 = arith.muli %scan3A_93, %mul3A_603 : i32
      %add3A_605 = arith.constant 6 : i32
      %add3A_606 = arith.addi %mul3A_604, %add3A_605 : i32
      %dma_wait3A_607 = arith.constant 6 : i32
      %dma_wait3A_608 = arith.constant 0 : i32
      %dma_wait3A_609 = arith.constant 0 : i32
      %dma_wait3A_610 = tpu.memref_slice %arg6[%dma_wait3A_607, %dma_wait3A_608, %dma_wait3A_609] : memref<8x50x128xf32, #tpu.memory_space<vmem>> -> memref<1x50x128xf32, #tpu.memory_space<vmem>>
      %dma_wait3A_611 = tpu.memref_squeeze %dma_wait3A_610 : memref<1x50x128xf32, #tpu.memory_space<vmem>> -> memref<50x128xf32, #tpu.memory_space<vmem>>
      %dma_wait3A_612 = arith.constant 0 : i32
      %dma_wait3A_613 = tpu.memref_slice %arg5[%add3A_606, %dma_wait3A_612] : memref<128x50xi32, #tpu.memory_space<vmem>> -> memref<1x50xi32, #tpu.memory_space<vmem>>
      %dma_wait3A_614 = tpu.memref_squeeze %dma_wait3A_613 : memref<1x50xi32, #tpu.memory_space<vmem>> -> memref<50xi32, #tpu.memory_space<vmem>>
      %dma_wait3A_615 = arith.constant 0 : i32
      %dma_wait3A_616 = arith.constant 0 : i32
      %dma_wait3A_617 = tpu.memref_slice %arg3[%dma_wait3A_615, %dma_wait3A_616] : memref<100000x128xf32, #tpu.memory_space<hbm>> -> memref<100000x128xf32, #tpu.memory_space<hbm>>
      tpu.wait_indirect_dma semaphore(%arg14 : memref<!tpu.dma_semaphore, #tpu.memory_space<semaphore_mem>>) src(%dma_wait3A_617 : memref<100000x128xf32, #tpu.memory_space<hbm>>) dst(%dma_wait3A_611 : memref<50x128xf32, #tpu.memory_space<vmem>>)
      %add3A_618 = arith.constant 8 : i32
      %add3A_619 = arith.addi %add3A_606, %add3A_618 : i32
      %sub3A_620 = arith.constant 1 : i32
      %sub3A_621 = arith.subi %add3A_619, %sub3A_620 : i32
      %lt3A_622 = arith.constant 128 : i32
      %lt3A_623 = arith.cmpi slt, %sub3A_621, %lt3A_622 : i32
      %convert_element_type3A_624 = arith.extui %lt3A_623 : i1 to i32
      %cond3A_625 = arith.constant 0 : i32
      %cond3A_626 = arith.cmpi ne, %convert_element_type3A_624, %cond3A_625 : i32
      scf.if %cond3A_626 {
        %add3A_775 = arith.constant 8 : i32
        %add3A_776 = arith.addi %add3A_606, %add3A_775 : i32
        %sub3A_777 = arith.constant 1 : i32
        %sub3A_778 = arith.subi %add3A_776, %sub3A_777 : i32
        %dma_start3A_779 = arith.constant 5 : i32
        %dma_start3A_780 = arith.constant 0 : i32
        %dma_start3A_781 = arith.constant 0 : i32
        %dma_start3A_782 = tpu.memref_slice %arg6[%dma_start3A_779, %dma_start3A_780, %dma_start3A_781] : memref<8x50x128xf32, #tpu.memory_space<vmem>> -> memref<1x50x128xf32, #tpu.memory_space<vmem>>
        %dma_start3A_783 = tpu.memref_squeeze %dma_start3A_782 : memref<1x50x128xf32, #tpu.memory_space<vmem>> -> memref<50x128xf32, #tpu.memory_space<vmem>>
        %dma_start3A_784 = arith.constant 0 : i32
        %dma_start3A_785 = tpu.memref_slice %arg5[%sub3A_778, %dma_start3A_784] : memref<128x50xi32, #tpu.memory_space<vmem>> -> memref<1x50xi32, #tpu.memory_space<vmem>>
        %dma_start3A_786 = tpu.memref_squeeze %dma_start3A_785 : memref<1x50xi32, #tpu.memory_space<vmem>> -> memref<50xi32, #tpu.memory_space<vmem>>
        %dma_start3A_787 = arith.constant 0 : i32
        %dma_start3A_788 = arith.constant 0 : i32
        %dma_start3A_789 = tpu.memref_slice %arg3[%dma_start3A_787, %dma_start3A_788] : memref<100000x128xf32, #tpu.memory_space<hbm>> -> memref<100000x128xf32, #tpu.memory_space<hbm>>
        tpu.enqueue_indirect_dma source(%dma_start3A_789 : memref<100000x128xf32, #tpu.memory_space<hbm>>) target(%dma_start3A_783 : memref<50x128xf32, #tpu.memory_space<vmem>>) offsets(%dma_start3A_786 : memref<50xi32, #tpu.memory_space<vmem>>) semaphore(%arg13 : memref<!tpu.dma_semaphore, #tpu.memory_space<semaphore_mem>>)
      } else {
      }
      %broadcast_in_dim3A_627 = arith.constant 0.000000e+00 : f32
      %broadcast_in_dim3A_628 = vector.broadcast %broadcast_in_dim3A_627 : f32 to vector<16xf32>
      %broadcast_in_dim3A_629 = arith.constant 0.000000e+00 : f32
      %broadcast_in_dim3A_630 = vector.broadcast %broadcast_in_dim3A_629 : f32 to vector<16xf32>
      %broadcast_in_dim3A_631 = arith.constant 0.000000e+00 : f32
      %broadcast_in_dim3A_632 = vector.broadcast %broadcast_in_dim3A_631 : f32 to vector<16xf32>
      %broadcast_in_dim3A_633 = arith.constant 0.000000e+00 : f32
      %broadcast_in_dim3A_634 = vector.broadcast %broadcast_in_dim3A_633 : f32 to vector<16xf32>
      %broadcast_in_dim3A_635 = arith.constant 0.000000e+00 : f32
      %broadcast_in_dim3A_636 = vector.broadcast %broadcast_in_dim3A_635 : f32 to vector<16xf32>
      %broadcast_in_dim3A_637 = arith.constant 0.000000e+00 : f32
      %broadcast_in_dim3A_638 = vector.broadcast %broadcast_in_dim3A_637 : f32 to vector<16xf32>
      %broadcast_in_dim3A_639 = arith.constant 0.000000e+00 : f32
      %broadcast_in_dim3A_640 = vector.broadcast %broadcast_in_dim3A_639 : f32 to vector<16xf32>
      %broadcast_in_dim3A_641 = arith.constant 0.000000e+00 : f32
      %broadcast_in_dim3A_642 = vector.broadcast %broadcast_in_dim3A_641 : f32 to vector<16xf32>
      %scan3A_643 = arith.constant 0 : i32
      %scan3A_644 = arith.constant 25 : i32
      %scan3A_645 = arith.addi %scan3A_643, %scan3A_644 : i32
      %scan3A_646 = arith.constant 1 : i32
      %scan3A_647:8 = scf.for %scan3A_775 = %scan3A_643 to %scan3A_645 step %scan3A_646 iter_args(%scan3A_776 = %broadcast_in_dim3A_628, %scan3A_777 = %broadcast_in_dim3A_630, %scan3A_778 = %broadcast_in_dim3A_632, %scan3A_779 = %broadcast_in_dim3A_634, %scan3A_780 = %broadcast_in_dim3A_636, %scan3A_781 = %broadcast_in_dim3A_638, %scan3A_782 = %broadcast_in_dim3A_640, %scan3A_783 = %broadcast_in_dim3A_642) -> (vector<16xf32>, vector<16xf32>, vector<16xf32>, vector<16xf32>, vector<16xf32>, vector<16xf32>, vector<16xf32>, vector<16xf32>)  : i32 {
        %mul3A_784 = arith.constant 2 : i32
        %mul3A_785 = arith.muli %mul3A_784, %scan3A_775 : i32
        %add3A_786 = arith.constant 0 : i32
        %add3A_787 = arith.addi %mul3A_785, %add3A_786 : i32
        %get3A = arith.constant 6 : i32
        %get3A_788 = arith.index_cast %get3A : i32 to index
        %get3A_789 = arith.index_cast %add3A_787 : i32 to index
        %get3A_790 = arith.constant 0 : index
        %get3A_791 = tpu.vector_load %arg6[%get3A_788, %get3A_789, %get3A_790] {strides = array<i32>} : memref<8x50x128xf32, #tpu.memory_space<vmem>>, vector<1x1x16xf32>,
        %get3A_792 = vector.shape_cast %get3A_791 : vector<1x1x16xf32> to vector<16xf32>
        %add3A_793 = arith.addf %scan3A_776, %get3A_792 : vector<16xf32>
        %get3A_794 = arith.constant 6 : i32
        %get3A_795 = arith.index_cast %get3A_794 : i32 to index
        %get3A_796 = arith.index_cast %add3A_787 : i32 to index
        %get3A_797 = arith.constant 16 : index
        %get3A_798 = tpu.vector_load %arg6[%get3A_795, %get3A_796, %get3A_797] {strides = array<i32>} : memref<8x50x128xf32, #tpu.memory_space<vmem>>, vector<1x1x16xf32>,
        %get3A_799 = vector.shape_cast %get3A_798 : vector<1x1x16xf32> to vector<16xf32>
        %add3A_800 = arith.addf %scan3A_777, %get3A_799 : vector<16xf32>
        %get3A_801 = arith.constant 6 : i32
        %get3A_802 = arith.index_cast %get3A_801 : i32 to index
        %get3A_803 = arith.index_cast %add3A_787 : i32 to index
        %get3A_804 = arith.constant 32 : index
        %get3A_805 = tpu.vector_load %arg6[%get3A_802, %get3A_803, %get3A_804] {strides = array<i32>} : memref<8x50x128xf32, #tpu.memory_space<vmem>>, vector<1x1x16xf32>,
        %get3A_806 = vector.shape_cast %get3A_805 : vector<1x1x16xf32> to vector<16xf32>
        %add3A_807 = arith.addf %scan3A_778, %get3A_806 : vector<16xf32>
        %get3A_808 = arith.constant 6 : i32
        %get3A_809 = arith.index_cast %get3A_808 : i32 to index
        %get3A_810 = arith.index_cast %add3A_787 : i32 to index
        %get3A_811 = arith.constant 48 : index
        %get3A_812 = tpu.vector_load %arg6[%get3A_809, %get3A_810, %get3A_811] {strides = array<i32>} : memref<8x50x128xf32, #tpu.memory_space<vmem>>, vector<1x1x16xf32>,
        %get3A_813 = vector.shape_cast %get3A_812 : vector<1x1x16xf32> to vector<16xf32>
        %add3A_814 = arith.addf %scan3A_779, %get3A_813 : vector<16xf32>
        %get3A_815 = arith.constant 6 : i32
        %get3A_816 = arith.index_cast %get3A_815 : i32 to index
        %get3A_817 = arith.index_cast %add3A_787 : i32 to index
        %get3A_818 = arith.constant 64 : index
        %get3A_819 = tpu.vector_load %arg6[%get3A_816, %get3A_817, %get3A_818] {strides = array<i32>} : memref<8x50x128xf32, #tpu.memory_space<vmem>>, vector<1x1x16xf32>,
        %get3A_820 = vector.shape_cast %get3A_819 : vector<1x1x16xf32> to vector<16xf32>
        %add3A_821 = arith.addf %scan3A_780, %get3A_820 : vector<16xf32>
        %get3A_822 = arith.constant 6 : i32
        %get3A_823 = arith.index_cast %get3A_822 : i32 to index
        %get3A_824 = arith.index_cast %add3A_787 : i32 to index
        %get3A_825 = arith.constant 80 : index
        %get3A_826 = tpu.vector_load %arg6[%get3A_823, %get3A_824, %get3A_825] {strides = array<i32>} : memref<8x50x128xf32, #tpu.memory_space<vmem>>, vector<1x1x16xf32>,
        %get3A_827 = vector.shape_cast %get3A_826 : vector<1x1x16xf32> to vector<16xf32>
        %add3A_828 = arith.addf %scan3A_781, %get3A_827 : vector<16xf32>
        %get3A_829 = arith.constant 6 : i32
        %get3A_830 = arith.index_cast %get3A_829 : i32 to index
        %get3A_831 = arith.index_cast %add3A_787 : i32 to index
        %get3A_832 = arith.constant 96 : index
        %get3A_833 = tpu.vector_load %arg6[%get3A_830, %get3A_831, %get3A_832] {strides = array<i32>} : memref<8x50x128xf32, #tpu.memory_space<vmem>>, vector<1x1x16xf32>,
        %get3A_834 = vector.shape_cast %get3A_833 : vector<1x1x16xf32> to vector<16xf32>
        %add3A_835 = arith.addf %scan3A_782, %get3A_834 : vector<16xf32>
        %get3A_836 = arith.constant 6 : i32
        %get3A_837 = arith.index_cast %get3A_836 : i32 to index
        %get3A_838 = arith.index_cast %add3A_787 : i32 to index
        %get3A_839 = arith.constant 112 : index
        %get3A_840 = tpu.vector_load %arg6[%get3A_837, %get3A_838, %get3A_839] {strides = array<i32>} : memref<8x50x128xf32, #tpu.memory_space<vmem>>, vector<1x1x16xf32>,
        %get3A_841 = vector.shape_cast %get3A_840 : vector<1x1x16xf32> to vector<16xf32>
        %add3A_842 = arith.addf %scan3A_783, %get3A_841 : vector<16xf32>
        %mul3A_843 = arith.constant 2 : i32
        %mul3A_844 = arith.muli %mul3A_843, %scan3A_775 : i32
        %add3A_845 = arith.constant 1 : i32
        %add3A_846 = arith.addi %mul3A_844, %add3A_845 : i32
        %get3A_847 = arith.constant 6 : i32
        %get3A_848 = arith.index_cast %get3A_847 : i32 to index
        %get3A_849 = arith.index_cast %add3A_846 : i32 to index
        %get3A_850 = arith.constant 0 : index
        %get3A_851 = tpu.vector_load %arg6[%get3A_848, %get3A_849, %get3A_850] {strides = array<i32>} : memref<8x50x128xf32, #tpu.memory_space<vmem>>, vector<1x1x16xf32>,
        %get3A_852 = vector.shape_cast %get3A_851 : vector<1x1x16xf32> to vector<16xf32>
        %add3A_853 = arith.addf %add3A_793, %get3A_852 : vector<16xf32>
        %get3A_854 = arith.constant 6 : i32
        %get3A_855 = arith.index_cast %get3A_854 : i32 to index
        %get3A_856 = arith.index_cast %add3A_846 : i32 to index
        %get3A_857 = arith.constant 16 : index
        %get3A_858 = tpu.vector_load %arg6[%get3A_855, %get3A_856, %get3A_857] {strides = array<i32>} : memref<8x50x128xf32, #tpu.memory_space<vmem>>, vector<1x1x16xf32>,
        %get3A_859 = vector.shape_cast %get3A_858 : vector<1x1x16xf32> to vector<16xf32>
        %add3A_860 = arith.addf %add3A_800, %get3A_859 : vector<16xf32>
        %get3A_861 = arith.constant 6 : i32
        %get3A_862 = arith.index_cast %get3A_861 : i32 to index
        %get3A_863 = arith.index_cast %add3A_846 : i32 to index
        %get3A_864 = arith.constant 32 : index
        %get3A_865 = tpu.vector_load %arg6[%get3A_862, %get3A_863, %get3A_864] {strides = array<i32>} : memref<8x50x128xf32, #tpu.memory_space<vmem>>, vector<1x1x16xf32>,
        %get3A_866 = vector.shape_cast %get3A_865 : vector<1x1x16xf32> to vector<16xf32>
        %add3A_867 = arith.addf %add3A_807, %get3A_866 : vector<16xf32>
        %get3A_868 = arith.constant 6 : i32
        %get3A_869 = arith.index_cast %get3A_868 : i32 to index
        %get3A_870 = arith.index_cast %add3A_846 : i32 to index
        %get3A_871 = arith.constant 48 : index
        %get3A_872 = tpu.vector_load %arg6[%get3A_869, %get3A_870, %get3A_871] {strides = array<i32>} : memref<8x50x128xf32, #tpu.memory_space<vmem>>, vector<1x1x16xf32>,
        %get3A_873 = vector.shape_cast %get3A_872 : vector<1x1x16xf32> to vector<16xf32>
        %add3A_874 = arith.addf %add3A_814, %get3A_873 : vector<16xf32>
        %get3A_875 = arith.constant 6 : i32
        %get3A_876 = arith.index_cast %get3A_875 : i32 to index
        %get3A_877 = arith.index_cast %add3A_846 : i32 to index
        %get3A_878 = arith.constant 64 : index
        %get3A_879 = tpu.vector_load %arg6[%get3A_876, %get3A_877, %get3A_878] {strides = array<i32>} : memref<8x50x128xf32, #tpu.memory_space<vmem>>, vector<1x1x16xf32>,
        %get3A_880 = vector.shape_cast %get3A_879 : vector<1x1x16xf32> to vector<16xf32>
        %add3A_881 = arith.addf %add3A_821, %get3A_880 : vector<16xf32>
        %get3A_882 = arith.constant 6 : i32
        %get3A_883 = arith.index_cast %get3A_882 : i32 to index
        %get3A_884 = arith.index_cast %add3A_846 : i32 to index
        %get3A_885 = arith.constant 80 : index
        %get3A_886 = tpu.vector_load %arg6[%get3A_883, %get3A_884, %get3A_885] {strides = array<i32>} : memref<8x50x128xf32, #tpu.memory_space<vmem>>, vector<1x1x16xf32>,
        %get3A_887 = vector.shape_cast %get3A_886 : vector<1x1x16xf32> to vector<16xf32>
        %add3A_888 = arith.addf %add3A_828, %get3A_887 : vector<16xf32>
        %get3A_889 = arith.constant 6 : i32
        %get3A_890 = arith.index_cast %get3A_889 : i32 to index
        %get3A_891 = arith.index_cast %add3A_846 : i32 to index
        %get3A_892 = arith.constant 96 : index
        %get3A_893 = tpu.vector_load %arg6[%get3A_890, %get3A_891, %get3A_892] {strides = array<i32>} : memref<8x50x128xf32, #tpu.memory_space<vmem>>, vector<1x1x16xf32>,
        %get3A_894 = vector.shape_cast %get3A_893 : vector<1x1x16xf32> to vector<16xf32>
        %add3A_895 = arith.addf %add3A_835, %get3A_894 : vector<16xf32>
        %get3A_896 = arith.constant 6 : i32
        %get3A_897 = arith.index_cast %get3A_896 : i32 to index
        %get3A_898 = arith.index_cast %add3A_846 : i32 to index
        %get3A_899 = arith.constant 112 : index
        %get3A_900 = tpu.vector_load %arg6[%get3A_897, %get3A_898, %get3A_899] {strides = array<i32>} : memref<8x50x128xf32, #tpu.memory_space<vmem>>, vector<1x1x16xf32>,
        %get3A_901 = vector.shape_cast %get3A_900 : vector<1x1x16xf32> to vector<16xf32>
        %add3A_902 = arith.addf %add3A_842, %get3A_901 : vector<16xf32>
        scf.yield %add3A_853, %add3A_860, %add3A_867, %add3A_874, %add3A_881, %add3A_888, %add3A_895, %add3A_902 : vector<16xf32>, vector<16xf32>, vector<16xf32>, vector<16xf32>, vector<16xf32>, vector<16xf32>, vector<16xf32>, vector<16xf32>
      }
      %scan3A_648 = arith.constant 25 : i32
      %swap3A_649 = arith.index_cast %add3A_606 : i32 to index
      %swap3A_650 = arith.constant 0 : index
      %swap3A_651 = tpu.vector_load %arg7[%swap3A_649, %swap3A_650] {strides = array<i32>} : memref<128x128xf32, #tpu.memory_space<vmem>>, vector<1x16xf32>,
      %swap3A_652 = vector.shape_cast %swap3A_651 : vector<1x16xf32> to vector<16xf32>
      %swap3A_653 = vector.shape_cast %scan3A_647#0 : vector<16xf32> to vector<1x16xf32>
      tpu.vector_store %arg7[%swap3A_649, %swap3A_650], %swap3A_653 {strides = array<i32>} : memref<128x128xf32, #tpu.memory_space<vmem>>, vector<1x16xf32>,
      %swap3A_654 = arith.index_cast %add3A_606 : i32 to index
      %swap3A_655 = arith.constant 16 : index
      %swap3A_656 = tpu.vector_load %arg7[%swap3A_654, %swap3A_655] {strides = array<i32>} : memref<128x128xf32, #tpu.memory_space<vmem>>, vector<1x16xf32>,
      %swap3A_657 = vector.shape_cast %swap3A_656 : vector<1x16xf32> to vector<16xf32>
      %swap3A_658 = vector.shape_cast %scan3A_647#1 : vector<16xf32> to vector<1x16xf32>
      tpu.vector_store %arg7[%swap3A_654, %swap3A_655], %swap3A_658 {strides = array<i32>} : memref<128x128xf32, #tpu.memory_space<vmem>>, vector<1x16xf32>,
      %swap3A_659 = arith.index_cast %add3A_606 : i32 to index
      %swap3A_660 = arith.constant 32 : index
      %swap3A_661 = tpu.vector_load %arg7[%swap3A_659, %swap3A_660] {strides = array<i32>} : memref<128x128xf32, #tpu.memory_space<vmem>>, vector<1x16xf32>,
      %swap3A_662 = vector.shape_cast %swap3A_661 : vector<1x16xf32> to vector<16xf32>
      %swap3A_663 = vector.shape_cast %scan3A_647#2 : vector<16xf32> to vector<1x16xf32>
      tpu.vector_store %arg7[%swap3A_659, %swap3A_660], %swap3A_663 {strides = array<i32>} : memref<128x128xf32, #tpu.memory_space<vmem>>, vector<1x16xf32>,
      %swap3A_664 = arith.index_cast %add3A_606 : i32 to index
      %swap3A_665 = arith.constant 48 : index
      %swap3A_666 = tpu.vector_load %arg7[%swap3A_664, %swap3A_665] {strides = array<i32>} : memref<128x128xf32, #tpu.memory_space<vmem>>, vector<1x16xf32>,
      %swap3A_667 = vector.shape_cast %swap3A_666 : vector<1x16xf32> to vector<16xf32>
      %swap3A_668 = vector.shape_cast %scan3A_647#3 : vector<16xf32> to vector<1x16xf32>
      tpu.vector_store %arg7[%swap3A_664, %swap3A_665], %swap3A_668 {strides = array<i32>} : memref<128x128xf32, #tpu.memory_space<vmem>>, vector<1x16xf32>,
      %swap3A_669 = arith.index_cast %add3A_606 : i32 to index
      %swap3A_670 = arith.constant 64 : index
      %swap3A_671 = tpu.vector_load %arg7[%swap3A_669, %swap3A_670] {strides = array<i32>} : memref<128x128xf32, #tpu.memory_space<vmem>>, vector<1x16xf32>,
      %swap3A_672 = vector.shape_cast %swap3A_671 : vector<1x16xf32> to vector<16xf32>
      %swap3A_673 = vector.shape_cast %scan3A_647#4 : vector<16xf32> to vector<1x16xf32>
      tpu.vector_store %arg7[%swap3A_669, %swap3A_670], %swap3A_673 {strides = array<i32>} : memref<128x128xf32, #tpu.memory_space<vmem>>, vector<1x16xf32>,
      %swap3A_674 = arith.index_cast %add3A_606 : i32 to index
      %swap3A_675 = arith.constant 80 : index
      %swap3A_676 = tpu.vector_load %arg7[%swap3A_674, %swap3A_675] {strides = array<i32>} : memref<128x128xf32, #tpu.memory_space<vmem>>, vector<1x16xf32>,
      %swap3A_677 = vector.shape_cast %swap3A_676 : vector<1x16xf32> to vector<16xf32>
      %swap3A_678 = vector.shape_cast %scan3A_647#5 : vector<16xf32> to vector<1x16xf32>
      tpu.vector_store %arg7[%swap3A_674, %swap3A_675], %swap3A_678 {strides = array<i32>} : memref<128x128xf32, #tpu.memory_space<vmem>>, vector<1x16xf32>,
      %swap3A_679 = arith.index_cast %add3A_606 : i32 to index
      %swap3A_680 = arith.constant 96 : index
      %swap3A_681 = tpu.vector_load %arg7[%swap3A_679, %swap3A_680] {strides = array<i32>} : memref<128x128xf32, #tpu.memory_space<vmem>>, vector<1x16xf32>,
      %swap3A_682 = vector.shape_cast %swap3A_681 : vector<1x16xf32> to vector<16xf32>
      %swap3A_683 = vector.shape_cast %scan3A_647#6 : vector<16xf32> to vector<1x16xf32>
      tpu.vector_store %arg7[%swap3A_679, %swap3A_680], %swap3A_683 {strides = array<i32>} : memref<128x128xf32, #tpu.memory_space<vmem>>, vector<1x16xf32>,
      %swap3A_684 = arith.index_cast %add3A_606 : i32 to index
      %swap3A_685 = arith.constant 112 : index
      %swap3A_686 = tpu.vector_load %arg7[%swap3A_684, %swap3A_685] {strides = array<i32>} : memref<128x128xf32, #tpu.memory_space<vmem>>, vector<1x16xf32>,
      %swap3A_687 = vector.shape_cast %swap3A_686 : vector<1x16xf32> to vector<16xf32>
      %swap3A_688 = vector.shape_cast %scan3A_647#7 : vector<16xf32> to vector<1x16xf32>
      tpu.vector_store %arg7[%swap3A_684, %swap3A_685], %swap3A_688 {strides = array<i32>} : memref<128x128xf32, #tpu.memory_space<vmem>>, vector<1x16xf32>,
      %mul3A_689 = arith.constant 8 : i32
      %mul3A_690 = arith.muli %scan3A_93, %mul3A_689 : i32
      %add3A_691 = arith.constant 7 : i32
      %add3A_692 = arith.addi %mul3A_690, %add3A_691 : i32
      %dma_wait3A_693 = arith.constant 7 : i32
      %dma_wait3A_694 = arith.constant 0 : i32
      %dma_wait3A_695 = arith.constant 0 : i32
      %dma_wait3A_696 = tpu.memref_slice %arg6[%dma_wait3A_693, %dma_wait3A_694, %dma_wait3A_695] : memref<8x50x128xf32, #tpu.memory_space<vmem>> -> memref<1x50x128xf32, #tpu.memory_space<vmem>>
      %dma_wait3A_697 = tpu.memref_squeeze %dma_wait3A_696 : memref<1x50x128xf32, #tpu.memory_space<vmem>> -> memref<50x128xf32, #tpu.memory_space<vmem>>
      %dma_wait3A_698 = arith.constant 0 : i32
      %dma_wait3A_699 = tpu.memref_slice %arg5[%add3A_692, %dma_wait3A_698] : memref<128x50xi32, #tpu.memory_space<vmem>> -> memref<1x50xi32, #tpu.memory_space<vmem>>
      %dma_wait3A_700 = tpu.memref_squeeze %dma_wait3A_699 : memref<1x50xi32, #tpu.memory_space<vmem>> -> memref<50xi32, #tpu.memory_space<vmem>>
      %dma_wait3A_701 = arith.constant 0 : i32
      %dma_wait3A_702 = arith.constant 0 : i32
      %dma_wait3A_703 = tpu.memref_slice %arg3[%dma_wait3A_701, %dma_wait3A_702] : memref<100000x128xf32, #tpu.memory_space<hbm>> -> memref<100000x128xf32, #tpu.memory_space<hbm>>
      tpu.wait_indirect_dma semaphore(%arg15 : memref<!tpu.dma_semaphore, #tpu.memory_space<semaphore_mem>>) src(%dma_wait3A_703 : memref<100000x128xf32, #tpu.memory_space<hbm>>) dst(%dma_wait3A_697 : memref<50x128xf32, #tpu.memory_space<vmem>>)
      %add3A_704 = arith.constant 8 : i32
      %add3A_705 = arith.addi %add3A_692, %add3A_704 : i32
      %sub3A_706 = arith.constant 1 : i32
      %sub3A_707 = arith.subi %add3A_705, %sub3A_706 : i32
      %lt3A_708 = arith.constant 128 : i32
      %lt3A_709 = arith.cmpi slt, %sub3A_707, %lt3A_708 : i32
      %convert_element_type3A_710 = arith.extui %lt3A_709 : i1 to i32
      %cond3A_711 = arith.constant 0 : i32
      %cond3A_712 = arith.cmpi ne, %convert_element_type3A_710, %cond3A_711 : i32
      scf.if %cond3A_712 {
        %add3A_775 = arith.constant 8 : i32
        %add3A_776 = arith.addi %add3A_692, %add3A_775 : i32
        %sub3A_777 = arith.constant 1 : i32
        %sub3A_778 = arith.subi %add3A_776, %sub3A_777 : i32
        %dma_start3A_779 = arith.constant 6 : i32
        %dma_start3A_780 = arith.constant 0 : i32
        %dma_start3A_781 = arith.constant 0 : i32
        %dma_start3A_782 = tpu.memref_slice %arg6[%dma_start3A_779, %dma_start3A_780, %dma_start3A_781] : memref<8x50x128xf32, #tpu.memory_space<vmem>> -> memref<1x50x128xf32, #tpu.memory_space<vmem>>
        %dma_start3A_783 = tpu.memref_squeeze %dma_start3A_782 : memref<1x50x128xf32, #tpu.memory_space<vmem>> -> memref<50x128xf32, #tpu.memory_space<vmem>>
        %dma_start3A_784 = arith.constant 0 : i32
        %dma_start3A_785 = tpu.memref_slice %arg5[%sub3A_778, %dma_start3A_784] : memref<128x50xi32, #tpu.memory_space<vmem>> -> memref<1x50xi32, #tpu.memory_space<vmem>>
        %dma_start3A_786 = tpu.memref_squeeze %dma_start3A_785 : memref<1x50xi32, #tpu.memory_space<vmem>> -> memref<50xi32, #tpu.memory_space<vmem>>
        %dma_start3A_787 = arith.constant 0 : i32
        %dma_start3A_788 = arith.constant 0 : i32
        %dma_start3A_789 = tpu.memref_slice %arg3[%dma_start3A_787, %dma_start3A_788] : memref<100000x128xf32, #tpu.memory_space<hbm>> -> memref<100000x128xf32, #tpu.memory_space<hbm>>
        tpu.enqueue_indirect_dma source(%dma_start3A_789 : memref<100000x128xf32, #tpu.memory_space<hbm>>) target(%dma_start3A_783 : memref<50x128xf32, #tpu.memory_space<vmem>>) offsets(%dma_start3A_786 : memref<50xi32, #tpu.memory_space<vmem>>) semaphore(%arg14 : memref<!tpu.dma_semaphore, #tpu.memory_space<semaphore_mem>>)
      } else {
      }
      %broadcast_in_dim3A_713 = arith.constant 0.000000e+00 : f32
      %broadcast_in_dim3A_714 = vector.broadcast %broadcast_in_dim3A_713 : f32 to vector<16xf32>
      %broadcast_in_dim3A_715 = arith.constant 0.000000e+00 : f32
      %broadcast_in_dim3A_716 = vector.broadcast %broadcast_in_dim3A_715 : f32 to vector<16xf32>
      %broadcast_in_dim3A_717 = arith.constant 0.000000e+00 : f32
      %broadcast_in_dim3A_718 = vector.broadcast %broadcast_in_dim3A_717 : f32 to vector<16xf32>
      %broadcast_in_dim3A_719 = arith.constant 0.000000e+00 : f32
      %broadcast_in_dim3A_720 = vector.broadcast %broadcast_in_dim3A_719 : f32 to vector<16xf32>
      %broadcast_in_dim3A_721 = arith.constant 0.000000e+00 : f32
      %broadcast_in_dim3A_722 = vector.broadcast %broadcast_in_dim3A_721 : f32 to vector<16xf32>
      %broadcast_in_dim3A_723 = arith.constant 0.000000e+00 : f32
      %broadcast_in_dim3A_724 = vector.broadcast %broadcast_in_dim3A_723 : f32 to vector<16xf32>
      %broadcast_in_dim3A_725 = arith.constant 0.000000e+00 : f32
      %broadcast_in_dim3A_726 = vector.broadcast %broadcast_in_dim3A_725 : f32 to vector<16xf32>
      %broadcast_in_dim3A_727 = arith.constant 0.000000e+00 : f32
      %broadcast_in_dim3A_728 = vector.broadcast %broadcast_in_dim3A_727 : f32 to vector<16xf32>
      %scan3A_729 = arith.constant 0 : i32
      %scan3A_730 = arith.constant 25 : i32
      %scan3A_731 = arith.addi %scan3A_729, %scan3A_730 : i32
      %scan3A_732 = arith.constant 1 : i32
      %scan3A_733:8 = scf.for %scan3A_775 = %scan3A_729 to %scan3A_731 step %scan3A_732 iter_args(%scan3A_776 = %broadcast_in_dim3A_714, %scan3A_777 = %broadcast_in_dim3A_716, %scan3A_778 = %broadcast_in_dim3A_718, %scan3A_779 = %broadcast_in_dim3A_720, %scan3A_780 = %broadcast_in_dim3A_722, %scan3A_781 = %broadcast_in_dim3A_724, %scan3A_782 = %broadcast_in_dim3A_726, %scan3A_783 = %broadcast_in_dim3A_728) -> (vector<16xf32>, vector<16xf32>, vector<16xf32>, vector<16xf32>, vector<16xf32>, vector<16xf32>, vector<16xf32>, vector<16xf32>)  : i32 {
        %mul3A_784 = arith.constant 2 : i32
        %mul3A_785 = arith.muli %mul3A_784, %scan3A_775 : i32
        %add3A_786 = arith.constant 0 : i32
        %add3A_787 = arith.addi %mul3A_785, %add3A_786 : i32
        %get3A = arith.constant 7 : i32
        %get3A_788 = arith.index_cast %get3A : i32 to index
        %get3A_789 = arith.index_cast %add3A_787 : i32 to index
        %get3A_790 = arith.constant 0 : index
        %get3A_791 = tpu.vector_load %arg6[%get3A_788, %get3A_789, %get3A_790] {strides = array<i32>} : memref<8x50x128xf32, #tpu.memory_space<vmem>>, vector<1x1x16xf32>,
        %get3A_792 = vector.shape_cast %get3A_791 : vector<1x1x16xf32> to vector<16xf32>
        %add3A_793 = arith.addf %scan3A_776, %get3A_792 : vector<16xf32>
        %get3A_794 = arith.constant 7 : i32
        %get3A_795 = arith.index_cast %get3A_794 : i32 to index
        %get3A_796 = arith.index_cast %add3A_787 : i32 to index
        %get3A_797 = arith.constant 16 : index
        %get3A_798 = tpu.vector_load %arg6[%get3A_795, %get3A_796, %get3A_797] {strides = array<i32>} : memref<8x50x128xf32, #tpu.memory_space<vmem>>, vector<1x1x16xf32>,
        %get3A_799 = vector.shape_cast %get3A_798 : vector<1x1x16xf32> to vector<16xf32>
        %add3A_800 = arith.addf %scan3A_777, %get3A_799 : vector<16xf32>
        %get3A_801 = arith.constant 7 : i32
        %get3A_802 = arith.index_cast %get3A_801 : i32 to index
        %get3A_803 = arith.index_cast %add3A_787 : i32 to index
        %get3A_804 = arith.constant 32 : index
        %get3A_805 = tpu.vector_load %arg6[%get3A_802, %get3A_803, %get3A_804] {strides = array<i32>} : memref<8x50x128xf32, #tpu.memory_space<vmem>>, vector<1x1x16xf32>,
        %get3A_806 = vector.shape_cast %get3A_805 : vector<1x1x16xf32> to vector<16xf32>
        %add3A_807 = arith.addf %scan3A_778, %get3A_806 : vector<16xf32>
        %get3A_808 = arith.constant 7 : i32
        %get3A_809 = arith.index_cast %get3A_808 : i32 to index
        %get3A_810 = arith.index_cast %add3A_787 : i32 to index
        %get3A_811 = arith.constant 48 : index
        %get3A_812 = tpu.vector_load %arg6[%get3A_809, %get3A_810, %get3A_811] {strides = array<i32>} : memref<8x50x128xf32, #tpu.memory_space<vmem>>, vector<1x1x16xf32>,
        %get3A_813 = vector.shape_cast %get3A_812 : vector<1x1x16xf32> to vector<16xf32>
        %add3A_814 = arith.addf %scan3A_779, %get3A_813 : vector<16xf32>
        %get3A_815 = arith.constant 7 : i32
        %get3A_816 = arith.index_cast %get3A_815 : i32 to index
        %get3A_817 = arith.index_cast %add3A_787 : i32 to index
        %get3A_818 = arith.constant 64 : index
        %get3A_819 = tpu.vector_load %arg6[%get3A_816, %get3A_817, %get3A_818] {strides = array<i32>} : memref<8x50x128xf32, #tpu.memory_space<vmem>>, vector<1x1x16xf32>,
        %get3A_820 = vector.shape_cast %get3A_819 : vector<1x1x16xf32> to vector<16xf32>
        %add3A_821 = arith.addf %scan3A_780, %get3A_820 : vector<16xf32>
        %get3A_822 = arith.constant 7 : i32
        %get3A_823 = arith.index_cast %get3A_822 : i32 to index
        %get3A_824 = arith.index_cast %add3A_787 : i32 to index
        %get3A_825 = arith.constant 80 : index
        %get3A_826 = tpu.vector_load %arg6[%get3A_823, %get3A_824, %get3A_825] {strides = array<i32>} : memref<8x50x128xf32, #tpu.memory_space<vmem>>, vector<1x1x16xf32>,
        %get3A_827 = vector.shape_cast %get3A_826 : vector<1x1x16xf32> to vector<16xf32>
        %add3A_828 = arith.addf %scan3A_781, %get3A_827 : vector<16xf32>
        %get3A_829 = arith.constant 7 : i32
        %get3A_830 = arith.index_cast %get3A_829 : i32 to index
        %get3A_831 = arith.index_cast %add3A_787 : i32 to index
        %get3A_832 = arith.constant 96 : index
        %get3A_833 = tpu.vector_load %arg6[%get3A_830, %get3A_831, %get3A_832] {strides = array<i32>} : memref<8x50x128xf32, #tpu.memory_space<vmem>>, vector<1x1x16xf32>,
        %get3A_834 = vector.shape_cast %get3A_833 : vector<1x1x16xf32> to vector<16xf32>
        %add3A_835 = arith.addf %scan3A_782, %get3A_834 : vector<16xf32>
        %get3A_836 = arith.constant 7 : i32
        %get3A_837 = arith.index_cast %get3A_836 : i32 to index
        %get3A_838 = arith.index_cast %add3A_787 : i32 to index
        %get3A_839 = arith.constant 112 : index
        %get3A_840 = tpu.vector_load %arg6[%get3A_837, %get3A_838, %get3A_839] {strides = array<i32>} : memref<8x50x128xf32, #tpu.memory_space<vmem>>, vector<1x1x16xf32>,
        %get3A_841 = vector.shape_cast %get3A_840 : vector<1x1x16xf32> to vector<16xf32>
        %add3A_842 = arith.addf %scan3A_783, %get3A_841 : vector<16xf32>
        %mul3A_843 = arith.constant 2 : i32
        %mul3A_844 = arith.muli %mul3A_843, %scan3A_775 : i32
        %add3A_845 = arith.constant 1 : i32
        %add3A_846 = arith.addi %mul3A_844, %add3A_845 : i32
        %get3A_847 = arith.constant 7 : i32
        %get3A_848 = arith.index_cast %get3A_847 : i32 to index
        %get3A_849 = arith.index_cast %add3A_846 : i32 to index
        %get3A_850 = arith.constant 0 : index
        %get3A_851 = tpu.vector_load %arg6[%get3A_848, %get3A_849, %get3A_850] {strides = array<i32>} : memref<8x50x128xf32, #tpu.memory_space<vmem>>, vector<1x1x16xf32>,
        %get3A_852 = vector.shape_cast %get3A_851 : vector<1x1x16xf32> to vector<16xf32>
        %add3A_853 = arith.addf %add3A_793, %get3A_852 : vector<16xf32>
        %get3A_854 = arith.constant 7 : i32
        %get3A_855 = arith.index_cast %get3A_854 : i32 to index
        %get3A_856 = arith.index_cast %add3A_846 : i32 to index
        %get3A_857 = arith.constant 16 : index
        %get3A_858 = tpu.vector_load %arg6[%get3A_855, %get3A_856, %get3A_857] {strides = array<i32>} : memref<8x50x128xf32, #tpu.memory_space<vmem>>, vector<1x1x16xf32>,
        %get3A_859 = vector.shape_cast %get3A_858 : vector<1x1x16xf32> to vector<16xf32>
        %add3A_860 = arith.addf %add3A_800, %get3A_859 : vector<16xf32>
        %get3A_861 = arith.constant 7 : i32
        %get3A_862 = arith.index_cast %get3A_861 : i32 to index
        %get3A_863 = arith.index_cast %add3A_846 : i32 to index
        %get3A_864 = arith.constant 32 : index
        %get3A_865 = tpu.vector_load %arg6[%get3A_862, %get3A_863, %get3A_864] {strides = array<i32>} : memref<8x50x128xf32, #tpu.memory_space<vmem>>, vector<1x1x16xf32>,
        %get3A_866 = vector.shape_cast %get3A_865 : vector<1x1x16xf32> to vector<16xf32>
        %add3A_867 = arith.addf %add3A_807, %get3A_866 : vector<16xf32>
        %get3A_868 = arith.constant 7 : i32
        %get3A_869 = arith.index_cast %get3A_868 : i32 to index
        %get3A_870 = arith.index_cast %add3A_846 : i32 to index
        %get3A_871 = arith.constant 48 : index
        %get3A_872 = tpu.vector_load %arg6[%get3A_869, %get3A_870, %get3A_871] {strides = array<i32>} : memref<8x50x128xf32, #tpu.memory_space<vmem>>, vector<1x1x16xf32>,
        %get3A_873 = vector.shape_cast %get3A_872 : vector<1x1x16xf32> to vector<16xf32>
        %add3A_874 = arith.addf %add3A_814, %get3A_873 : vector<16xf32>
        %get3A_875 = arith.constant 7 : i32
        %get3A_876 = arith.index_cast %get3A_875 : i32 to index
        %get3A_877 = arith.index_cast %add3A_846 : i32 to index
        %get3A_878 = arith.constant 64 : index
        %get3A_879 = tpu.vector_load %arg6[%get3A_876, %get3A_877, %get3A_878] {strides = array<i32>} : memref<8x50x128xf32, #tpu.memory_space<vmem>>, vector<1x1x16xf32>,
        %get3A_880 = vector.shape_cast %get3A_879 : vector<1x1x16xf32> to vector<16xf32>
        %add3A_881 = arith.addf %add3A_821, %get3A_880 : vector<16xf32>
        %get3A_882 = arith.constant 7 : i32
        %get3A_883 = arith.index_cast %get3A_882 : i32 to index
        %get3A_884 = arith.index_cast %add3A_846 : i32 to index
        %get3A_885 = arith.constant 80 : index
        %get3A_886 = tpu.vector_load %arg6[%get3A_883, %get3A_884, %get3A_885] {strides = array<i32>} : memref<8x50x128xf32, #tpu.memory_space<vmem>>, vector<1x1x16xf32>,
        %get3A_887 = vector.shape_cast %get3A_886 : vector<1x1x16xf32> to vector<16xf32>
        %add3A_888 = arith.addf %add3A_828, %get3A_887 : vector<16xf32>
        %get3A_889 = arith.constant 7 : i32
        %get3A_890 = arith.index_cast %get3A_889 : i32 to index
        %get3A_891 = arith.index_cast %add3A_846 : i32 to index
        %get3A_892 = arith.constant 96 : index
        %get3A_893 = tpu.vector_load %arg6[%get3A_890, %get3A_891, %get3A_892] {strides = array<i32>} : memref<8x50x128xf32, #tpu.memory_space<vmem>>, vector<1x1x16xf32>,
        %get3A_894 = vector.shape_cast %get3A_893 : vector<1x1x16xf32> to vector<16xf32>
        %add3A_895 = arith.addf %add3A_835, %get3A_894 : vector<16xf32>
        %get3A_896 = arith.constant 7 : i32
        %get3A_897 = arith.index_cast %get3A_896 : i32 to index
        %get3A_898 = arith.index_cast %add3A_846 : i32 to index
        %get3A_899 = arith.constant 112 : index
        %get3A_900 = tpu.vector_load %arg6[%get3A_897, %get3A_898, %get3A_899] {strides = array<i32>} : memref<8x50x128xf32, #tpu.memory_space<vmem>>, vector<1x1x16xf32>,
        %get3A_901 = vector.shape_cast %get3A_900 : vector<1x1x16xf32> to vector<16xf32>
        %add3A_902 = arith.addf %add3A_842, %get3A_901 : vector<16xf32>
        scf.yield %add3A_853, %add3A_860, %add3A_867, %add3A_874, %add3A_881, %add3A_888, %add3A_895, %add3A_902 : vector<16xf32>, vector<16xf32>, vector<16xf32>, vector<16xf32>, vector<16xf32>, vector<16xf32>, vector<16xf32>, vector<16xf32>
      }
      %scan3A_734 = arith.constant 25 : i32
      %swap3A_735 = arith.index_cast %add3A_692 : i32 to index
      %swap3A_736 = arith.constant 0 : index
      %swap3A_737 = tpu.vector_load %arg7[%swap3A_735, %swap3A_736] {strides = array<i32>} : memref<128x128xf32, #tpu.memory_space<vmem>>, vector<1x16xf32>,
      %swap3A_738 = vector.shape_cast %swap3A_737 : vector<1x16xf32> to vector<16xf32>
      %swap3A_739 = vector.shape_cast %scan3A_733#0 : vector<16xf32> to vector<1x16xf32>
      tpu.vector_store %arg7[%swap3A_735, %swap3A_736], %swap3A_739 {strides = array<i32>} : memref<128x128xf32, #tpu.memory_space<vmem>>, vector<1x16xf32>,
      %swap3A_740 = arith.index_cast %add3A_692 : i32 to index
      %swap3A_741 = arith.constant 16 : index
      %swap3A_742 = tpu.vector_load %arg7[%swap3A_740, %swap3A_741] {strides = array<i32>} : memref<128x128xf32, #tpu.memory_space<vmem>>, vector<1x16xf32>,
      %swap3A_743 = vector.shape_cast %swap3A_742 : vector<1x16xf32> to vector<16xf32>
      %swap3A_744 = vector.shape_cast %scan3A_733#1 : vector<16xf32> to vector<1x16xf32>
      tpu.vector_store %arg7[%swap3A_740, %swap3A_741], %swap3A_744 {strides = array<i32>} : memref<128x128xf32, #tpu.memory_space<vmem>>, vector<1x16xf32>,
      %swap3A_745 = arith.index_cast %add3A_692 : i32 to index
      %swap3A_746 = arith.constant 32 : index
      %swap3A_747 = tpu.vector_load %arg7[%swap3A_745, %swap3A_746] {strides = array<i32>} : memref<128x128xf32, #tpu.memory_space<vmem>>, vector<1x16xf32>,
      %swap3A_748 = vector.shape_cast %swap3A_747 : vector<1x16xf32> to vector<16xf32>
      %swap3A_749 = vector.shape_cast %scan3A_733#2 : vector<16xf32> to vector<1x16xf32>
      tpu.vector_store %arg7[%swap3A_745, %swap3A_746], %swap3A_749 {strides = array<i32>} : memref<128x128xf32, #tpu.memory_space<vmem>>, vector<1x16xf32>,
      %swap3A_750 = arith.index_cast %add3A_692 : i32 to index
      %swap3A_751 = arith.constant 48 : index
      %swap3A_752 = tpu.vector_load %arg7[%swap3A_750, %swap3A_751] {strides = array<i32>} : memref<128x128xf32, #tpu.memory_space<vmem>>, vector<1x16xf32>,
      %swap3A_753 = vector.shape_cast %swap3A_752 : vector<1x16xf32> to vector<16xf32>
      %swap3A_754 = vector.shape_cast %scan3A_733#3 : vector<16xf32> to vector<1x16xf32>
      tpu.vector_store %arg7[%swap3A_750, %swap3A_751], %swap3A_754 {strides = array<i32>} : memref<128x128xf32, #tpu.memory_space<vmem>>, vector<1x16xf32>,
      %swap3A_755 = arith.index_cast %add3A_692 : i32 to index
      %swap3A_756 = arith.constant 64 : index
      %swap3A_757 = tpu.vector_load %arg7[%swap3A_755, %swap3A_756] {strides = array<i32>} : memref<128x128xf32, #tpu.memory_space<vmem>>, vector<1x16xf32>,
      %swap3A_758 = vector.shape_cast %swap3A_757 : vector<1x16xf32> to vector<16xf32>
      %swap3A_759 = vector.shape_cast %scan3A_733#4 : vector<16xf32> to vector<1x16xf32>
      tpu.vector_store %arg7[%swap3A_755, %swap3A_756], %swap3A_759 {strides = array<i32>} : memref<128x128xf32, #tpu.memory_space<vmem>>, vector<1x16xf32>,
      %swap3A_760 = arith.index_cast %add3A_692 : i32 to index
      %swap3A_761 = arith.constant 80 : index
      %swap3A_762 = tpu.vector_load %arg7[%swap3A_760, %swap3A_761] {strides = array<i32>} : memref<128x128xf32, #tpu.memory_space<vmem>>, vector<1x16xf32>,
      %swap3A_763 = vector.shape_cast %swap3A_762 : vector<1x16xf32> to vector<16xf32>
      %swap3A_764 = vector.shape_cast %scan3A_733#5 : vector<16xf32> to vector<1x16xf32>
      tpu.vector_store %arg7[%swap3A_760, %swap3A_761], %swap3A_764 {strides = array<i32>} : memref<128x128xf32, #tpu.memory_space<vmem>>, vector<1x16xf32>,
      %swap3A_765 = arith.index_cast %add3A_692 : i32 to index
      %swap3A_766 = arith.constant 96 : index
      %swap3A_767 = tpu.vector_load %arg7[%swap3A_765, %swap3A_766] {strides = array<i32>} : memref<128x128xf32, #tpu.memory_space<vmem>>, vector<1x16xf32>,
      %swap3A_768 = vector.shape_cast %swap3A_767 : vector<1x16xf32> to vector<16xf32>
      %swap3A_769 = vector.shape_cast %scan3A_733#6 : vector<16xf32> to vector<1x16xf32>
      tpu.vector_store %arg7[%swap3A_765, %swap3A_766], %swap3A_769 {strides = array<i32>} : memref<128x128xf32, #tpu.memory_space<vmem>>, vector<1x16xf32>,
      %swap3A_770 = arith.index_cast %add3A_692 : i32 to index
      %swap3A_771 = arith.constant 112 : index
      %swap3A_772 = tpu.vector_load %arg7[%swap3A_770, %swap3A_771] {strides = array<i32>} : memref<128x128xf32, #tpu.memory_space<vmem>>, vector<1x16xf32>,
      %swap3A_773 = vector.shape_cast %swap3A_772 : vector<1x16xf32> to vector<16xf32>
      %swap3A_774 = vector.shape_cast %scan3A_733#7 : vector<16xf32> to vector<1x16xf32>
      tpu.vector_store %arg7[%swap3A_770, %swap3A_771], %swap3A_774 {strides = array<i32>} : memref<128x128xf32, #tpu.memory_space<vmem>>, vector<1x16xf32>,
    }
    %scan3A_90 = arith.constant 16 : i32
    %mul3A_91 = arith.constant 128 : i32
    %mul3A_92 = arith.muli %add3A, %mul3A_91 : i32
    "tpu.region"() ({
      %run_scoped3A = tpu.sem_alloc : memref<!tpu.dma_semaphore, #tpu.memory_space<semaphore_mem>>
      %dma_start3A_93 = arith.constant 0 : i32
      %dma_start3A_94 = tpu.memref_slice %arg4[%mul3A_92, %dma_start3A_93] : memref<4096x128xf32, #tpu.memory_space<hbm>> -> memref<128x128xf32, #tpu.memory_space<hbm>>
      %dma_start3A_95 = arith.constant 0 : i32
      %dma_start3A_96 = tpu.memref_slice %arg4[%mul3A_92, %dma_start3A_95] : memref<4096x128xf32, #tpu.memory_space<hbm>> -> memref<128x128xf32, #tpu.memory_space<hbm>>
      tpu.enqueue_dma source(%arg7 : memref<128x128xf32, #tpu.memory_space<vmem>>) target(%dma_start3A_96 : memref<128x128xf32, #tpu.memory_space<hbm>>) target_semaphore(%run_scoped3A : memref<!tpu.dma_semaphore, #tpu.memory_space<semaphore_mem>>)
      %dma_wait3A = arith.constant 0 : i32
      %dma_wait3A_97 = tpu.memref_slice %arg4[%mul3A_92, %dma_wait3A] : memref<4096x128xf32, #tpu.memory_space<hbm>> -> memref<128x128xf32, #tpu.memory_space<hbm>>
      %dma_wait3A_98 = arith.constant 0 : i32
      %dma_wait3A_99 = tpu.memref_slice %arg4[%mul3A_92, %dma_wait3A_98] : memref<4096x128xf32, #tpu.memory_space<hbm>> -> memref<128x128xf32, #tpu.memory_space<hbm>>
      tpu.wait_dma2 semaphore(%run_scoped3A : memref<!tpu.dma_semaphore, #tpu.memory_space<semaphore_mem>>) src(%arg7 : memref<128x128xf32, #tpu.memory_space<vmem>>) dst(%dma_wait3A_99 : memref<128x128xf32, #tpu.memory_space<hbm>>)
      tpu.yield
    }) : () -> ()
    return
  }
}

module attributes {stable_mosaic.version = 14 : i64} {
  func.func @_mm_body(%arg0: i32, %arg1: memref<200x128xf32, #tpu.memory_space<vmem>>, %arg2: memref<4096x128xf32, #tpu.memory_space<vmem>>, %arg3: memref<200x1xf32, #tpu.memory_space<vmem>>, %arg4: memref<200x4096xf32, #tpu.memory_space<vmem>>) attributes {dimension_semantics = [#tpu.dimension_semantics<arbitrary>], iteration_bounds = array<i64: 5>, scalar_prefetch = 0 : i64, scratch_operands = 0 : i64, tpu.core_type = #tpu.core_type<tc>, window_params = [{transform_indices = @transform_0, window_bounds = array<i64: 200, 128>}, {pipeline_mode = #tpu.pipeline_mode<synchronous>, transform_indices = @transform_1, window_bounds = array<i64: 4096, 128>}, {transform_indices = @transform_2, window_bounds = array<i64: 200, 1>}, {transform_indices = @transform_3, window_bounds = array<i64: 200, 4096>}]} {
    %get3A = arith.constant 0 : index
    %get3A_0 = arith.constant 0 : index
    %get3A_1 = vector.load %arg1[%get3A, %get3A_0] : memref<200x128xf32, #tpu.memory_space<vmem>>, vector<200x128xf32>
    %get3A_2 = arith.constant 0 : index
    %get3A_3 = arith.constant 0 : index
    %get3A_4 = vector.load %arg2[%get3A_2, %get3A_3] : memref<4096x128xf32, #tpu.memory_space<vmem>>, vector<4096x128xf32>
    %dot_general3A = arith.constant dense<0.000000e+00> : vector<200x4096xf32>
    %dot_general3A_5 = tpu.matmul %get3A_1, %get3A_4, %dot_general3A {dimension_numbers = #tpu.dot_dimension_numbers<[1], [1], [0], [0], [0, 0, 1, 0], [], []>, transpose_lhs_hint = false} : vector<200x128xf32>, vector<4096x128xf32>, vector<200x4096xf32> -> vector<200x4096xf32>
    %mul3A = arith.constant 2.000000e-02 : f32
    %mul3A_6 = vector.broadcast %mul3A : f32 to vector<200x4096xf32>
    %mul3A_7 = arith.mulf %dot_general3A_5, %mul3A_6 : vector<200x4096xf32>
    %get3A_8 = arith.constant 0 : index
    %get3A_9 = arith.constant 0 : index
    %get3A_10 = vector.load %arg3[%get3A_8, %get3A_9] : memref<200x1xf32, #tpu.memory_space<vmem>>, vector<200x1xf32>
    %add3A = vector.broadcast %get3A_10 : vector<200x1xf32> to vector<200x4096xf32>
    %add3A_11 = arith.addf %mul3A_7, %add3A : vector<200x4096xf32>
    %swap3A = arith.constant 0 : index
    %swap3A_12 = arith.constant 0 : index
    %swap3A_13 = vector.load %arg4[%swap3A, %swap3A_12] : memref<200x4096xf32, #tpu.memory_space<vmem>>, vector<200x4096xf32>
    tpu.vector_store %arg4[%swap3A, %swap3A_12], %add3A_11 {strides = array<i32>} : memref<200x4096xf32, #tpu.memory_space<vmem>>, vector<200x4096xf32>,
    return
  }
  func.func @transform_0(%arg0: i32) -> (i32, i32) {
    %c0_i32 = arith.constant 0 : i32
    %c0_i32_0 = arith.constant 0 : i32
    return %arg0, %c0_i32 : i32, i32
  }
  func.func @transform_1(%arg0: i32) -> (i32, i32) {
    %c0_i32 = arith.constant 0 : i32
    %c0_i32_0 = arith.constant 0 : i32
    %c0_i32_1 = arith.constant 0 : i32
    return %c0_i32, %c0_i32_0 : i32, i32
  }
  func.func @transform_2(%arg0: i32) -> (i32, i32) {
    %c0_i32 = arith.constant 0 : i32
    %c0_i32_0 = arith.constant 0 : i32
    return %arg0, %c0_i32 : i32, i32
  }
  func.func @transform_3(%arg0: i32) -> (i32, i32) {
    %c0_i32 = arith.constant 0 : i32
    %c0_i32_0 = arith.constant 0 : i32
    return %arg0, %c0_i32 : i32, i32
  }
}

</mosaic_0001>

<sc_bundles>
// kernel: kernel.4.cloned.1.call-start
scs
__scs_entry_jumppad:
0x0: {  	(pc) =	sbr.rel $0x88, $3  }
0x1: {  	(tag) =	ssettag $0x0;
	lr =	simm.s32 $0x1  }
0x2: {  	[smem:$0x3F9D] =	sst lr;
	_ =	strace $0xD0000000  }
0x3: {  	_ = 	snop  }
0x4: {  	_ = 	snop  }
0x5: {  	_ = 	snop  }
0x6: {  	_ = 	snop  }
0x7: {  	_ = 	snop  }
__scs_overlays_trampoline_lowered:
0x8: {  	[smem:$0x3FAC] =	sst s0  }
0x9: {  	[smem:$0x3FAD] =	sst s1  }
0xa: {  	[smem:$0x3FAE] =	sst s2  }
0xb: {  	[smem:$0x3FAF] =	sst s3  }
0xc: {  	[smem:$0x3FB0] =	sst s4  }
0xd: {  	[smem:$0x3FB1] =	sst s5  }
0xe: {  	[smem:$0x3FB2] =	sst s6  }
0xf: {  	[smem:$0x3FB3] =	sst s7  }
0x10: {  	[smem:$0x3FB4] =	sst s8  }
0x11: {  	[smem:$0x3FB5] =	sst s9;
	s0 =	simm.s32 @!p0 $0x0  }
0x12: {  	s1 =	sld [smem:$0x3F9B];
	s0 =	simm.s32 @p0 $0x1  }
0x13: {  	[smem:$0x3FB6] =	sst s0;
	s0 =	simm.s32 @!p1 $0x0  }
0x14: {  	s2 =	sld [smem:$0x3F9A];
	s0 =	simm.s32 @p1 $0x1  }
0x15: {  	[smem:$0x3FB7] =	sst s0;
	s0 =	simm.s32 @!p2 $0x0  }
0x16: {  	s3 =	sld [smem:$0x3FDB];
	s0 =	simm.s32 @p2 $0x1  }
0x17: {  	s4 =	simm.s32 $0x1BF5;
	[smem:$0x3FB9] =	sst s0  }
0x18: {  	s0 =	sld [smem:$0x3F9C];
	_ =	swait.ge [sflag:s4], $0x0  }
0x19: {  	s7 =	sld [smem:$0x3F9D]  }
0x1a: {  	s8 =	sadd.s32 $0xFFFFE003, lr  }
0x1b: {  	s9 =	sadd.s32 $0xFFFFFEF7, lr;
	s5 =	simm.s32 $0xFFFFFFFF;
	p2 =	slt.u32 s8, $0xFFFFF086  }
0x1c: {  	p1 =	slt.u32 s9, $0xF7A;
	s5 =	simm.s32 @!p2 $0x0  }
0x1d: {  	s5 =	simm.s32 @p1 $0x1;
	p0 =	seq.s32 s7, s2  }
0x1e: {  	s7 =	smul.u32 @!p0 $0xF7A, s2;
	p2 =	seq.s32 @!p0 s5, $0x0  }
0x1f: {  	s9 =	smul.u32 $0xF7A, s1;
	s8 =	simm.s32 @!p0 $0x1BF5;
	p2 =	por !p2, p0  }
0x20: {  	[sflag:s8] =	ssyncset.s32 @!p0 $0xFFFFF086;
	s6 =	sadd.s32 @!p0 s3, s7;
	s7 =	simm.s32 @!p0 $0x108  }
0x21: {  	s3 =	sadd.s32 s3, s9;
	s6 =	sadd.s32 @!p0 $0x88, s6;
	s7 =	simm.s32 @p2 $0x1082  }
0x22: {  	[simem:s7], [sflag:s8] =	dma.local @!p0 [hbm:s6], $0xF7A  }
0x23: {  	s9 =	sor.u32 $0xD0000000, s2;
	s6 =	simm.s32 $0x108;
	_ =	swait.ge @!p0 [sflag:s8], $0x0  }
0x24: {  	s3 =	sadd.s32 $0x88, s3;
	s6 =	simm.s32 @!p1 $0x1082;
	[sflag:s4] =	ssyncset.s32 $0xFFFFF086  }
0x25: {  	[simem:s6], [sflag:s4] =	dma.local [hbm:s3], $0xF7A  }
0x26: {  	[smem:$0x3F9D] =	sst s1;
	(tag) =	ssettag s2;
	_ =	strace s9  }
0x27: {  	s1 =	sld [smem:$0x3FAD]  }
0x28: {  	s2 =	sld [smem:$0x3FAE]  }
0x29: {  	s4 =	sld [smem:$0x3FB0]  }
0x2a: {  	p0 =	seq.s32 s5, $0x0;
	s5 =	sld [smem:$0x3FB1]  }
0x2b: {  	s6 =	sld [smem:$0x3FB2]  }
0x2c: {  	s7 =	sld [smem:$0x3FB3]  }
0x2d: {  	s3 =	simm.s32 $0x108;
	s8 =	sld [smem:$0x3FB4]  }
0x2e: {  	s3 =	simm.s32 @!p0 $0x1082;
	s9 =	sld [smem:$0x3FB5]  }
0x2f: {  	lr =	sadd.s32 s0, s3;
	s0 =	sld [smem:$0x3FAC]  }
0x30: {  	s3 =	sld [smem:$0x3FAF]  }
0x31: {  	[smem:$0x3FB8] =	sst s10  }
0x32: {  	s10 =	sld [smem:$0x3FB6];
	_ =	sdelay $0x3  }
0x33: {  	p0 =	seq.s32 s10, $0x1;
	s10 =	sld [smem:$0x3FB8];
	_ =	sdelay $0x3  }
0x34: {  	[smem:$0x3FB8] =	sst s10  }
0x35: {  	s10 =	sld [smem:$0x3FB7];
	_ =	sdelay $0x3  }
0x36: {  	p1 =	seq.s32 s10, $0x1;
	s10 =	sld [smem:$0x3FB8];
	_ =	sdelay $0x3  }
0x37: {  	[smem:$0x3FB8] =	sst s10  }
0x38: {  	s10 =	sld [smem:$0x3FB9]  }
0x39: {  	_ = 	snop;
	(pc) =	sbr.ind lr, $3  }
0x3a: {  	_ = 	snop  }
0x3b: {  	_ = 	snop  }
0x3c: {  	p2 =	seq.s32 s10, $0x1;
	s10 =	sld [smem:$0x3FB8]  }
0x3d: {  	_ =	shalt  }
0x3e: {  	_ =	shalt  }
0x3f: {  	_ =	shalt  }
0x40: {  	_ =	shalt  }
0x41: {  	_ =	shalt  }
0x42: {  	_ =	shalt  }
0x43: {  	_ =	shalt  }
0x44: {  	_ =	shalt  }
0x45: {  	_ =	shalt  }
0x46: {  	_ =	shalt  }
0x47: {  	_ =	shalt  }
0x48: {  	_ =	shalt  }
0x49: {  	_ =	shalt  }
0x4a: {  	_ =	shalt  }
0x4b: {  	_ =	shalt  }
0x4c: {  	_ =	shalt  }
0x4d: {  	_ =	shalt  }
0x4e: {  	_ =	shalt  }
0x4f: {  	_ =	shalt  }
0x50: {  	_ =	shalt  }
0x51: {  	_ =	shalt  }
0x52: {  	_ =	shalt  }
0x53: {  	_ =	shalt  }
0x54: {  	_ =	shalt  }
0x55: {  	_ =	shalt  }
0x56: {  	_ =	shalt  }
0x57: {  	_ =	shalt  }
0x58: {  	_ =	shalt  }
0x59: {  	_ =	shalt  }
0x5a: {  	_ =	shalt  }
0x5b: {  	_ =	shalt  }
0x5c: {  	_ =	shalt  }
0x5d: {  	_ =	shalt  }
0x5e: {  	_ =	shalt  }
0x5f: {  	_ =	shalt  }
0x60: {  	_ =	shalt  }
0x61: {  	_ =	shalt  }
0x62: {  	_ =	shalt  }
0x63: {  	_ =	shalt  }
0x64: {  	_ =	shalt  }
0x65: {  	_ =	shalt  }
0x66: {  	_ =	shalt  }
0x67: {  	_ =	shalt  }
0x68: {  	_ =	shalt  }
0x69: {  	_ =	shalt  }
0x6a: {  	_ =	shalt  }
0x6b: {  	_ =	shalt  }
0x6c: {  	_ =	shalt  }
0x6d: {  	_ =	shalt  }
0x6e: {  	_ =	shalt  }
0x6f: {  	_ =	shalt  }
0x70: {  	_ =	shalt  }
0x71: {  	_ =	shalt  }
0x72: {  	_ =	shalt  }
0x73: {  	_ =	shalt  }
0x74: {  	_ =	shalt  }
0x75: {  	_ =	shalt  }
0x76: {  	_ =	shalt  }
0x77: {  	_ =	shalt  }
0x78: {  	_ =	shalt  }
0x79: {  	_ =	shalt  }
0x7a: {  	_ =	shalt  }
0x7b: {  	_ =	shalt  }
0x7c: {  	_ =	shalt  }
0x7d: {  	_ =	shalt  }
0x7e: {  	_ =	shalt  }
0x7f: {  	_ =	shalt  }
0x80: {  	_ =	shalt  }
0x81: {  	_ =	shalt  }
0x82: {  	_ =	shalt  }
0x83: {  	_ =	shalt  }
0x84: {  	_ =	shalt  }
0x85: {  	_ =	shalt  }
0x86: {  	_ =	shalt  }
0x87: {  	_ =	shalt  }
.Lfunc_end0:
.L_simem_size_0:
called_computation_lowered:
.L_overlay_start_0:
0x88: {  	s2 =	sld [smem:$0x3FD9]  }
0x89: {  	s3 =	sld [smem:$0x3FFE];
	_ =	sdelay $0x1  }
0x8a: {  	s1 =	srdreg.scid  }
0x8b: {  	s0 =	sand.u32 $0x1, s1  }
0x8c: {  	s17 =	sshll.u32 s0, $0xA;
	s2 =	sadd.s32 s3, s2  }
0x8d: {  	s2 =	sadd.s32 s2, s17  }
0x8e: {  	[smem:$0x3FC4] =	sst s2  }
0x8f: {  	_ = 	snop  }
0x90: {  	s2 =	sld [smem:$0x3FC8]  }
0x91: {  	s18 =	sld [smem:$0x3FD0];
	(tm) =	ssettm $0x1  }
0x92: {  	s4 =	sld [smem:$0x3FFB];
	_ =	sdelay $0x3  }
0x93: {  	_ =	strace s4  }
0x94: {  	s4 =	sld [smem:$0x3FFC];
	_ =	sdelay $0x3  }
0x95: {  	_ =	strace s4  }
0x96: {  	s4 =	sld [smem:$0x3FFD];
	_ =	sdelay $0x3  }
0x97: {  	_ =	strace s4  }
0x98: {  	_ =	strace $0x8FFFFFFF  }
0x99: {  	s19 =	sld [smem:$0x3FDB];
	_ =	sdelay $0x1  }
0x9a: {  	s5 =	simm.s32 $_scs_section_size  }
0x9b: {  	s6 =	simm.s32 $_size__tile_overlayer_lowered;
	s7 =	simm.s32 $_tile_overlayer_lowered  }
0x9c: {  	s22 =	simm.s32 $0x1BFF;
	s21 =	sshll.u32 s7, $0x1;
	s4 =	sadd.s32 s5, s19  }
0x9d: {  	s8 =	simm.s32 $0x0;
	s20 =	sshll.u32 s6, $0x1;
	s6 =	sadd.s32 s21, s4  }
0x9e: {  	[timem:s8], [sflag:s22] =	dma.local [hbm:s6], s20  }
0x9f: {  	_ =	swait.ge [sflag:s22], s20  }
0xa0: {  	s5 =	ssub.s32 $0x0, s20;
	[sflag:s22] =	ssyncset.done $0x0  }
0xa1: {  	[sflag:s22] =	ssyncadd.s32 s5;
	_ =	sdelay $0x1  }
0xa2: {  	s23 =	simm.s32 $0x1B8B  }
0xa3: {  	_ =	swait.ge [sflag:s23], $0x1  }
0xa4: {  	[sflag:s23] =	ssyncset.done $0x0  }
0xa5: {  	s25 =	simm.s32 $0x1B8E;
	s24 =	sld [smem:$0x3FFE];
	[sflag:s23] =	ssyncadd.s32 $0xFFFFFFFF  }
0xa6: {  	s26 =	simm.s32 $execute0_lowered;
	[smem:$0x3FD2] =	sst s25  }
0xa7: {  	s6 =	sshll.u32 s26, $0x1;
	_ =	strace $0x80000046;
	[dreg:$0x1] =	wrdreg $0xFFFFFFFF  }
0xa8: {  	s28 =	simm.s32 $_size_execute0_lowered;
	s4 =	sadd.s32 s4, s6;
	[dreg:$0x0] =	wrdreg $0x0  }
0xa9: {  	s6 =	sshll.u32 s28, $0x1;
	[dreg:$0x2] =	wrdreg s4  }
0xaa: {  	[dreg:$0x3] =	wrdreg s6  }
0xab: {  	[dreg:$0x4] =	wrdreg $0xC0  }
0xac: {  	_ =	task [dreg:s8], $0x5FFFF  }
0xad: {  	[dreg:$0x1] =	wrdreg $0xFFFFFFFF  }
0xae: {  	[dreg:$0x0] =	wrdreg $0x60  }
0xaf: {  	[dreg:$0x2] =	wrdreg s18  }
0xb0: {  	[dreg:$0x3] =	wrdreg s2  }
0xb1: {  	[dreg:$0x4] =	wrdreg s24  }
0xb2: {  	[dreg:$0x5] =	wrdreg $0x9  }
0xb3: {  	_ =	task.clear_ibuf [dreg:s8], $0x6FFFF;
	_ =	strace $0x90000046  }
0xb4: {  	s29 =	simm.s32 $0x9;
	_ =	strace $0x80000048  }
0xb5: {  	_ =	swait.ge [sflag:s29], $0x1  }
0xb6: {  	[sflag:s29] =	ssyncadd.s32 $0xFFFFFFFF  }
0xb7: {  	_ =	strace $0x90000048  }
0xb8: {  	_ =	sfence  }
0xb9: {  	s30 =	sld [smem:$0x0];
	_ =	sdelay $0x2  }
0xba: {  	s31 =	sshll.u32 s1, $0xD;
	s1 =	sshrl.u32 s1, $0x2  }
0xbb: {  	s3 =	sand.u32 $0x4000, s31;
	s1 =	sadd.s32 s1, s30  }
0xbc: {  	s0 =	sor.u32 s3, s0;
	s1 =	sshll.u32 s1, $0x11  }
0xbd: {  	s0 =	sor.u32 s1, s0  }
0xbe: {  	s0 =	sadd.s32 $0x8F2B, s0  }
0xbf: {  	[sflag:s0] =	ssyncadd.remote.s32 $0x1  }
0xc0: {  	_ =	sfence.sel $0xFFFF  }
0xc1: {  	[dreg:$0x0] =	wrdreg $0xFFFFFFFF;
	(pc) =	sbr.abs _section_cstart, $3  }
0xc2: {  	[dreg:$0x1] =	wrdreg $0xFFFFFFFF  }
0xc3: {  	_ =	task.clear_ibuf [dreg:s8], $0x2FFFF;
	_ =	strace $0x9FFFFFFF  }
0xc4: {  	(tm) =	ssettm $0x7FFFFFFF  }
0xc5: {  	_ =	shalt  }
tec
execute0_lowered:
.L_overlay_start_1:
0x0: {  	(tag) =	ssettag $0x1  }
0x1: {  	s0 =	rddreg [dreg:$0x0]  }
0x2: {  	s2 =	rddreg [dreg:$0x1]  }
0x3: {  	s1 =	rddreg [dreg:$0x2]  }
0x4: {  	s3 =	srdreg.scid;
	s5 =	stileid.u32  }
0x5: {  	s7 =	simm.s32 $0x9;
	s8 =	simm.s32 $0x32;
	s16 =	simm.s32 $0x200  }
0x6: {  	s17 =	simm.s32 $0xB000;
	s18 =	simm.s32 $0x280;
	s19 =	simm.s32 $0xCC00  }
0x7: {  	s20 =	simm.s32 $0x300;
	s21 =	simm.s32 $0xE800;
	s22 =	simm.s32 $0x1  }
0x8: {  	s23 =	simm.s32 $0x10400;
	s24 =	simm.s32 $0x2;
	s25 =	simm.s32 $0x3  }
0x9: {  	s28 =	simm.s32 $0x5;
	s29 =	simm.s32 $0x6;
	s30 =	simm.s32 $0x7  }
0xa: {  	s31 =	simm.s32 $0x8;
	s4 =	sand.u32 $0x1, s3;
	s3 =	simm.s32 $0x0  }
0xb: {  	s5 =	sshll.u32 s5, $0xC;
	s6 =	sshll.u32 s4, $0xB;
	s4 =	ssub.s32 $0x2, s4  }
0xc: {  	[smem:$0x7FF] =	sst s3;
	s5 =	sor.u32 s6, s5;
	s26 =	sshrl.u32 s4, $0x1  }
0xd: {  	_ =	strace $0x80000047;
	s1 =	sadd.s32 s5, s1;
	s6 =	ssub.s32 s4, s26  }
0xe: {  	s4 =	sadd.s32 s0, s5;
	s26 =	simm.s32 $0x4;
	s0 =	simm.s32 $0x12000  }
0xf: {  	s5 =	sadd.s32 $0xA00, s1;
	s6 =	smax.u32 s6, $0x1;
	s1 =	simm.s32 $0x0  }
.LBB2_1:
0x10: {  	[tilespmem:s3], [sflag:$0x9] =	stream.linear.gather [hbm4b:s4+s3], $0x4000, $0x38;
	[tilespmem:$0x16000] =	vst v63  }
0x11: {  	_ =	swait.ge [sflag:s7], $0x4000  }
0x12: {  	[sflag:s7] =	ssyncset.done $0x0  }
0x13: {  	s9 =	simm.s32 $0x4000;
	[sflag:s7] =	ssyncadd.s32 $0xFFFFC000  }
0x14: {  	[tilespmem:s9], [sflag:$0x1] =	stream.indirect.gather [hbm4b:s2+s8], $0x80, s3, s8, $0xb8;
	[tilespmem:$0x16000] =	vst v63  }
0x15: {  	s11 =	simm.s32 $0x80;
	s10 =	simm.s32 $0x5C00  }
0x16: {  	[tilespmem:s10], [sflag:$0x2] =	stream.indirect.gather [hbm4b:s2+s8], $0x80, s11, s8, $0xb8;
	[tilespmem:$0x16000] =	vst v63  }
0x17: {  	s12 =	simm.s32 $0x100;
	s13 =	simm.s32 $0x7800  }
0x18: {  	[tilespmem:s13], [sflag:$0x3] =	stream.indirect.gather [hbm4b:s2+s8], $0x80, s12, s8, $0xb8;
	[tilespmem:$0x16000] =	vst v63  }
0x19: {  	s14 =	simm.s32 $0x180;
	s15 =	simm.s32 $0x9400  }
0x1a: {  	[tilespmem:s15], [sflag:$0x4] =	stream.indirect.gather [hbm4b:s2+s8], $0x80, s14, s8, $0xb8;
	[tilespmem:$0x16000] =	vst v63  }
0x1b: {  	_ = 	snop  }
0x1c: {  	[tilespmem:s17], [sflag:$0x5] =	stream.indirect.gather [hbm4b:s2+s8], $0x80, s16, s8, $0xb8;
	[tilespmem:$0x16000] =	vst v63  }
0x1d: {  	_ = 	snop  }
0x1e: {  	[tilespmem:s19], [sflag:$0x6] =	stream.indirect.gather [hbm4b:s2+s8], $0x80, s18, s8, $0xb8;
	[tilespmem:$0x16000] =	vst v63  }
0x1f: {  	s9 =	simm.s32 $0x0  }
0x20: {  	[tilespmem:s21], [sflag:$0x7] =	stream.indirect.gather [hbm4b:s2+s8], $0x80, s20, s8, $0xb8;
	[tilespmem:$0x16000] =	vst v63  }
.LBB2_2:
0x21: {  	s12 =	sshll.u32 s9, $0xC;
	_ =	swait.ge [sflag:s22], $0x1900  }
0x22: {  	[sflag:s22] =	ssyncset.done $0x0;
	s10 =	sor.u32 $0xE00, s12  }
0x23: {  	s11 =	simm.s32 $0x0;
	[sflag:s22] =	ssyncadd.s32 $0xFFFFE700;
	s10 =	sshra.s32 s10, $0x2  }
0x24: {  	[tilespmem:s23], [sflag:$0x8] =	stream.indirect.gather [hbm4b:s2+s8], $0x80, s10, s8, $0xb8;
	[tilespmem:$0x16000] =	vst v63  }
0x25: {  	v3 =	vld [tilespmem:s11+$0x4080]  }
0x26: {  	v5 =	vld [tilespmem:s11+$0x4090]  }
0x27: {  	v2 =	vld [tilespmem:s11+$0x40A0]  }
0x28: {  	v4 =	vld [tilespmem:s11+$0x40B0]  }
0x29: {  	v0 =	vld [tilespmem:s11+$0x40C0]  }
0x2a: {  	v1 =	vld [tilespmem:s11+$0x40D0]  }
0x2b: {  	v19 =	vld [tilespmem:s11+$0x4000]  }
0x2c: {  	v20 =	vld [tilespmem:s11+$0x4010]  }
0x2d: {  	v18 =	vld [tilespmem:s11+$0x4020]  }
0x2e: {  	v17 =	vld [tilespmem:s11+$0x4030]  }
0x2f: {  	v10 =	vimm.f32 $0.0e+00;
	v11 =	vimm.f32 $0.0e+00;
	v14 =	vld [tilespmem:s11+$0x4040]  }
0x30: {  	v13 =	vimm.f32 $0.0e+00;
	v12 =	vimm.f32 $0.0e+00;
	v8 =	vimm.f32 $0.0e+00;
	v15 =	vld [tilespmem:s11+$0x4050]  }
0x31: {  	s13 =	simm.s32 $0x400;
	v9 =	vimm.f32 $0.0e+00;
	v7 =	vimm.f32 $0.0e+00;
	v6 =	vimm.f32 $0.0e+00;
	v16 =	vld [tilespmem:s11+$0x4060]  }
.LBB2_3:
0x32: {  	p0 =	sne.s32 s13, $0x6000;
	v10 =	vadd.f32 v19, v10;
	v11 =	vadd.f32 v20, v11;
	v19 =	vld [tilespmem:s11+$0x4070]  }
0x33: {  	v13 =	vadd.f32 v18, v13;
	v12 =	vadd.f32 v17, v12;
	v17 =	vld [tilespmem:s11+$0x40E0]  }
0x34: {  	v10 =	vadd.f32 v3, v10;
	v11 =	vadd.f32 v5, v11;
	v18 =	vld [tilespmem:s11+$0x40F0];
	s11 =	sshra.s32 s13, $0x2  }
0x35: {  	v13 =	vadd.f32 v2, v13;
	v3 =	vld [tilespmem:s11+$0x4080];
	v12 =	vadd.f32 v4, v12  }
0x36: {  	v8 =	vadd.f32 v14, v8;
	v9 =	vadd.f32 v15, v9;
	v5 =	vld [tilespmem:s11+$0x4090]  }
0x37: {  	v7 =	vadd.f32 v16, v7;
	v2 =	vld [tilespmem:s11+$0x40A0];
	v6 =	vadd.f32 v19, v6  }
0x38: {  	v8 =	vadd.f32 v0, v8;
	v9 =	vadd.f32 v1, v9;
	v4 =	vld [tilespmem:s11+$0x40B0]  }
0x39: {  	v7 =	vadd.f32 v17, v7;
	v0 =	vld [tilespmem:s11+$0x40C0];
	v6 =	vadd.f32 v18, v6  }
0x3a: {  	v1 =	vld [tilespmem:s11+$0x40D0]  }
0x3b: {  	v19 =	vld [tilespmem:s11+$0x4000]  }
0x3c: {  	v20 =	vld [tilespmem:s11+$0x4010]  }
.Ltmp0:
0x3d: {  	v18 =	vld [tilespmem:s11+$0x4020];
	(pc) =	sbr.rel @p0 .LBB2_3-.Ltmp0, $4  }
0x3e: {  	v17 =	vld [tilespmem:s11+$0x4030]  }
0x3f: {  	v14 =	vld [tilespmem:s11+$0x4040]  }
0x40: {  	v15 =	vld [tilespmem:s11+$0x4050]  }
0x41: {  	s13 =	sadd.s32 $0x400, s13;
	v16 =	vld [tilespmem:s11+$0x4060]  }
0x42: {  	v10 =	vadd.f32 v19, v10  }
0x43: {  	v11 =	vadd.f32 v20, v11;
	v19 =	vld [tilespmem:s11+$0x4070]  }
0x44: {  	v13 =	vadd.f32 v18, v13;
	v18 =	vld [tilespmem:s11+$0x40E0];
	v3 =	vadd.f32 v3, v10  }
0x45: {  	v10 =	vadd.f32 v17, v12;
	v5 =	vadd.f32 v5, v11;
	v11 =	vld [tilespmem:s11+$0x40F0];
	s11 =	sshra.s32 s12, $0x2  }
0x46: {  	v2 =	vadd.f32 v2, v13;
	v8 =	vadd.f32 v14, v8;
	[tilespmem:s11+$0x12000] =	vst v3  }
0x47: {  	v3 =	vadd.f32 v4, v10;
	v4 =	vadd.f32 v15, v9;
	[tilespmem:s11+$0x12010] =	vst v5  }
0x48: {  	v5 =	vadd.f32 v16, v7;
	v0 =	vadd.f32 v0, v8;
	[tilespmem:s11+$0x12020] =	vst v2  }
0x49: {  	v2 =	vadd.f32 v19, v6;
	v1 =	vadd.f32 v1, v4;
	[tilespmem:s11+$0x12030] =	vst v3  }
0x4a: {  	v3 =	vadd.f32 v18, v5;
	[tilespmem:s11+$0x12040] =	vst v0  }
0x4b: {  	v0 =	vadd.f32 v11, v2;
	[tilespmem:s11+$0x12050] =	vst v1  }
0x4c: {  	[tilespmem:s11+$0x12060] =	vst v3  }
0x4d: {  	[tilespmem:s11+$0x12070] =	vst v0  }
0x4e: {  	p0 =	seq.s32 s9, $0xF;
	_ =	swait.ge [sflag:s24], $0x1900  }
0x4f: {  	s14 =	simm.s32 @!p0 $0x32;
	s12 =	sshra.s32 @!p0 s12, $0x2;
	[sflag:s24] =	ssyncset.done $0x0  }
0x50: {  	s15 =	simm.s32 @!p0 $0x4000;
	s13 =	sadd.s32 @!p0 $0x400, s12;
	[sflag:s24] =	ssyncadd.s32 $0xFFFFE700  }
0x51: {  	[tilespmem:s15], [sflag:$0x1] =	stream.indirect.gather @!p0 [hbm4b:s2+s14], $0x80, s13, s14, $0xb8;
	[tilespmem:$0x16000] =	vst v63  }
0x52: {  	s13 =	simm.s32 $0x0  }
0x53: {  	v2 =	vld [tilespmem:s13+$0x5C80]  }
0x54: {  	v5 =	vld [tilespmem:s13+$0x5C90]  }
0x55: {  	v3 =	vld [tilespmem:s13+$0x5CA0]  }
0x56: {  	v4 =	vld [tilespmem:s13+$0x5CB0]  }
0x57: {  	v0 =	vld [tilespmem:s13+$0x5CC0]  }
0x58: {  	v1 =	vld [tilespmem:s13+$0x5CD0]  }
0x59: {  	v19 =	vld [tilespmem:s13+$0x5C00]  }
0x5a: {  	v20 =	vld [tilespmem:s13+$0x5C10]  }
0x5b: {  	v18 =	vld [tilespmem:s13+$0x5C20]  }
0x5c: {  	v17 =	vld [tilespmem:s13+$0x5C30]  }
0x5d: {  	v13 =	vimm.f32 $0.0e+00;
	v12 =	vimm.f32 $0.0e+00;
	v14 =	vld [tilespmem:s13+$0x5C40]  }
0x5e: {  	v10 =	vimm.f32 $0.0e+00;
	v8 =	vimm.f32 $0.0e+00;
	v9 =	vimm.f32 $0.0e+00;
	v15 =	vld [tilespmem:s13+$0x5C50]  }
0x5f: {  	v7 =	vimm.f32 $0.0e+00;
	v6 =	vimm.f32 $0.0e+00;
	v11 =	vimm.f32 $0.0e+00;
	s14 =	simm.s32 $0x400;
	v16 =	vld [tilespmem:s13+$0x5C60]  }
.LBB2_5:
0x60: {  	p1 =	sne.s32 s14, $0x6000;
	v10 =	vadd.f32 v19, v10;
	v11 =	vadd.f32 v20, v11;
	v19 =	vld [tilespmem:s13+$0x5C70]  }
0x61: {  	v13 =	vadd.f32 v18, v13;
	v12 =	vadd.f32 v17, v12;
	v17 =	vld [tilespmem:s13+$0x5CE0]  }
0x62: {  	v10 =	vadd.f32 v2, v10;
	v11 =	vadd.f32 v5, v11;
	v18 =	vld [tilespmem:s13+$0x5CF0];
	s13 =	sshra.s32 s14, $0x2  }
0x63: {  	v13 =	vadd.f32 v3, v13;
	v2 =	vld [tilespmem:s13+$0x5C80];
	v12 =	vadd.f32 v4, v12  }
0x64: {  	v8 =	vadd.f32 v14, v8;
	v9 =	vadd.f32 v15, v9;
	v5 =	vld [tilespmem:s13+$0x5C90]  }
0x65: {  	v7 =	vadd.f32 v16, v7;
	v3 =	vld [tilespmem:s13+$0x5CA0];
	v6 =	vadd.f32 v19, v6  }
0x66: {  	v8 =	vadd.f32 v0, v8;
	v9 =	vadd.f32 v1, v9;
	v4 =	vld [tilespmem:s13+$0x5CB0]  }
0x67: {  	v7 =	vadd.f32 v17, v7;
	v0 =	vld [tilespmem:s13+$0x5CC0];
	v6 =	vadd.f32 v18, v6  }
0x68: {  	v1 =	vld [tilespmem:s13+$0x5CD0]  }
0x69: {  	v19 =	vld [tilespmem:s13+$0x5C00]  }
0x6a: {  	v20 =	vld [tilespmem:s13+$0x5C10]  }
.Ltmp1:
0x6b: {  	v18 =	vld [tilespmem:s13+$0x5C20];
	(pc) =	sbr.rel @p1 .LBB2_5-.Ltmp1, $4  }
0x6c: {  	v17 =	vld [tilespmem:s13+$0x5C30]  }
0x6d: {  	v14 =	vld [tilespmem:s13+$0x5C40]  }
0x6e: {  	v15 =	vld [tilespmem:s13+$0x5C50]  }
0x6f: {  	s14 =	sadd.s32 $0x400, s14;
	v16 =	vld [tilespmem:s13+$0x5C60]  }
0x70: {  	v10 =	vadd.f32 v19, v10  }
0x71: {  	v11 =	vadd.f32 v20, v11  }
0x72: {  	v19 =	vld [tilespmem:s13+$0x5C70];
	v13 =	vadd.f32 v18, v13;
	v2 =	vadd.f32 v2, v10  }
0x73: {  	v18 =	vld [tilespmem:s13+$0x5CE0];
	v10 =	vadd.f32 v17, v12;
	v5 =	vadd.f32 v5, v11  }
0x74: {  	v11 =	vld [tilespmem:s13+$0x5CF0];
	v3 =	vadd.f32 v3, v13;
	v8 =	vadd.f32 v14, v8;
	[tilespmem:s11+$0x12080] =	vst v2  }
0x75: {  	v2 =	vadd.f32 v4, v10;
	v4 =	vadd.f32 v15, v9;
	[tilespmem:s11+$0x12090] =	vst v5  }
0x76: {  	v5 =	vadd.f32 v16, v7;
	v0 =	vadd.f32 v0, v8;
	[tilespmem:s11+$0x120A0] =	vst v3  }
0x77: {  	v3 =	vadd.f32 v19, v6;
	v1 =	vadd.f32 v1, v4;
	[tilespmem:s11+$0x120B0] =	vst v2  }
0x78: {  	v2 =	vadd.f32 v18, v5;
	[tilespmem:s11+$0x120C0] =	vst v0  }
0x79: {  	v0 =	vadd.f32 v11, v3;
	[tilespmem:s11+$0x120D0] =	vst v1  }
0x7a: {  	[tilespmem:s11+$0x120E0] =	vst v2  }
0x7b: {  	[tilespmem:s11+$0x120F0] =	vst v0  }
0x7c: {  	_ =	swait.ge [sflag:s25], $0x1900  }
0x7d: {  	s14 =	simm.s32 @!p0 $0x32;
	[sflag:s25] =	ssyncset.done $0x0  }
0x7e: {  	s15 =	simm.s32 @!p0 $0x5C00;
	s13 =	sadd.s32 @!p0 $0x480, s12;
	[sflag:s25] =	ssyncadd.s32 $0xFFFFE700  }
0x7f: {  	[tilespmem:s15], [sflag:$0x2] =	stream.indirect.gather @!p0 [hbm4b:s2+s14], $0x80, s13, s14, $0xb8;
	[tilespmem:$0x16000] =	vst v63  }
0x80: {  	s13 =	simm.s32 $0x0  }
0x81: {  	v2 =	vld [tilespmem:s13+$0x7880]  }
0x82: {  	v5 =	vld [tilespmem:s13+$0x7890]  }
0x83: {  	v3 =	vld [tilespmem:s13+$0x78A0]  }
0x84: {  	v4 =	vld [tilespmem:s13+$0x78B0]  }
0x85: {  	v0 =	vld [tilespmem:s13+$0x78C0]  }
0x86: {  	v1 =	vld [tilespmem:s13+$0x78D0]  }
0x87: {  	v19 =	vld [tilespmem:s13+$0x7800]  }
0x88: {  	v20 =	vld [tilespmem:s13+$0x7810]  }
0x89: {  	v18 =	vld [tilespmem:s13+$0x7820]  }
0x8a: {  	v17 =	vld [tilespmem:s13+$0x7830]  }
0x8b: {  	v13 =	vimm.f32 $0.0e+00;
	v12 =	vimm.f32 $0.0e+00;
	v14 =	vld [tilespmem:s13+$0x7840]  }
0x8c: {  	v10 =	vimm.f32 $0.0e+00;
	v8 =	vimm.f32 $0.0e+00;
	v9 =	vimm.f32 $0.0e+00;
	v15 =	vld [tilespmem:s13+$0x7850]  }
0x8d: {  	v7 =	vimm.f32 $0.0e+00;
	v6 =	vimm.f32 $0.0e+00;
	v11 =	vimm.f32 $0.0e+00;
	s14 =	simm.s32 $0x400;
	v16 =	vld [tilespmem:s13+$0x7860]  }
.LBB2_7:
0x8e: {  	p1 =	sne.s32 s14, $0x6000;
	v10 =	vadd.f32 v19, v10;
	v11 =	vadd.f32 v20, v11;
	v19 =	vld [tilespmem:s13+$0x7870]  }
0x8f: {  	v13 =	vadd.f32 v18, v13;
	v12 =	vadd.f32 v17, v12;
	v17 =	vld [tilespmem:s13+$0x78E0]  }
0x90: {  	v10 =	vadd.f32 v2, v10;
	v11 =	vadd.f32 v5, v11;
	v18 =	vld [tilespmem:s13+$0x78F0];
	s13 =	sshra.s32 s14, $0x2  }
0x91: {  	v13 =	vadd.f32 v3, v13;
	v2 =	vld [tilespmem:s13+$0x7880];
	v12 =	vadd.f32 v4, v12  }
0x92: {  	v8 =	vadd.f32 v14, v8;
	v9 =	vadd.f32 v15, v9;
	v5 =	vld [tilespmem:s13+$0x7890]  }
0x93: {  	v7 =	vadd.f32 v16, v7;
	v3 =	vld [tilespmem:s13+$0x78A0];
	v6 =	vadd.f32 v19, v6  }
0x94: {  	v8 =	vadd.f32 v0, v8;
	v9 =	vadd.f32 v1, v9;
	v4 =	vld [tilespmem:s13+$0x78B0]  }
0x95: {  	v7 =	vadd.f32 v17, v7;
	v0 =	vld [tilespmem:s13+$0x78C0];
	v6 =	vadd.f32 v18, v6  }
0x96: {  	v1 =	vld [tilespmem:s13+$0x78D0]  }
0x97: {  	v19 =	vld [tilespmem:s13+$0x7800]  }
0x98: {  	v20 =	vld [tilespmem:s13+$0x7810]  }
.Ltmp2:
0x99: {  	v18 =	vld [tilespmem:s13+$0x7820];
	(pc) =	sbr.rel @p1 .LBB2_7-.Ltmp2, $4  }
0x9a: {  	v17 =	vld [tilespmem:s13+$0x7830]  }
0x9b: {  	v14 =	vld [tilespmem:s13+$0x7840]  }
0x9c: {  	v15 =	vld [tilespmem:s13+$0x7850]  }
0x9d: {  	s14 =	sadd.s32 $0x400, s14;
	v16 =	vld [tilespmem:s13+$0x7860]  }
0x9e: {  	v10 =	vadd.f32 v19, v10  }
0x9f: {  	v11 =	vadd.f32 v20, v11  }
0xa0: {  	v19 =	vld [tilespmem:s13+$0x7870];
	v13 =	vadd.f32 v18, v13;
	v2 =	vadd.f32 v2, v10  }
0xa1: {  	v18 =	vld [tilespmem:s13+$0x78E0];
	v10 =	vadd.f32 v17, v12;
	v5 =	vadd.f32 v5, v11  }
0xa2: {  	v11 =	vld [tilespmem:s13+$0x78F0];
	v3 =	vadd.f32 v3, v13;
	v8 =	vadd.f32 v14, v8;
	[tilespmem:s11+$0x12100] =	vst v2  }
0xa3: {  	v2 =	vadd.f32 v4, v10;
	v4 =	vadd.f32 v15, v9;
	[tilespmem:s11+$0x12110] =	vst v5  }
0xa4: {  	v5 =	vadd.f32 v16, v7;
	v0 =	vadd.f32 v0, v8;
	[tilespmem:s11+$0x12120] =	vst v3  }
0xa5: {  	v3 =	vadd.f32 v19, v6;
	v1 =	vadd.f32 v1, v4;
	[tilespmem:s11+$0x12130] =	vst v2  }
0xa6: {  	v2 =	vadd.f32 v18, v5;
	[tilespmem:s11+$0x12140] =	vst v0  }
0xa7: {  	v0 =	vadd.f32 v11, v3;
	[tilespmem:s11+$0x12150] =	vst v1  }
0xa8: {  	[tilespmem:s11+$0x12160] =	vst v2  }
0xa9: {  	[tilespmem:s11+$0x12170] =	vst v0  }
0xaa: {  	_ =	swait.ge [sflag:s26], $0x1900  }
0xab: {  	s14 =	simm.s32 @!p0 $0x32;
	[sflag:s26] =	ssyncset.done $0x0  }
0xac: {  	s15 =	simm.s32 @!p0 $0x7800;
	s13 =	sadd.s32 @!p0 $0x500, s12;
	[sflag:s26] =	ssyncadd.s32 $0xFFFFE700  }
0xad: {  	[tilespmem:s15], [sflag:$0x3] =	stream.indirect.gather @!p0 [hbm4b:s2+s14], $0x80, s13, s14, $0xb8;
	[tilespmem:$0x16000] =	vst v63  }
0xae: {  	s13 =	simm.s32 $0x0  }
0xaf: {  	v2 =	vld [tilespmem:s13+$0x9480]  }
0xb0: {  	v5 =	vld [tilespmem:s13+$0x9490]  }
0xb1: {  	v3 =	vld [tilespmem:s13+$0x94A0]  }
0xb2: {  	v4 =	vld [tilespmem:s13+$0x94B0]  }
0xb3: {  	v0 =	vld [tilespmem:s13+$0x94C0]  }
0xb4: {  	v1 =	vld [tilespmem:s13+$0x94D0]  }
0xb5: {  	v19 =	vld [tilespmem:s13+$0x9400]  }
0xb6: {  	v20 =	vld [tilespmem:s13+$0x9410]  }
0xb7: {  	v18 =	vld [tilespmem:s13+$0x9420]  }
0xb8: {  	v17 =	vld [tilespmem:s13+$0x9430]  }
0xb9: {  	v13 =	vimm.f32 $0.0e+00;
	v12 =	vimm.f32 $0.0e+00;
	v14 =	vld [tilespmem:s13+$0x9440]  }
0xba: {  	v10 =	vimm.f32 $0.0e+00;
	v8 =	vimm.f32 $0.0e+00;
	v9 =	vimm.f32 $0.0e+00;
	v15 =	vld [tilespmem:s13+$0x9450]  }
0xbb: {  	v7 =	vimm.f32 $0.0e+00;
	v6 =	vimm.f32 $0.0e+00;
	v11 =	vimm.f32 $0.0e+00;
	s14 =	simm.s32 $0x400;
	v16 =	vld [tilespmem:s13+$0x9460]  }
.LBB2_9:
0xbc: {  	p1 =	sne.s32 s14, $0x6000;
	v10 =	vadd.f32 v19, v10;
	v11 =	vadd.f32 v20, v11;
	v19 =	vld [tilespmem:s13+$0x9470]  }
0xbd: {  	v13 =	vadd.f32 v18, v13;
	v12 =	vadd.f32 v17, v12;
	v17 =	vld [tilespmem:s13+$0x94E0]  }
0xbe: {  	v10 =	vadd.f32 v2, v10;
	v11 =	vadd.f32 v5, v11;
	v18 =	vld [tilespmem:s13+$0x94F0];
	s13 =	sshra.s32 s14, $0x2  }
0xbf: {  	v13 =	vadd.f32 v3, v13;
	v2 =	vld [tilespmem:s13+$0x9480];
	v12 =	vadd.f32 v4, v12  }
0xc0: {  	v8 =	vadd.f32 v14, v8;
	v9 =	vadd.f32 v15, v9;
	v5 =	vld [tilespmem:s13+$0x9490]  }
0xc1: {  	v7 =	vadd.f32 v16, v7;
	v3 =	vld [tilespmem:s13+$0x94A0];
	v6 =	vadd.f32 v19, v6  }
0xc2: {  	v8 =	vadd.f32 v0, v8;
	v9 =	vadd.f32 v1, v9;
	v4 =	vld [tilespmem:s13+$0x94B0]  }
0xc3: {  	v7 =	vadd.f32 v17, v7;
	v0 =	vld [tilespmem:s13+$0x94C0];
	v6 =	vadd.f32 v18, v6  }
0xc4: {  	v1 =	vld [tilespmem:s13+$0x94D0]  }
0xc5: {  	v19 =	vld [tilespmem:s13+$0x9400]  }
0xc6: {  	v20 =	vld [tilespmem:s13+$0x9410]  }
.Ltmp3:
0xc7: {  	v18 =	vld [tilespmem:s13+$0x9420];
	(pc) =	sbr.rel @p1 .LBB2_9-.Ltmp3, $4  }
0xc8: {  	v17 =	vld [tilespmem:s13+$0x9430]  }
0xc9: {  	v14 =	vld [tilespmem:s13+$0x9440]  }
0xca: {  	v15 =	vld [tilespmem:s13+$0x9450]  }
0xcb: {  	s14 =	sadd.s32 $0x400, s14;
	v16 =	vld [tilespmem:s13+$0x9460]  }
0xcc: {  	v10 =	vadd.f32 v19, v10  }
0xcd: {  	v11 =	vadd.f32 v20, v11  }
0xce: {  	v19 =	vld [tilespmem:s13+$0x9470];
	v13 =	vadd.f32 v18, v13;
	v2 =	vadd.f32 v2, v10  }
0xcf: {  	v18 =	vld [tilespmem:s13+$0x94E0];
	v10 =	vadd.f32 v17, v12;
	v5 =	vadd.f32 v5, v11  }
0xd0: {  	v11 =	vld [tilespmem:s13+$0x94F0];
	v3 =	vadd.f32 v3, v13;
	v8 =	vadd.f32 v14, v8;
	[tilespmem:s11+$0x12180] =	vst v2  }
0xd1: {  	v2 =	vadd.f32 v4, v10;
	v4 =	vadd.f32 v15, v9;
	[tilespmem:s11+$0x12190] =	vst v5  }
0xd2: {  	v5 =	vadd.f32 v16, v7;
	v0 =	vadd.f32 v0, v8;
	[tilespmem:s11+$0x121A0] =	vst v3  }
0xd3: {  	v3 =	vadd.f32 v19, v6;
	v1 =	vadd.f32 v1, v4;
	[tilespmem:s11+$0x121B0] =	vst v2  }
0xd4: {  	v2 =	vadd.f32 v18, v5;
	[tilespmem:s11+$0x121C0] =	vst v0  }
0xd5: {  	v0 =	vadd.f32 v11, v3;
	[tilespmem:s11+$0x121D0] =	vst v1  }
0xd6: {  	[tilespmem:s11+$0x121E0] =	vst v2  }
0xd7: {  	[tilespmem:s11+$0x121F0] =	vst v0  }
0xd8: {  	_ =	swait.ge [sflag:s28], $0x1900  }
0xd9: {  	s14 =	simm.s32 @!p0 $0x32;
	[sflag:s28] =	ssyncset.done $0x0  }
0xda: {  	s15 =	simm.s32 @!p0 $0x9400;
	s13 =	sadd.s32 @!p0 $0x580, s12;
	[sflag:s28] =	ssyncadd.s32 $0xFFFFE700  }
0xdb: {  	[tilespmem:s15], [sflag:$0x4] =	stream.indirect.gather @!p0 [hbm4b:s2+s14], $0x80, s13, s14, $0xb8;
	[tilespmem:$0x16000] =	vst v63  }
0xdc: {  	s13 =	simm.s32 $0x0  }
0xdd: {  	v2 =	vld [tilespmem:s13+$0xB080]  }
0xde: {  	v5 =	vld [tilespmem:s13+$0xB090]  }
0xdf: {  	v3 =	vld [tilespmem:s13+$0xB0A0]  }
0xe0: {  	v4 =	vld [tilespmem:s13+$0xB0B0]  }
0xe1: {  	v0 =	vld [tilespmem:s13+$0xB0C0]  }
0xe2: {  	v1 =	vld [tilespmem:s13+$0xB0D0]  }
0xe3: {  	v19 =	vld [tilespmem:s13+$0xB000]  }
0xe4: {  	v20 =	vld [tilespmem:s13+$0xB010]  }
0xe5: {  	v18 =	vld [tilespmem:s13+$0xB020]  }
0xe6: {  	v17 =	vld [tilespmem:s13+$0xB030]  }
0xe7: {  	v13 =	vimm.f32 $0.0e+00;
	v12 =	vimm.f32 $0.0e+00;
	v14 =	vld [tilespmem:s13+$0xB040]  }
0xe8: {  	v10 =	vimm.f32 $0.0e+00;
	v8 =	vimm.f32 $0.0e+00;
	v9 =	vimm.f32 $0.0e+00;
	v15 =	vld [tilespmem:s13+$0xB050]  }
0xe9: {  	v7 =	vimm.f32 $0.0e+00;
	v6 =	vimm.f32 $0.0e+00;
	v11 =	vimm.f32 $0.0e+00;
	s14 =	simm.s32 $0x400;
	v16 =	vld [tilespmem:s13+$0xB060]  }
.LBB2_11:
0xea: {  	p1 =	sne.s32 s14, $0x6000;
	v10 =	vadd.f32 v19, v10;
	v11 =	vadd.f32 v20, v11;
	v19 =	vld [tilespmem:s13+$0xB070]  }
0xeb: {  	v13 =	vadd.f32 v18, v13;
	v12 =	vadd.f32 v17, v12;
	v17 =	vld [tilespmem:s13+$0xB0E0]  }
0xec: {  	v10 =	vadd.f32 v2, v10;
	v11 =	vadd.f32 v5, v11;
	v18 =	vld [tilespmem:s13+$0xB0F0];
	s13 =	sshra.s32 s14, $0x2  }
0xed: {  	v13 =	vadd.f32 v3, v13;
	v2 =	vld [tilespmem:s13+$0xB080];
	v12 =	vadd.f32 v4, v12  }
0xee: {  	v8 =	vadd.f32 v14, v8;
	v9 =	vadd.f32 v15, v9;
	v5 =	vld [tilespmem:s13+$0xB090]  }
0xef: {  	v7 =	vadd.f32 v16, v7;
	v3 =	vld [tilespmem:s13+$0xB0A0];
	v6 =	vadd.f32 v19, v6  }
0xf0: {  	v8 =	vadd.f32 v0, v8;
	v9 =	vadd.f32 v1, v9;
	v4 =	vld [tilespmem:s13+$0xB0B0]  }
0xf1: {  	v7 =	vadd.f32 v17, v7;
	v0 =	vld [tilespmem:s13+$0xB0C0];
	v6 =	vadd.f32 v18, v6  }
0xf2: {  	v1 =	vld [tilespmem:s13+$0xB0D0]  }
0xf3: {  	v19 =	vld [tilespmem:s13+$0xB000]  }
0xf4: {  	v20 =	vld [tilespmem:s13+$0xB010]  }
.Ltmp4:
0xf5: {  	v18 =	vld [tilespmem:s13+$0xB020];
	(pc) =	sbr.rel @p1 .LBB2_11-.Ltmp4, $4  }
0xf6: {  	v17 =	vld [tilespmem:s13+$0xB030]  }
0xf7: {  	v14 =	vld [tilespmem:s13+$0xB040]  }
0xf8: {  	v15 =	vld [tilespmem:s13+$0xB050]  }
0xf9: {  	s14 =	sadd.s32 $0x400, s14;
	v16 =	vld [tilespmem:s13+$0xB060]  }
0xfa: {  	v10 =	vadd.f32 v19, v10  }
0xfb: {  	v11 =	vadd.f32 v20, v11  }
0xfc: {  	v19 =	vld [tilespmem:s13+$0xB070];
	v13 =	vadd.f32 v18, v13;
	v2 =	vadd.f32 v2, v10  }
0xfd: {  	v18 =	vld [tilespmem:s13+$0xB0E0];
	v10 =	vadd.f32 v17, v12;
	v5 =	vadd.f32 v5, v11  }
0xfe: {  	v11 =	vld [tilespmem:s13+$0xB0F0];
	v3 =	vadd.f32 v3, v13;
	v8 =	vadd.f32 v14, v8;
	[tilespmem:s11+$0x12200] =	vst v2  }
0xff: {  	v2 =	vadd.f32 v4, v10;
	v4 =	vadd.f32 v15, v9;
	[tilespmem:s11+$0x12210] =	vst v5  }
0x100: {  	v5 =	vadd.f32 v16, v7;
	v0 =	vadd.f32 v0, v8;
	[tilespmem:s11+$0x12220] =	vst v3  }
0x101: {  	v3 =	vadd.f32 v19, v6;
	v1 =	vadd.f32 v1, v4;
	[tilespmem:s11+$0x12230] =	vst v2  }
0x102: {  	v2 =	vadd.f32 v18, v5;
	[tilespmem:s11+$0x12240] =	vst v0  }
0x103: {  	v0 =	vadd.f32 v11, v3;
	[tilespmem:s11+$0x12250] =	vst v1  }
0x104: {  	[tilespmem:s11+$0x12260] =	vst v2  }
0x105: {  	[tilespmem:s11+$0x12270] =	vst v0  }
0x106: {  	_ =	swait.ge [sflag:s29], $0x1900  }
0x107: {  	s14 =	simm.s32 @!p0 $0x32;
	[sflag:s29] =	ssyncset.done $0x0  }
0x108: {  	s15 =	simm.s32 @!p0 $0xB000;
	s13 =	sadd.s32 @!p0 $0x600, s12;
	[sflag:s29] =	ssyncadd.s32 $0xFFFFE700  }
0x109: {  	[tilespmem:s15], [sflag:$0x5] =	stream.indirect.gather @!p0 [hbm4b:s2+s14], $0x80, s13, s14, $0xb8;
	[tilespmem:$0x16000] =	vst v63  }
0x10a: {  	s13 =	simm.s32 $0x0  }
0x10b: {  	v2 =	vld [tilespmem:s13+$0xCC80]  }
0x10c: {  	v5 =	vld [tilespmem:s13+$0xCC90]  }
0x10d: {  	v3 =	vld [tilespmem:s13+$0xCCA0]  }
0x10e: {  	v4 =	vld [tilespmem:s13+$0xCCB0]  }
0x10f: {  	v0 =	vld [tilespmem:s13+$0xCCC0]  }
0x110: {  	v1 =	vld [tilespmem:s13+$0xCCD0]  }
0x111: {  	v19 =	vld [tilespmem:s13+$0xCC00]  }
0x112: {  	v20 =	vld [tilespmem:s13+$0xCC10]  }
0x113: {  	v18 =	vld [tilespmem:s13+$0xCC20]  }
0x114: {  	v17 =	vld [tilespmem:s13+$0xCC30]  }
0x115: {  	v13 =	vimm.f32 $0.0e+00;
	v12 =	vimm.f32 $0.0e+00;
	v14 =	vld [tilespmem:s13+$0xCC40]  }
0x116: {  	v10 =	vimm.f32 $0.0e+00;
	v8 =	vimm.f32 $0.0e+00;
	v9 =	vimm.f32 $0.0e+00;
	v15 =	vld [tilespmem:s13+$0xCC50]  }
0x117: {  	v7 =	vimm.f32 $0.0e+00;
	v6 =	vimm.f32 $0.0e+00;
	v11 =	vimm.f32 $0.0e+00;
	s14 =	simm.s32 $0x400;
	v16 =	vld [tilespmem:s13+$0xCC60]  }
.LBB2_13:
0x118: {  	p1 =	sne.s32 s14, $0x6000;
	v10 =	vadd.f32 v19, v10;
	v11 =	vadd.f32 v20, v11;
	v19 =	vld [tilespmem:s13+$0xCC70]  }
0x119: {  	v13 =	vadd.f32 v18, v13;
	v12 =	vadd.f32 v17, v12;
	v17 =	vld [tilespmem:s13+$0xCCE0]  }
0x11a: {  	v10 =	vadd.f32 v2, v10;
	v11 =	vadd.f32 v5, v11;
	v18 =	vld [tilespmem:s13+$0xCCF0];
	s13 =	sshra.s32 s14, $0x2  }
0x11b: {  	v13 =	vadd.f32 v3, v13;
	v2 =	vld [tilespmem:s13+$0xCC80];
	v12 =	vadd.f32 v4, v12  }
0x11c: {  	v8 =	vadd.f32 v14, v8;
	v9 =	vadd.f32 v15, v9;
	v5 =	vld [tilespmem:s13+$0xCC90]  }
0x11d: {  	v7 =	vadd.f32 v16, v7;
	v3 =	vld [tilespmem:s13+$0xCCA0];
	v6 =	vadd.f32 v19, v6  }
0x11e: {  	v8 =	vadd.f32 v0, v8;
	v9 =	vadd.f32 v1, v9;
	v4 =	vld [tilespmem:s13+$0xCCB0]  }
0x11f: {  	v7 =	vadd.f32 v17, v7;
	v0 =	vld [tilespmem:s13+$0xCCC0];
	v6 =	vadd.f32 v18, v6  }
0x120: {  	v1 =	vld [tilespmem:s13+$0xCCD0]  }
0x121: {  	v19 =	vld [tilespmem:s13+$0xCC00]  }
0x122: {  	v20 =	vld [tilespmem:s13+$0xCC10]  }
.Ltmp5:
0x123: {  	v18 =	vld [tilespmem:s13+$0xCC20];
	(pc) =	sbr.rel @p1 .LBB2_13-.Ltmp5, $4  }
0x124: {  	v17 =	vld [tilespmem:s13+$0xCC30]  }
0x125: {  	v14 =	vld [tilespmem:s13+$0xCC40]  }
0x126: {  	v15 =	vld [tilespmem:s13+$0xCC50]  }
0x127: {  	s14 =	sadd.s32 $0x400, s14;
	v16 =	vld [tilespmem:s13+$0xCC60]  }
0x128: {  	v10 =	vadd.f32 v19, v10  }
0x129: {  	v11 =	vadd.f32 v20, v11  }
0x12a: {  	v19 =	vld [tilespmem:s13+$0xCC70];
	v13 =	vadd.f32 v18, v13;
	v2 =	vadd.f32 v2, v10  }
0x12b: {  	v18 =	vld [tilespmem:s13+$0xCCE0];
	v10 =	vadd.f32 v17, v12;
	v5 =	vadd.f32 v5, v11  }
0x12c: {  	v11 =	vld [tilespmem:s13+$0xCCF0];
	v3 =	vadd.f32 v3, v13;
	v8 =	vadd.f32 v14, v8;
	[tilespmem:s11+$0x12280] =	vst v2  }
0x12d: {  	v2 =	vadd.f32 v4, v10;
	v4 =	vadd.f32 v15, v9;
	[tilespmem:s11+$0x12290] =	vst v5  }
0x12e: {  	v5 =	vadd.f32 v16, v7;
	v0 =	vadd.f32 v0, v8;
	[tilespmem:s11+$0x122A0] =	vst v3  }
0x12f: {  	v3 =	vadd.f32 v19, v6;
	v1 =	vadd.f32 v1, v4;
	[tilespmem:s11+$0x122B0] =	vst v2  }
0x130: {  	v2 =	vadd.f32 v18, v5;
	[tilespmem:s11+$0x122C0] =	vst v0  }
0x131: {  	v0 =	vadd.f32 v11, v3;
	[tilespmem:s11+$0x122D0] =	vst v1  }
0x132: {  	[tilespmem:s11+$0x122E0] =	vst v2  }
0x133: {  	[tilespmem:s11+$0x122F0] =	vst v0  }
0x134: {  	_ =	swait.ge [sflag:s30], $0x1900  }
0x135: {  	s14 =	simm.s32 @!p0 $0x32;
	[sflag:s30] =	ssyncset.done $0x0  }
0x136: {  	s15 =	simm.s32 @!p0 $0xCC00;
	s13 =	sadd.s32 @!p0 $0x680, s12;
	[sflag:s30] =	ssyncadd.s32 $0xFFFFE700  }
0x137: {  	[tilespmem:s15], [sflag:$0x6] =	stream.indirect.gather @!p0 [hbm4b:s2+s14], $0x80, s13, s14, $0xb8;
	[tilespmem:$0x16000] =	vst v63  }
0x138: {  	s13 =	simm.s32 $0x0  }
0x139: {  	v2 =	vld [tilespmem:s13+$0xE880]  }
0x13a: {  	v5 =	vld [tilespmem:s13+$0xE890]  }
0x13b: {  	v3 =	vld [tilespmem:s13+$0xE8A0]  }
0x13c: {  	v4 =	vld [tilespmem:s13+$0xE8B0]  }
0x13d: {  	v0 =	vld [tilespmem:s13+$0xE8C0]  }
0x13e: {  	v1 =	vld [tilespmem:s13+$0xE8D0]  }
0x13f: {  	v19 =	vld [tilespmem:s13+$0xE800]  }
0x140: {  	v20 =	vld [tilespmem:s13+$0xE810]  }
0x141: {  	v18 =	vld [tilespmem:s13+$0xE820]  }
0x142: {  	v17 =	vld [tilespmem:s13+$0xE830]  }
0x143: {  	v13 =	vimm.f32 $0.0e+00;
	v12 =	vimm.f32 $0.0e+00;
	v14 =	vld [tilespmem:s13+$0xE840]  }
0x144: {  	v10 =	vimm.f32 $0.0e+00;
	v8 =	vimm.f32 $0.0e+00;
	v9 =	vimm.f32 $0.0e+00;
	v15 =	vld [tilespmem:s13+$0xE850]  }
0x145: {  	v7 =	vimm.f32 $0.0e+00;
	v6 =	vimm.f32 $0.0e+00;
	v11 =	vimm.f32 $0.0e+00;
	s14 =	simm.s32 $0x400;
	v16 =	vld [tilespmem:s13+$0xE860]  }
.LBB2_15:
0x146: {  	p1 =	sne.s32 s14, $0x6000;
	v10 =	vadd.f32 v19, v10;
	v11 =	vadd.f32 v20, v11;
	v19 =	vld [tilespmem:s13+$0xE870]  }
0x147: {  	v13 =	vadd.f32 v18, v13;
	v12 =	vadd.f32 v17, v12;
	v17 =	vld [tilespmem:s13+$0xE8E0]  }
0x148: {  	v10 =	vadd.f32 v2, v10;
	v11 =	vadd.f32 v5, v11;
	v18 =	vld [tilespmem:s13+$0xE8F0];
	s13 =	sshra.s32 s14, $0x2  }
0x149: {  	v13 =	vadd.f32 v3, v13;
	v2 =	vld [tilespmem:s13+$0xE880];
	v12 =	vadd.f32 v4, v12  }
0x14a: {  	v8 =	vadd.f32 v14, v8;
	v9 =	vadd.f32 v15, v9;
	v5 =	vld [tilespmem:s13+$0xE890]  }
0x14b: {  	v7 =	vadd.f32 v16, v7;
	v3 =	vld [tilespmem:s13+$0xE8A0];
	v6 =	vadd.f32 v19, v6  }
0x14c: {  	v8 =	vadd.f32 v0, v8;
	v9 =	vadd.f32 v1, v9;
	v4 =	vld [tilespmem:s13+$0xE8B0]  }
0x14d: {  	v7 =	vadd.f32 v17, v7;
	v0 =	vld [tilespmem:s13+$0xE8C0];
	v6 =	vadd.f32 v18, v6  }
0x14e: {  	v1 =	vld [tilespmem:s13+$0xE8D0]  }
0x14f: {  	v19 =	vld [tilespmem:s13+$0xE800]  }
0x150: {  	v20 =	vld [tilespmem:s13+$0xE810]  }
.Ltmp6:
0x151: {  	v18 =	vld [tilespmem:s13+$0xE820];
	(pc) =	sbr.rel @p1 .LBB2_15-.Ltmp6, $4  }
0x152: {  	v17 =	vld [tilespmem:s13+$0xE830]  }
0x153: {  	v14 =	vld [tilespmem:s13+$0xE840]  }
0x154: {  	v15 =	vld [tilespmem:s13+$0xE850]  }
0x155: {  	s14 =	sadd.s32 $0x400, s14;
	v16 =	vld [tilespmem:s13+$0xE860]  }
0x156: {  	v10 =	vadd.f32 v19, v10  }
0x157: {  	v11 =	vadd.f32 v20, v11  }
0x158: {  	v19 =	vld [tilespmem:s13+$0xE870];
	v13 =	vadd.f32 v18, v13;
	v2 =	vadd.f32 v2, v10  }
0x159: {  	v18 =	vld [tilespmem:s13+$0xE8E0];
	v10 =	vadd.f32 v17, v12;
	v5 =	vadd.f32 v5, v11  }
0x15a: {  	v11 =	vld [tilespmem:s13+$0xE8F0];
	v3 =	vadd.f32 v3, v13;
	v8 =	vadd.f32 v14, v8;
	[tilespmem:s11+$0x12300] =	vst v2  }
0x15b: {  	v2 =	vadd.f32 v4, v10;
	v4 =	vadd.f32 v15, v9;
	[tilespmem:s11+$0x12310] =	vst v5  }
0x15c: {  	v5 =	vadd.f32 v16, v7;
	v0 =	vadd.f32 v0, v8;
	[tilespmem:s11+$0x12320] =	vst v3  }
0x15d: {  	v3 =	vadd.f32 v19, v6;
	v1 =	vadd.f32 v1, v4;
	[tilespmem:s11+$0x12330] =	vst v2  }
0x15e: {  	v2 =	vadd.f32 v18, v5;
	[tilespmem:s11+$0x12340] =	vst v0  }
0x15f: {  	v0 =	vadd.f32 v11, v3;
	[tilespmem:s11+$0x12350] =	vst v1  }
0x160: {  	[tilespmem:s11+$0x12360] =	vst v2  }
0x161: {  	[tilespmem:s11+$0x12370] =	vst v0  }
0x162: {  	_ =	swait.ge [sflag:s31], $0x1900  }
0x163: {  	s13 =	simm.s32 @!p0 $0xE800;
	[sflag:s31] =	ssyncset.done $0x0  }
0x164: {  	s11 =	sadd.s32 @!p0 $0x700, s12;
	s12 =	simm.s32 @!p0 $0x32;
	[sflag:s31] =	ssyncadd.s32 $0xFFFFE700  }
0x165: {  	[tilespmem:s13], [sflag:$0x7] =	stream.indirect.gather @!p0 [hbm4b:s2+s12], $0x80, s11, s12, $0xb8;
	[tilespmem:$0x16000] =	vst v63  }
0x166: {  	s11 =	simm.s32 $0x0  }
0x167: {  	v2 =	vld [tilespmem:s11+$0x10480]  }
0x168: {  	v5 =	vld [tilespmem:s11+$0x10490]  }
0x169: {  	v3 =	vld [tilespmem:s11+$0x104A0]  }
0x16a: {  	v4 =	vld [tilespmem:s11+$0x104B0]  }
0x16b: {  	v0 =	vld [tilespmem:s11+$0x104C0]  }
0x16c: {  	v1 =	vld [tilespmem:s11+$0x104D0]  }
0x16d: {  	v19 =	vld [tilespmem:s11+$0x10400]  }
0x16e: {  	v20 =	vld [tilespmem:s11+$0x10410]  }
0x16f: {  	v18 =	vld [tilespmem:s11+$0x10420]  }
0x170: {  	v17 =	vld [tilespmem:s11+$0x10430]  }
0x171: {  	v13 =	vimm.f32 $0.0e+00;
	v12 =	vimm.f32 $0.0e+00;
	v14 =	vld [tilespmem:s11+$0x10440]  }
0x172: {  	v10 =	vimm.f32 $0.0e+00;
	v8 =	vimm.f32 $0.0e+00;
	v9 =	vimm.f32 $0.0e+00;
	v15 =	vld [tilespmem:s11+$0x10450]  }
0x173: {  	v7 =	vimm.f32 $0.0e+00;
	v6 =	vimm.f32 $0.0e+00;
	v11 =	vimm.f32 $0.0e+00;
	s12 =	simm.s32 $0x400;
	v16 =	vld [tilespmem:s11+$0x10460]  }
.LBB2_17:
0x174: {  	p0 =	sne.s32 s12, $0x6000;
	v10 =	vadd.f32 v19, v10;
	v11 =	vadd.f32 v20, v11;
	v19 =	vld [tilespmem:s11+$0x10470]  }
0x175: {  	v13 =	vadd.f32 v18, v13;
	v12 =	vadd.f32 v17, v12;
	v17 =	vld [tilespmem:s11+$0x104E0]  }
0x176: {  	v10 =	vadd.f32 v2, v10;
	v11 =	vadd.f32 v5, v11;
	v18 =	vld [tilespmem:s11+$0x104F0];
	s11 =	sshra.s32 s12, $0x2  }
0x177: {  	v13 =	vadd.f32 v3, v13;
	v2 =	vld [tilespmem:s11+$0x10480];
	v12 =	vadd.f32 v4, v12  }
0x178: {  	v8 =	vadd.f32 v14, v8;
	v9 =	vadd.f32 v15, v9;
	v5 =	vld [tilespmem:s11+$0x10490]  }
0x179: {  	v7 =	vadd.f32 v16, v7;
	v3 =	vld [tilespmem:s11+$0x104A0];
	v6 =	vadd.f32 v19, v6  }
0x17a: {  	v8 =	vadd.f32 v0, v8;
	v9 =	vadd.f32 v1, v9;
	v4 =	vld [tilespmem:s11+$0x104B0]  }
0x17b: {  	v7 =	vadd.f32 v17, v7;
	v0 =	vld [tilespmem:s11+$0x104C0];
	v6 =	vadd.f32 v18, v6  }
0x17c: {  	v1 =	vld [tilespmem:s11+$0x104D0]  }
0x17d: {  	v19 =	vld [tilespmem:s11+$0x10400]  }
0x17e: {  	v20 =	vld [tilespmem:s11+$0x10410]  }
.Ltmp7:
0x17f: {  	v18 =	vld [tilespmem:s11+$0x10420];
	(pc) =	sbr.rel @p0 .LBB2_17-.Ltmp7, $4  }
0x180: {  	v17 =	vld [tilespmem:s11+$0x10430]  }
0x181: {  	v14 =	vld [tilespmem:s11+$0x10440]  }
0x182: {  	v15 =	vld [tilespmem:s11+$0x10450]  }
0x183: {  	s12 =	sadd.s32 $0x400, s12;
	v16 =	vld [tilespmem:s11+$0x10460]  }
0x184: {  	v10 =	vadd.f32 v19, v10  }
0x185: {  	v11 =	vadd.f32 v20, v11  }
0x186: {  	v54 =	vld [tilespmem:s11+$0x10470];
	v13 =	vadd.f32 v18, v13;
	v2 =	vadd.f32 v2, v10  }
0x187: {  	v55 =	vld [tilespmem:s11+$0x104E0];
	v56 =	vadd.f32 v17, v12;
	v5 =	vadd.f32 v5, v11  }
0x188: {  	v57 =	vld [tilespmem:s11+$0x104F0];
	v3 =	vadd.f32 v3, v13;
	v8 =	vadd.f32 v14, v8;
	[tilespmem:s10+$0x12000] =	vst v2  }
0x189: {  	s9 =	sadd.s32 $0x1, s9;
	v58 =	vadd.f32 v4, v56;
	v59 =	vadd.f32 v15, v9;
	[tilespmem:s10+$0x12010] =	vst v5  }
0x18a: {  	p0 =	sne.s32 s9, $0x10;
	v60 =	vadd.f32 v16, v7;
	v0 =	vadd.f32 v0, v8;
	[tilespmem:s10+$0x12020] =	vst v3  }
.Ltmp8:
0x18b: {  	v61 =	vadd.f32 v54, v6;
	v1 =	vadd.f32 v1, v59;
	[tilespmem:s10+$0x12030] =	vst v58;
	(pc) =	sbr.rel @p0 .LBB2_2-.Ltmp8, $4  }
0x18c: {  	v62 =	vadd.f32 v55, v60;
	[tilespmem:s10+$0x12040] =	vst v0  }
0x18d: {  	v63 =	vadd.f32 v57, v61;
	[tilespmem:s10+$0x12050] =	vst v1  }
0x18e: {  	[tilespmem:s10+$0x12060] =	vst v62  }
0x18f: {  	[tilespmem:s10+$0x12070] =	vst v63  }
0x190: {  	s1 =	sadd.s32 $0x1, s1  }
0x191: {  	p0 =	sne.s32 s1, s6  }
.Ltmp9:
0x192: {  	_ = 	snop;
	(pc) =	sbr.rel @p0 .LBB2_1-.Ltmp9, $4  }
0x193: {  	[hbm4b:s5+s3] =	stream.linear.scatter [tilespmem:s0], [sflag:$0x9], $0x4000, $0x38;
	[tilespmem:$0x16000] =	vst v63  }
0x194: {  	_ =	swait.ge [sflag:s7], $0x4000  }
0x195: {  	[sflag:s7] =	ssyncset.done $0x0  }
0x196: {  	[sflag:s7] =	ssyncadd.s32 $0xFFFFC000  }
0x197: {  	_ =	sfence.sel $0x180000  }
0x198: {  	[bflag:$0x0] =	sbarrier.arrive $0xFFFF  }
0x199: {  	_ =	strace $0x90000047  }
0x19a: {  	s0 =	stileid.u32;
	[bflag:$0x2] =	sbarrier.arrive $0xFFFF  }
0x19b: {  	p0 =	sne.s32 s0, $0x0;
	s0 =	rddreg [dreg:$0x3]  }
0x19c: {  	s0 =	sadd.s32 @!p0 $0x100000, s0  }
0x19d: {  	[sflag:s0] =	ssyncadd.tile.s32 @!p0 $0x1;
	_ =	shalt  }
.Lfunc_end2:
_tile_overlayer_lowered:
.L_overlay_start_2:
0x19e: {  	(tag) =	ssettag $0x2  }
0x19f: {  	s0 =	rddreg [dreg:$0x0];
	s2 =	stileid.u32  }
0x1a0: {  	s1 =	rddreg [dreg:$0x1];
	p0 =	sne.s32 s2, $0x0  }
0x1a1: {  	s3 =	rddreg [dreg:$0x2];
	[bflag:$0x3] =	sbarrier.arrive $0xFFFF;
	s2 =	simm.s32 @!p0 $0x1C09  }
0x1a2: {  	[timem:s3], [sflag:s2] =	dma.local @!p0 [hbm:s0], s1  }
0x1a3: {  	s0 =	simm.s32 @!p0 $0x9  }
0x1a4: {  	_ =	swait.ge @!p0 [sflag:s0], s1  }
0x1a5: {  	s1 =	ssub.s32 @!p0 $0x0, s1;
	[sflag:s0] =	ssyncset.done @!p0 $0x0  }
0x1a6: {  	[sflag:s0] =	ssyncadd.s32 @!p0 s1  }
0x1a7: {  	[bflag:$0x3] =	sbarrier.arrive $0xFFFF  }
0x1a8: {  	_ =	shalt  }

</sc_bundles>
